<compile_context>
chip_gen: v7x
topology: tpu7x:2x2x1
jax: 0.10.2.dev20260603
libtpu: 0.0.44.dev20260713+nightly
codegen_flags: <defaults>
</compile_context>

<pallas_src>
import math

import jax
import jax.numpy as jnp
from jax import lax
from jax.experimental import pallas as pl
from jax.experimental.pallas import tpu as pltpu
from jax.experimental.pallas import tpu_sc as plsc

D_MODEL = 128
SCALE = math.sqrt(float(D_MODEL))

_INFO = plsc.get_sparse_core_info()
NC = _INFO.num_cores
NS = _INFO.num_subcores
NW = NC * NS
LANES = _INFO.num_lanes

GROWS = 128
G = 1
CHUNK = G * GROWS
NBUF = 7
DEPTH = 5


def _emb_body(x_hbm, table_hbm, out_hbm, idx_v, *scratch):
    bufs = scratch[:NBUF]
    gsem = scratch[NBUF:2 * NBUF]
    osem = scratch[2 * NBUF:]

    n_chunks = x_hbm.shape[1] // G
    wid = lax.axis_index("s") * NC + lax.axis_index("c")
    base = wid * (n_chunks * CHUNK)

    pltpu.sync_copy(x_hbm.at[wid], idx_v)

    def fire_gather(j, b):
        for k in range(G):
            pltpu.async_copy(table_hbm.at[idx_v.at[G * j + k]],
                             bufs[b].at[pl.ds(k * GROWS, GROWS)], gsem[b])

    def wait_gather(j, b):
        for k in range(G):
            pltpu.make_async_copy(table_hbm.at[idx_v.at[G * j + k]],
                                  bufs[b].at[pl.ds(k * GROWS, GROWS)],
                                  gsem[b]).wait()

    def scale_chunk(buf):
        @plsc.parallel_loop(0, CHUNK, step=1, unroll=4)
        def _(r):
            for c in range(D_MODEL // LANES):
                sl = pl.ds(c * LANES, LANES)
                buf[r, sl] = buf[r, sl] * SCALE

    def out_slice(j):
        return out_hbm.at[pl.ds(base + j * CHUNK, CHUNK)]

    for b in range(DEPTH):
        fire_gather(b, b)

    def chunk_step(j, b):
        bp = (b + DEPTH) % NBUF

        @pl.when(j + DEPTH < n_chunks)
        def _():
            @pl.when(j >= NBUF - DEPTH)
            def _():
                jprev = j - (NBUF - DEPTH)
                pltpu.make_async_copy(bufs[bp], out_slice(jprev),
                                      osem[bp]).wait()
            fire_gather(j + DEPTH, bp)

        wait_gather(j, b)
        scale_chunk(bufs[b])
        pltpu.async_copy(bufs[b], out_slice(j), osem[b])

    n_groups = n_chunks // NBUF
    if n_groups > 0:
        def group(g, _):
            for b in range(NBUF):
                chunk_step(g * NBUF + b, b)
            return 0
        lax.fori_loop(0, n_groups, group, 0)

    for j in range(n_groups * NBUF, n_chunks):
        chunk_step(j, j % NBUF)

    for i in range(NBUF):
        j = n_chunks - NBUF + i
        pltpu.make_async_copy(bufs[j % NBUF], out_slice(j),
                              osem[j % NBUF]).wait()


def kernel(x, table):
    bsz, seq = x.shape
    total = bsz * seq
    assert total % (NW * CHUNK) == 0
    n_chunks = total // (NW * CHUNK)

    xw = x.reshape(NW, n_chunks * G, GROWS).astype(jnp.int32)

    mesh = plsc.VectorSubcoreMesh(core_axis_name="c", subcore_axis_name="s")
    run = pl.kernel(
        _emb_body,
        out_type=jax.ShapeDtypeStruct((total, D_MODEL), jnp.float32),
        mesh=mesh,
        scratch_types=(
            [pltpu.VMEM((n_chunks * G, GROWS), jnp.int32)]
            + [pltpu.VMEM((CHUNK, D_MODEL), jnp.float32)] * NBUF
            + [pltpu.SemaphoreType.DMA] * (2 * NBUF)
        ),
    )
    out = run(xw, table)
    return out.reshape(bsz, seq, D_MODEL)

# --- scband reference (transcript-rebuilt; emitter-appended) ---
"""Pipeline reference for scband-transformer-embedding-10840497455336 (READ-ONLY COPY).

The authoritative reference and input builder live on the scoring server;
editing this copy changes nothing except your own understanding.
"""

import math
import jax, jax.numpy as jnp
import numpy as np

VOCAB = 1000000
D_MODEL = 128
BATCH = 1024
SEQ = 200

def setup_inputs(seed: int = 0) -> dict:
    key = jax.random.key(seed)
    k_idx, k_tab = jax.random.split(key)
    x = jax.random.randint(k_idx, (BATCH, SEQ), 0, VOCAB, dtype=jnp.int64 if jax.config.jax_enable_x64 else jnp.int32)
    table = jax.random.normal(k_tab, (VOCAB, D_MODEL), dtype=jnp.float32)
    return {"x": x, "table": table}

def reference(x, table):
    scale = math.sqrt(D_MODEL)
    emb = jnp.take(table, x, axis=0)
    return emb * scale

if __name__ == "__main__":
    import jax
    _d = setup_inputs()
    print(jax.jit(kernel)(*tuple(_d.values())))

</pallas_src>

<mosaic_0001>
#map = affine_map<(d0, d1) -> (0, 0, 0)>
#map1 = affine_map<(d0, d1) -> (0, 0)>
module attributes {stable_mosaic.version = 14 : i64} {
  func.func @_emb_body(%arg0: i32, %arg1: i32, %arg2: memref<32x50x128xi32, #tpu.memory_space<hbm>>, %arg3: memref<1000000x128xf32, #tpu.memory_space<hbm>>, %arg4: memref<204800x128xf32, #tpu.memory_space<hbm>>, %arg5: memref<50x128xi32, #tpu.memory_space<vmem>>, %arg6: memref<128x128xf32, #tpu.memory_space<vmem>>, %arg7: memref<128x128xf32, #tpu.memory_space<vmem>>, %arg8: memref<128x128xf32, #tpu.memory_space<vmem>>, %arg9: memref<128x128xf32, #tpu.memory_space<vmem>>, %arg10: memref<128x128xf32, #tpu.memory_space<vmem>>, %arg11: memref<128x128xf32, #tpu.memory_space<vmem>>, %arg12: memref<128x128xf32, #tpu.memory_space<vmem>>, %arg13: memref<!tpu.dma_semaphore, #tpu.memory_space<semaphore_mem>>, %arg14: memref<!tpu.dma_semaphore, #tpu.memory_space<semaphore_mem>>, %arg15: memref<!tpu.dma_semaphore, #tpu.memory_space<semaphore_mem>>, %arg16: memref<!tpu.dma_semaphore, #tpu.memory_space<semaphore_mem>>, %arg17: memref<!tpu.dma_semaphore, #tpu.memory_space<semaphore_mem>>, %arg18: memref<!tpu.dma_semaphore, #tpu.memory_space<semaphore_mem>>, %arg19: memref<!tpu.dma_semaphore, #tpu.memory_space<semaphore_mem>>, %arg20: memref<!tpu.dma_semaphore, #tpu.memory_space<semaphore_mem>>, %arg21: memref<!tpu.dma_semaphore, #tpu.memory_space<semaphore_mem>>, %arg22: memref<!tpu.dma_semaphore, #tpu.memory_space<semaphore_mem>>, %arg23: memref<!tpu.dma_semaphore, #tpu.memory_space<semaphore_mem>>, %arg24: memref<!tpu.dma_semaphore, #tpu.memory_space<semaphore_mem>>, %arg25: memref<!tpu.dma_semaphore, #tpu.memory_space<semaphore_mem>>, %arg26: memref<!tpu.dma_semaphore, #tpu.memory_space<semaphore_mem>>) attributes {dimension_semantics = [#tpu.dimension_semantics<core_parallel>, #tpu.dimension_semantics<subcore_parallel>], iteration_bounds = array<i64: 2, 16>, scalar_prefetch = 0 : i64, scratch_operands = 22 : i64, tpu.core_type = #tpu.core_type<sc_vector_subcore>, window_params = [{transform_indices = #map}, {transform_indices = #map1}, {transform_indices = #map1}]} {
    %mul3A = arith.constant 2 : i32
    %mul3A_0 = arith.muli %arg1, %mul3A : i32
    %add3A = arith.addi %mul3A_0, %arg0 : i32
    %mul3A_1 = arith.constant 6400 : i32
    %mul3A_2 = arith.muli %add3A, %mul3A_1 : i32
    "tpu.region"() ({
      %run_scoped3A = tpu.sem_alloc : memref<!tpu.dma_semaphore, #tpu.memory_space<semaphore_mem>>
      %dma_start3A_117 = arith.constant 0 : i32
      %dma_start3A_118 = arith.constant 0 : i32
      %dma_start3A_119 = tpu.memref_slice %arg2[%add3A, %dma_start3A_117, %dma_start3A_118] : memref<32x50x128xi32, #tpu.memory_space<hbm>> -> memref<1x50x128xi32, #tpu.memory_space<hbm>>
      %dma_start3A_120 = tpu.memref_squeeze %dma_start3A_119 : memref<1x50x128xi32, #tpu.memory_space<hbm>> -> memref<50x128xi32, #tpu.memory_space<hbm>>
      %dma_start3A_121 = arith.constant 0 : i32
      %dma_start3A_122 = arith.constant 0 : i32
      %dma_start3A_123 = tpu.memref_slice %arg2[%add3A, %dma_start3A_121, %dma_start3A_122] : memref<32x50x128xi32, #tpu.memory_space<hbm>> -> memref<1x50x128xi32, #tpu.memory_space<hbm>>
      %dma_start3A_124 = tpu.memref_squeeze %dma_start3A_123 : memref<1x50x128xi32, #tpu.memory_space<hbm>> -> memref<50x128xi32, #tpu.memory_space<hbm>>
      tpu.enqueue_dma source(%dma_start3A_124 : memref<50x128xi32, #tpu.memory_space<hbm>>) target(%arg5 : memref<50x128xi32, #tpu.memory_space<vmem>>) target_semaphore(%run_scoped3A : memref<!tpu.dma_semaphore, #tpu.memory_space<semaphore_mem>>)
      %dma_wait3A_125 = arith.constant 0 : i32
      %dma_wait3A_126 = arith.constant 0 : i32
      %dma_wait3A_127 = tpu.memref_slice %arg2[%add3A, %dma_wait3A_125, %dma_wait3A_126] : memref<32x50x128xi32, #tpu.memory_space<hbm>> -> memref<1x50x128xi32, #tpu.memory_space<hbm>>
      %dma_wait3A_128 = tpu.memref_squeeze %dma_wait3A_127 : memref<1x50x128xi32, #tpu.memory_space<hbm>> -> memref<50x128xi32, #tpu.memory_space<hbm>>
      %dma_wait3A_129 = arith.constant 0 : i32
      %dma_wait3A_130 = arith.constant 0 : i32
      %dma_wait3A_131 = tpu.memref_slice %arg2[%add3A, %dma_wait3A_129, %dma_wait3A_130] : memref<32x50x128xi32, #tpu.memory_space<hbm>> -> memref<1x50x128xi32, #tpu.memory_space<hbm>>
      %dma_wait3A_132 = tpu.memref_squeeze %dma_wait3A_131 : memref<1x50x128xi32, #tpu.memory_space<hbm>> -> memref<50x128xi32, #tpu.memory_space<hbm>>
      tpu.wait_dma2 semaphore(%run_scoped3A : memref<!tpu.dma_semaphore, #tpu.memory_space<semaphore_mem>>) src(%dma_wait3A_132 : memref<50x128xi32, #tpu.memory_space<hbm>>) dst(%arg5 : memref<50x128xi32, #tpu.memory_space<vmem>>)
      tpu.yield
    }) : () -> ()
    %dma_start3A = arith.constant 0 : i32
    %dma_start3A_3 = arith.constant 0 : i32
    %dma_start3A_4 = arith.constant 0 : i32
    %dma_start3A_5 = tpu.memref_slice %arg6[%dma_start3A_3, %dma_start3A_4] : memref<128x128xf32, #tpu.memory_space<vmem>> -> memref<128x128xf32, #tpu.memory_space<vmem>>
    %dma_start3A_6 = arith.constant 0 : i32
    %dma_start3A_7 = tpu.memref_slice %arg5[%dma_start3A, %dma_start3A_6] : memref<50x128xi32, #tpu.memory_space<vmem>> -> memref<1x128xi32, #tpu.memory_space<vmem>>
    %dma_start3A_8 = tpu.memref_squeeze %dma_start3A_7 : memref<1x128xi32, #tpu.memory_space<vmem>> -> memref<128xi32, #tpu.memory_space<vmem>>
    %dma_start3A_9 = arith.constant 0 : i32
    %dma_start3A_10 = arith.constant 0 : i32
    %dma_start3A_11 = tpu.memref_slice %arg3[%dma_start3A_9, %dma_start3A_10] : memref<1000000x128xf32, #tpu.memory_space<hbm>> -> memref<1000000x128xf32, #tpu.memory_space<hbm>>
    tpu.enqueue_indirect_dma source(%dma_start3A_11 : memref<1000000x128xf32, #tpu.memory_space<hbm>>) target(%dma_start3A_5 : memref<128x128xf32, #tpu.memory_space<vmem>>) offsets(%dma_start3A_8 : memref<128xi32, #tpu.memory_space<vmem>>) semaphore(%arg13 : memref<!tpu.dma_semaphore, #tpu.memory_space<semaphore_mem>>)
    %dma_start3A_12 = arith.constant 1 : i32
    %dma_start3A_13 = arith.constant 0 : i32
    %dma_start3A_14 = arith.constant 0 : i32
    %dma_start3A_15 = tpu.memref_slice %arg7[%dma_start3A_13, %dma_start3A_14] : memref<128x128xf32, #tpu.memory_space<vmem>> -> memref<128x128xf32, #tpu.memory_space<vmem>>
    %dma_start3A_16 = arith.constant 0 : i32
    %dma_start3A_17 = tpu.memref_slice %arg5[%dma_start3A_12, %dma_start3A_16] : memref<50x128xi32, #tpu.memory_space<vmem>> -> memref<1x128xi32, #tpu.memory_space<vmem>>
    %dma_start3A_18 = tpu.memref_squeeze %dma_start3A_17 : memref<1x128xi32, #tpu.memory_space<vmem>> -> memref<128xi32, #tpu.memory_space<vmem>>
    %dma_start3A_19 = arith.constant 0 : i32
    %dma_start3A_20 = arith.constant 0 : i32
    %dma_start3A_21 = tpu.memref_slice %arg3[%dma_start3A_19, %dma_start3A_20] : memref<1000000x128xf32, #tpu.memory_space<hbm>> -> memref<1000000x128xf32, #tpu.memory_space<hbm>>
    tpu.enqueue_indirect_dma source(%dma_start3A_21 : memref<1000000x128xf32, #tpu.memory_space<hbm>>) target(%dma_start3A_15 : memref<128x128xf32, #tpu.memory_space<vmem>>) offsets(%dma_start3A_18 : memref<128xi32, #tpu.memory_space<vmem>>) semaphore(%arg14 : memref<!tpu.dma_semaphore, #tpu.memory_space<semaphore_mem>>)
    %dma_start3A_22 = arith.constant 2 : i32
    %dma_start3A_23 = arith.constant 0 : i32
    %dma_start3A_24 = arith.constant 0 : i32
    %dma_start3A_25 = tpu.memref_slice %arg8[%dma_start3A_23, %dma_start3A_24] : memref<128x128xf32, #tpu.memory_space<vmem>> -> memref<128x128xf32, #tpu.memory_space<vmem>>
    %dma_start3A_26 = arith.constant 0 : i32
    %dma_start3A_27 = tpu.memref_slice %arg5[%dma_start3A_22, %dma_start3A_26] : memref<50x128xi32, #tpu.memory_space<vmem>> -> memref<1x128xi32, #tpu.memory_space<vmem>>
    %dma_start3A_28 = tpu.memref_squeeze %dma_start3A_27 : memref<1x128xi32, #tpu.memory_space<vmem>> -> memref<128xi32, #tpu.memory_space<vmem>>
    %dma_start3A_29 = arith.constant 0 : i32
    %dma_start3A_30 = arith.constant 0 : i32
    %dma_start3A_31 = tpu.memref_slice %arg3[%dma_start3A_29, %dma_start3A_30] : memref<1000000x128xf32, #tpu.memory_space<hbm>> -> memref<1000000x128xf32, #tpu.memory_space<hbm>>
    tpu.enqueue_indirect_dma source(%dma_start3A_31 : memref<1000000x128xf32, #tpu.memory_space<hbm>>) target(%dma_start3A_25 : memref<128x128xf32, #tpu.memory_space<vmem>>) offsets(%dma_start3A_28 : memref<128xi32, #tpu.memory_space<vmem>>) semaphore(%arg15 : memref<!tpu.dma_semaphore, #tpu.memory_space<semaphore_mem>>)
    %dma_start3A_32 = arith.constant 3 : i32
    %dma_start3A_33 = arith.constant 0 : i32
    %dma_start3A_34 = arith.constant 0 : i32
    %dma_start3A_35 = tpu.memref_slice %arg9[%dma_start3A_33, %dma_start3A_34] : memref<128x128xf32, #tpu.memory_space<vmem>> -> memref<128x128xf32, #tpu.memory_space<vmem>>
    %dma_start3A_36 = arith.constant 0 : i32
    %dma_start3A_37 = tpu.memref_slice %arg5[%dma_start3A_32, %dma_start3A_36] : memref<50x128xi32, #tpu.memory_space<vmem>> -> memref<1x128xi32, #tpu.memory_space<vmem>>
    %dma_start3A_38 = tpu.memref_squeeze %dma_start3A_37 : memref<1x128xi32, #tpu.memory_space<vmem>> -> memref<128xi32, #tpu.memory_space<vmem>>
    %dma_start3A_39 = arith.constant 0 : i32
    %dma_start3A_40 = arith.constant 0 : i32
    %dma_start3A_41 = tpu.memref_slice %arg3[%dma_start3A_39, %dma_start3A_40] : memref<1000000x128xf32, #tpu.memory_space<hbm>> -> memref<1000000x128xf32, #tpu.memory_space<hbm>>
    tpu.enqueue_indirect_dma source(%dma_start3A_41 : memref<1000000x128xf32, #tpu.memory_space<hbm>>) target(%dma_start3A_35 : memref<128x128xf32, #tpu.memory_space<vmem>>) offsets(%dma_start3A_38 : memref<128xi32, #tpu.memory_space<vmem>>) semaphore(%arg16 : memref<!tpu.dma_semaphore, #tpu.memory_space<semaphore_mem>>)
    %dma_start3A_42 = arith.constant 4 : i32
    %dma_start3A_43 = arith.constant 0 : i32
    %dma_start3A_44 = arith.constant 0 : i32
    %dma_start3A_45 = tpu.memref_slice %arg10[%dma_start3A_43, %dma_start3A_44] : memref<128x128xf32, #tpu.memory_space<vmem>> -> memref<128x128xf32, #tpu.memory_space<vmem>>
    %dma_start3A_46 = arith.constant 0 : i32
    %dma_start3A_47 = tpu.memref_slice %arg5[%dma_start3A_42, %dma_start3A_46] : memref<50x128xi32, #tpu.memory_space<vmem>> -> memref<1x128xi32, #tpu.memory_space<vmem>>
    %dma_start3A_48 = tpu.memref_squeeze %dma_start3A_47 : memref<1x128xi32, #tpu.memory_space<vmem>> -> memref<128xi32, #tpu.memory_space<vmem>>
    %dma_start3A_49 = arith.constant 0 : i32
    %dma_start3A_50 = arith.constant 0 : i32
    %dma_start3A_51 = tpu.memref_slice %arg3[%dma_start3A_49, %dma_start3A_50] : memref<1000000x128xf32, #tpu.memory_space<hbm>> -> memref<1000000x128xf32, #tpu.memory_space<hbm>>
    tpu.enqueue_indirect_dma source(%dma_start3A_51 : memref<1000000x128xf32, #tpu.memory_space<hbm>>) target(%dma_start3A_45 : memref<128x128xf32, #tpu.memory_space<vmem>>) offsets(%dma_start3A_48 : memref<128xi32, #tpu.memory_space<vmem>>) semaphore(%arg17 : memref<!tpu.dma_semaphore, #tpu.memory_space<semaphore_mem>>)
    %scan3A = arith.constant 0 : i32
    %scan3A_52 = arith.constant 0 : i32
    %scan3A_53 = arith.constant 7 : i32
    %scan3A_54 = arith.addi %scan3A_52, %scan3A_53 : i32
    %scan3A_55 = arith.constant 1 : i32
    %scan3A_56 = scf.for %scan3A_117 = %scan3A_52 to %scan3A_54 step %scan3A_55 iter_args(%scan3A_118 = %scan3A) -> (i32)  : i32 {
      %mul3A_119 = arith.constant 7 : i32
      %mul3A_120 = arith.muli %scan3A_117, %mul3A_119 : i32
      %add3A_121 = arith.constant 0 : i32
      %add3A_122 = arith.addi %mul3A_120, %add3A_121 : i32
      %add3A_123 = arith.constant 5 : i32
      %add3A_124 = arith.addi %add3A_122, %add3A_123 : i32
      %lt3A = arith.constant 50 : i32
      %lt3A_125 = arith.cmpi slt, %add3A_124, %lt3A : i32
      %convert_element_type3A = arith.extui %lt3A_125 : i1 to i32
      %cond3A = arith.constant 0 : i32
      %cond3A_126 = arith.cmpi ne, %convert_element_type3A, %cond3A : i32
      scf.if %cond3A_126 {
        %ge3A = arith.constant 2 : i32
        %ge3A_355 = arith.cmpi sge, %add3A_122, %ge3A : i32
        %convert_element_type3A_356 = arith.extui %ge3A_355 : i1 to i32
        %cond3A_357 = arith.constant 0 : i32
        %cond3A_358 = arith.cmpi ne, %convert_element_type3A_356, %cond3A_357 : i32
        scf.if %cond3A_358 {
          %sub3A = arith.constant 2 : i32
          %sub3A_374 = arith.subi %add3A_122, %sub3A : i32
          %mul3A_375 = arith.constant 128 : i32
          %mul3A_376 = arith.muli %sub3A_374, %mul3A_375 : i32
          %add3A_377 = arith.addi %mul3A_2, %mul3A_376 : i32
          %dma_wait3A_378 = arith.constant 0 : i32
          %dma_wait3A_379 = tpu.memref_slice %arg4[%add3A_377, %dma_wait3A_378] : memref<204800x128xf32, #tpu.memory_space<hbm>> -> memref<128x128xf32, #tpu.memory_space<hbm>>
          %dma_wait3A_380 = arith.constant 0 : i32
          %dma_wait3A_381 = tpu.memref_slice %arg4[%add3A_377, %dma_wait3A_380] : memref<204800x128xf32, #tpu.memory_space<hbm>> -> memref<128x128xf32, #tpu.memory_space<hbm>>
          tpu.wait_dma2 semaphore(%arg25 : memref<!tpu.dma_semaphore, #tpu.memory_space<semaphore_mem>>) src(%arg11 : memref<128x128xf32, #tpu.memory_space<vmem>>) dst(%dma_wait3A_381 : memref<128x128xf32, #tpu.memory_space<hbm>>)
        } else {
        }
        %add3A_359 = arith.constant 5 : i32
        %add3A_360 = arith.addi %add3A_122, %add3A_359 : i32
        %mul3A_361 = arith.constant 1 : i32
        %mul3A_362 = arith.muli %mul3A_361, %add3A_360 : i32
        %add3A_363 = arith.constant 0 : i32
        %add3A_364 = arith.addi %mul3A_362, %add3A_363 : i32
        %dma_start3A_365 = arith.constant 0 : i32
        %dma_start3A_366 = arith.constant 0 : i32
        %dma_start3A_367 = tpu.memref_slice %arg11[%dma_start3A_365, %dma_start3A_366] : memref<128x128xf32, #tpu.memory_space<vmem>> -> memref<128x128xf32, #tpu.memory_space<vmem>>
        %dma_start3A_368 = arith.constant 0 : i32
        %dma_start3A_369 = tpu.memref_slice %arg5[%add3A_364, %dma_start3A_368] : memref<50x128xi32, #tpu.memory_space<vmem>> -> memref<1x128xi32, #tpu.memory_space<vmem>>
        %dma_start3A_370 = tpu.memref_squeeze %dma_start3A_369 : memref<1x128xi32, #tpu.memory_space<vmem>> -> memref<128xi32, #tpu.memory_space<vmem>>
        %dma_start3A_371 = arith.constant 0 : i32
        %dma_start3A_372 = arith.constant 0 : i32
        %dma_start3A_373 = tpu.memref_slice %arg3[%dma_start3A_371, %dma_start3A_372] : memref<1000000x128xf32, #tpu.memory_space<hbm>> -> memref<1000000x128xf32, #tpu.memory_space<hbm>>
        tpu.enqueue_indirect_dma source(%dma_start3A_373 : memref<1000000x128xf32, #tpu.memory_space<hbm>>) target(%dma_start3A_367 : memref<128x128xf32, #tpu.memory_space<vmem>>) offsets(%dma_start3A_370 : memref<128xi32, #tpu.memory_space<vmem>>) semaphore(%arg18 : memref<!tpu.dma_semaphore, #tpu.memory_space<semaphore_mem>>)
      } else {
      }
      %mul3A_127 = arith.constant 1 : i32
      %mul3A_128 = arith.muli %mul3A_127, %add3A_122 : i32
      %add3A_129 = arith.constant 0 : i32
      %add3A_130 = arith.addi %mul3A_128, %add3A_129 : i32
      %dma_wait3A_131 = arith.constant 0 : i32
      %dma_wait3A_132 = arith.constant 0 : i32
      %dma_wait3A_133 = tpu.memref_slice %arg6[%dma_wait3A_131, %dma_wait3A_132] : memref<128x128xf32, #tpu.memory_space<vmem>> -> memref<128x128xf32, #tpu.memory_space<vmem>>
      %dma_wait3A_134 = arith.constant 0 : i32
      %dma_wait3A_135 = tpu.memref_slice %arg5[%add3A_130, %dma_wait3A_134] : memref<50x128xi32, #tpu.memory_space<vmem>> -> memref<1x128xi32, #tpu.memory_space<vmem>>
      %dma_wait3A_136 = tpu.memref_squeeze %dma_wait3A_135 : memref<1x128xi32, #tpu.memory_space<vmem>> -> memref<128xi32, #tpu.memory_space<vmem>>
      %dma_wait3A_137 = arith.constant 0 : i32
      %dma_wait3A_138 = arith.constant 0 : i32
      %dma_wait3A_139 = tpu.memref_slice %arg3[%dma_wait3A_137, %dma_wait3A_138] : memref<1000000x128xf32, #tpu.memory_space<hbm>> -> memref<1000000x128xf32, #tpu.memory_space<hbm>>
      tpu.wait_indirect_dma semaphore(%arg13 : memref<!tpu.dma_semaphore, #tpu.memory_space<semaphore_mem>>) src(%dma_wait3A_139 : memref<1000000x128xf32, #tpu.memory_space<hbm>>) dst(%dma_wait3A_133 : memref<128x128xf32, #tpu.memory_space<vmem>>)
      %parallel_loop3A_140 = arith.constant 0 : i32
      %parallel_loop3A_141 = arith.constant 128 : i32
      %parallel_loop3A_142 = arith.constant 1 : i32
      scf.for %parallel_loop3A_355 = %parallel_loop3A_140 to %parallel_loop3A_141 step %parallel_loop3A_142  : i32 {
        %parallel_loop3A_356 = arith.index_cast %parallel_loop3A_355 : i32 to index
        %parallel_loop3A_357 = arith.constant 0 : index
        %parallel_loop3A_358 = tpu.vector_load %arg6[%parallel_loop3A_356, %parallel_loop3A_357] {strides = array<i32>} : memref<128x128xf32, #tpu.memory_space<vmem>>, vector<1x16xf32>,
        %parallel_loop3A_359 = vector.shape_cast %parallel_loop3A_358 : vector<1x16xf32> to vector<16xf32>
        %parallel_loop3A_360 = arith.constant 11.3137083 : f32
        %parallel_loop3A_361 = vector.broadcast %parallel_loop3A_360 : f32 to vector<16xf32>
        %parallel_loop3A_362 = arith.mulf %parallel_loop3A_359, %parallel_loop3A_361 : vector<16xf32>
        %parallel_loop3A_363 = arith.index_cast %parallel_loop3A_355 : i32 to index
        %parallel_loop3A_364 = arith.constant 0 : index
        %parallel_loop3A_365 = tpu.vector_load %arg6[%parallel_loop3A_363, %parallel_loop3A_364] {strides = array<i32>} : memref<128x128xf32, #tpu.memory_space<vmem>>, vector<1x16xf32>,
        %parallel_loop3A_366 = vector.shape_cast %parallel_loop3A_365 : vector<1x16xf32> to vector<16xf32>
        %parallel_loop3A_367 = vector.shape_cast %parallel_loop3A_362 : vector<16xf32> to vector<1x16xf32>
        tpu.vector_store %arg6[%parallel_loop3A_363, %parallel_loop3A_364], %parallel_loop3A_367 {strides = array<i32>} : memref<128x128xf32, #tpu.memory_space<vmem>>, vector<1x16xf32>,
        %parallel_loop3A_368 = arith.index_cast %parallel_loop3A_355 : i32 to index
        %parallel_loop3A_369 = arith.constant 16 : index
        %parallel_loop3A_370 = tpu.vector_load %arg6[%parallel_loop3A_368, %parallel_loop3A_369] {strides = array<i32>} : memref<128x128xf32, #tpu.memory_space<vmem>>, vector<1x16xf32>,
        %parallel_loop3A_371 = vector.shape_cast %parallel_loop3A_370 : vector<1x16xf32> to vector<16xf32>
        %parallel_loop3A_372 = arith.constant 11.3137083 : f32
        %parallel_loop3A_373 = vector.broadcast %parallel_loop3A_372 : f32 to vector<16xf32>
        %parallel_loop3A_374 = arith.mulf %parallel_loop3A_371, %parallel_loop3A_373 : vector<16xf32>
        %parallel_loop3A_375 = arith.index_cast %parallel_loop3A_355 : i32 to index
        %parallel_loop3A_376 = arith.constant 16 : index
        %parallel_loop3A_377 = tpu.vector_load %arg6[%parallel_loop3A_375, %parallel_loop3A_376] {strides = array<i32>} : memref<128x128xf32, #tpu.memory_space<vmem>>, vector<1x16xf32>,
        %parallel_loop3A_378 = vector.shape_cast %parallel_loop3A_377 : vector<1x16xf32> to vector<16xf32>
        %parallel_loop3A_379 = vector.shape_cast %parallel_loop3A_374 : vector<16xf32> to vector<1x16xf32>
        tpu.vector_store %arg6[%parallel_loop3A_375, %parallel_loop3A_376], %parallel_loop3A_379 {strides = array<i32>} : memref<128x128xf32, #tpu.memory_space<vmem>>, vector<1x16xf32>,
        %parallel_loop3A_380 = arith.index_cast %parallel_loop3A_355 : i32 to index
        %parallel_loop3A_381 = arith.constant 32 : index
        %parallel_loop3A_382 = tpu.vector_load %arg6[%parallel_loop3A_380, %parallel_loop3A_381] {strides = array<i32>} : memref<128x128xf32, #tpu.memory_space<vmem>>, vector<1x16xf32>,
        %parallel_loop3A_383 = vector.shape_cast %parallel_loop3A_382 : vector<1x16xf32> to vector<16xf32>
        %parallel_loop3A_384 = arith.constant 11.3137083 : f32
        %parallel_loop3A_385 = vector.broadcast %parallel_loop3A_384 : f32 to vector<16xf32>
        %parallel_loop3A_386 = arith.mulf %parallel_loop3A_383, %parallel_loop3A_385 : vector<16xf32>
        %parallel_loop3A_387 = arith.index_cast %parallel_loop3A_355 : i32 to index
        %parallel_loop3A_388 = arith.constant 32 : index
        %parallel_loop3A_389 = tpu.vector_load %arg6[%parallel_loop3A_387, %parallel_loop3A_388] {strides = array<i32>} : memref<128x128xf32, #tpu.memory_space<vmem>>, vector<1x16xf32>,
        %parallel_loop3A_390 = vector.shape_cast %parallel_loop3A_389 : vector<1x16xf32> to vector<16xf32>
        %parallel_loop3A_391 = vector.shape_cast %parallel_loop3A_386 : vector<16xf32> to vector<1x16xf32>
        tpu.vector_store %arg6[%parallel_loop3A_387, %parallel_loop3A_388], %parallel_loop3A_391 {strides = array<i32>} : memref<128x128xf32, #tpu.memory_space<vmem>>, vector<1x16xf32>,
        %parallel_loop3A_392 = arith.index_cast %parallel_loop3A_355 : i32 to index
        %parallel_loop3A_393 = arith.constant 48 : index
        %parallel_loop3A_394 = tpu.vector_load %arg6[%parallel_loop3A_392, %parallel_loop3A_393] {strides = array<i32>} : memref<128x128xf32, #tpu.memory_space<vmem>>, vector<1x16xf32>,
        %parallel_loop3A_395 = vector.shape_cast %parallel_loop3A_394 : vector<1x16xf32> to vector<16xf32>
        %parallel_loop3A_396 = arith.constant 11.3137083 : f32
        %parallel_loop3A_397 = vector.broadcast %parallel_loop3A_396 : f32 to vector<16xf32>
        %parallel_loop3A_398 = arith.mulf %parallel_loop3A_395, %parallel_loop3A_397 : vector<16xf32>
        %parallel_loop3A_399 = arith.index_cast %parallel_loop3A_355 : i32 to index
        %parallel_loop3A_400 = arith.constant 48 : index
        %parallel_loop3A_401 = tpu.vector_load %arg6[%parallel_loop3A_399, %parallel_loop3A_400] {strides = array<i32>} : memref<128x128xf32, #tpu.memory_space<vmem>>, vector<1x16xf32>,
        %parallel_loop3A_402 = vector.shape_cast %parallel_loop3A_401 : vector<1x16xf32> to vector<16xf32>
        %parallel_loop3A_403 = vector.shape_cast %parallel_loop3A_398 : vector<16xf32> to vector<1x16xf32>
        tpu.vector_store %arg6[%parallel_loop3A_399, %parallel_loop3A_400], %parallel_loop3A_403 {strides = array<i32>} : memref<128x128xf32, #tpu.memory_space<vmem>>, vector<1x16xf32>,
        %parallel_loop3A_404 = arith.index_cast %parallel_loop3A_355 : i32 to index
        %parallel_loop3A_405 = arith.constant 64 : index
        %parallel_loop3A_406 = tpu.vector_load %arg6[%parallel_loop3A_404, %parallel_loop3A_405] {strides = array<i32>} : memref<128x128xf32, #tpu.memory_space<vmem>>, vector<1x16xf32>,
        %parallel_loop3A_407 = vector.shape_cast %parallel_loop3A_406 : vector<1x16xf32> to vector<16xf32>
        %parallel_loop3A_408 = arith.constant 11.3137083 : f32
        %parallel_loop3A_409 = vector.broadcast %parallel_loop3A_408 : f32 to vector<16xf32>
        %parallel_loop3A_410 = arith.mulf %parallel_loop3A_407, %parallel_loop3A_409 : vector<16xf32>
        %parallel_loop3A_411 = arith.index_cast %parallel_loop3A_355 : i32 to index
        %parallel_loop3A_412 = arith.constant 64 : index
        %parallel_loop3A_413 = tpu.vector_load %arg6[%parallel_loop3A_411, %parallel_loop3A_412] {strides = array<i32>} : memref<128x128xf32, #tpu.memory_space<vmem>>, vector<1x16xf32>,
        %parallel_loop3A_414 = vector.shape_cast %parallel_loop3A_413 : vector<1x16xf32> to vector<16xf32>
        %parallel_loop3A_415 = vector.shape_cast %parallel_loop3A_410 : vector<16xf32> to vector<1x16xf32>
        tpu.vector_store %arg6[%parallel_loop3A_411, %parallel_loop3A_412], %parallel_loop3A_415 {strides = array<i32>} : memref<128x128xf32, #tpu.memory_space<vmem>>, vector<1x16xf32>,
        %parallel_loop3A_416 = arith.index_cast %parallel_loop3A_355 : i32 to index
        %parallel_loop3A_417 = arith.constant 80 : index
        %parallel_loop3A_418 = tpu.vector_load %arg6[%parallel_loop3A_416, %parallel_loop3A_417] {strides = array<i32>} : memref<128x128xf32, #tpu.memory_space<vmem>>, vector<1x16xf32>,
        %parallel_loop3A_419 = vector.shape_cast %parallel_loop3A_418 : vector<1x16xf32> to vector<16xf32>
        %parallel_loop3A_420 = arith.constant 11.3137083 : f32
        %parallel_loop3A_421 = vector.broadcast %parallel_loop3A_420 : f32 to vector<16xf32>
        %parallel_loop3A_422 = arith.mulf %parallel_loop3A_419, %parallel_loop3A_421 : vector<16xf32>
        %parallel_loop3A_423 = arith.index_cast %parallel_loop3A_355 : i32 to index
        %parallel_loop3A_424 = arith.constant 80 : index
        %parallel_loop3A_425 = tpu.vector_load %arg6[%parallel_loop3A_423, %parallel_loop3A_424] {strides = array<i32>} : memref<128x128xf32, #tpu.memory_space<vmem>>, vector<1x16xf32>,
        %parallel_loop3A_426 = vector.shape_cast %parallel_loop3A_425 : vector<1x16xf32> to vector<16xf32>
        %parallel_loop3A_427 = vector.shape_cast %parallel_loop3A_422 : vector<16xf32> to vector<1x16xf32>
        tpu.vector_store %arg6[%parallel_loop3A_423, %parallel_loop3A_424], %parallel_loop3A_427 {strides = array<i32>} : memref<128x128xf32, #tpu.memory_space<vmem>>, vector<1x16xf32>,
        %parallel_loop3A_428 = arith.index_cast %parallel_loop3A_355 : i32 to index
        %parallel_loop3A_429 = arith.constant 96 : index
        %parallel_loop3A_430 = tpu.vector_load %arg6[%parallel_loop3A_428, %parallel_loop3A_429] {strides = array<i32>} : memref<128x128xf32, #tpu.memory_space<vmem>>, vector<1x16xf32>,
        %parallel_loop3A_431 = vector.shape_cast %parallel_loop3A_430 : vector<1x16xf32> to vector<16xf32>
        %parallel_loop3A_432 = arith.constant 11.3137083 : f32
        %parallel_loop3A_433 = vector.broadcast %parallel_loop3A_432 : f32 to vector<16xf32>
        %parallel_loop3A_434 = arith.mulf %parallel_loop3A_431, %parallel_loop3A_433 : vector<16xf32>
        %parallel_loop3A_435 = arith.index_cast %parallel_loop3A_355 : i32 to index
        %parallel_loop3A_436 = arith.constant 96 : index
        %parallel_loop3A_437 = tpu.vector_load %arg6[%parallel_loop3A_435, %parallel_loop3A_436] {strides = array<i32>} : memref<128x128xf32, #tpu.memory_space<vmem>>, vector<1x16xf32>,
        %parallel_loop3A_438 = vector.shape_cast %parallel_loop3A_437 : vector<1x16xf32> to vector<16xf32>
        %parallel_loop3A_439 = vector.shape_cast %parallel_loop3A_434 : vector<16xf32> to vector<1x16xf32>
        tpu.vector_store %arg6[%parallel_loop3A_435, %parallel_loop3A_436], %parallel_loop3A_439 {strides = array<i32>} : memref<128x128xf32, #tpu.memory_space<vmem>>, vector<1x16xf32>,
        %parallel_loop3A_440 = arith.index_cast %parallel_loop3A_355 : i32 to index
        %parallel_loop3A_441 = arith.constant 112 : index
        %parallel_loop3A_442 = tpu.vector_load %arg6[%parallel_loop3A_440, %parallel_loop3A_441] {strides = array<i32>} : memref<128x128xf32, #tpu.memory_space<vmem>>, vector<1x16xf32>,
        %parallel_loop3A_443 = vector.shape_cast %parallel_loop3A_442 : vector<1x16xf32> to vector<16xf32>
        %parallel_loop3A_444 = arith.constant 11.3137083 : f32
        %parallel_loop3A_445 = vector.broadcast %parallel_loop3A_444 : f32 to vector<16xf32>
        %parallel_loop3A_446 = arith.mulf %parallel_loop3A_443, %parallel_loop3A_445 : vector<16xf32>
        %parallel_loop3A_447 = arith.index_cast %parallel_loop3A_355 : i32 to index
        %parallel_loop3A_448 = arith.constant 112 : index
        %parallel_loop3A_449 = tpu.vector_load %arg6[%parallel_loop3A_447, %parallel_loop3A_448] {strides = array<i32>} : memref<128x128xf32, #tpu.memory_space<vmem>>, vector<1x16xf32>,
        %parallel_loop3A_450 = vector.shape_cast %parallel_loop3A_449 : vector<1x16xf32> to vector<16xf32>
        %parallel_loop3A_451 = vector.shape_cast %parallel_loop3A_446 : vector<16xf32> to vector<1x16xf32>
        tpu.vector_store %arg6[%parallel_loop3A_447, %parallel_loop3A_448], %parallel_loop3A_451 {strides = array<i32>} : memref<128x128xf32, #tpu.memory_space<vmem>>, vector<1x16xf32>,
      } {sc.loop_unroll_factor = 4 : i64, sc.parallel_access}
      %mul3A_143 = arith.constant 128 : i32
      %mul3A_144 = arith.muli %add3A_122, %mul3A_143 : i32
      %add3A_145 = arith.addi %mul3A_2, %mul3A_144 : i32
      %dma_start3A_146 = arith.constant 0 : i32
      %dma_start3A_147 = tpu.memref_slice %arg4[%add3A_145, %dma_start3A_146] : memref<204800x128xf32, #tpu.memory_space<hbm>> -> memref<128x128xf32, #tpu.memory_space<hbm>>
      %dma_start3A_148 = arith.constant 0 : i32
      %dma_start3A_149 = tpu.memref_slice %arg4[%add3A_145, %dma_start3A_148] : memref<204800x128xf32, #tpu.memory_space<hbm>> -> memref<128x128xf32, #tpu.memory_space<hbm>>
      tpu.enqueue_dma source(%arg6 : memref<128x128xf32, #tpu.memory_space<vmem>>) target(%dma_start3A_149 : memref<128x128xf32, #tpu.memory_space<hbm>>) target_semaphore(%arg20 : memref<!tpu.dma_semaphore, #tpu.memory_space<semaphore_mem>>)
      %mul3A_150 = arith.constant 7 : i32
      %mul3A_151 = arith.muli %scan3A_117, %mul3A_150 : i32
      %add3A_152 = arith.constant 1 : i32
      %add3A_153 = arith.addi %mul3A_151, %add3A_152 : i32
      %add3A_154 = arith.constant 5 : i32
      %add3A_155 = arith.addi %add3A_153, %add3A_154 : i32
      %lt3A_156 = arith.constant 50 : i32
      %lt3A_157 = arith.cmpi slt, %add3A_155, %lt3A_156 : i32
      %convert_element_type3A_158 = arith.extui %lt3A_157 : i1 to i32
      %cond3A_159 = arith.constant 0 : i32
      %cond3A_160 = arith.cmpi ne, %convert_element_type3A_158, %cond3A_159 : i32
      scf.if %cond3A_160 {
        %ge3A = arith.constant 2 : i32
        %ge3A_355 = arith.cmpi sge, %add3A_153, %ge3A : i32
        %convert_element_type3A_356 = arith.extui %ge3A_355 : i1 to i32
        %cond3A_357 = arith.constant 0 : i32
        %cond3A_358 = arith.cmpi ne, %convert_element_type3A_356, %cond3A_357 : i32
        scf.if %cond3A_358 {
          %sub3A = arith.constant 2 : i32
          %sub3A_374 = arith.subi %add3A_153, %sub3A : i32
          %mul3A_375 = arith.constant 128 : i32
          %mul3A_376 = arith.muli %sub3A_374, %mul3A_375 : i32
          %add3A_377 = arith.addi %mul3A_2, %mul3A_376 : i32
          %dma_wait3A_378 = arith.constant 0 : i32
          %dma_wait3A_379 = tpu.memref_slice %arg4[%add3A_377, %dma_wait3A_378] : memref<204800x128xf32, #tpu.memory_space<hbm>> -> memref<128x128xf32, #tpu.memory_space<hbm>>
          %dma_wait3A_380 = arith.constant 0 : i32
          %dma_wait3A_381 = tpu.memref_slice %arg4[%add3A_377, %dma_wait3A_380] : memref<204800x128xf32, #tpu.memory_space<hbm>> -> memref<128x128xf32, #tpu.memory_space<hbm>>
          tpu.wait_dma2 semaphore(%arg26 : memref<!tpu.dma_semaphore, #tpu.memory_space<semaphore_mem>>) src(%arg12 : memref<128x128xf32, #tpu.memory_space<vmem>>) dst(%dma_wait3A_381 : memref<128x128xf32, #tpu.memory_space<hbm>>)
        } else {
        }
        %add3A_359 = arith.constant 5 : i32
        %add3A_360 = arith.addi %add3A_153, %add3A_359 : i32
        %mul3A_361 = arith.constant 1 : i32
        %mul3A_362 = arith.muli %mul3A_361, %add3A_360 : i32
        %add3A_363 = arith.constant 0 : i32
        %add3A_364 = arith.addi %mul3A_362, %add3A_363 : i32
        %dma_start3A_365 = arith.constant 0 : i32
        %dma_start3A_366 = arith.constant 0 : i32
        %dma_start3A_367 = tpu.memref_slice %arg12[%dma_start3A_365, %dma_start3A_366] : memref<128x128xf32, #tpu.memory_space<vmem>> -> memref<128x128xf32, #tpu.memory_space<vmem>>
        %dma_start3A_368 = arith.constant 0 : i32
        %dma_start3A_369 = tpu.memref_slice %arg5[%add3A_364, %dma_start3A_368] : memref<50x128xi32, #tpu.memory_space<vmem>> -> memref<1x128xi32, #tpu.memory_space<vmem>>
        %dma_start3A_370 = tpu.memref_squeeze %dma_start3A_369 : memref<1x128xi32, #tpu.memory_space<vmem>> -> memref<128xi32, #tpu.memory_space<vmem>>
        %dma_start3A_371 = arith.constant 0 : i32
        %dma_start3A_372 = arith.constant 0 : i32
        %dma_start3A_373 = tpu.memref_slice %arg3[%dma_start3A_371, %dma_start3A_372] : memref<1000000x128xf32, #tpu.memory_space<hbm>> -> memref<1000000x128xf32, #tpu.memory_space<hbm>>
        tpu.enqueue_indirect_dma source(%dma_start3A_373 : memref<1000000x128xf32, #tpu.memory_space<hbm>>) target(%dma_start3A_367 : memref<128x128xf32, #tpu.memory_space<vmem>>) offsets(%dma_start3A_370 : memref<128xi32, #tpu.memory_space<vmem>>) semaphore(%arg19 : memref<!tpu.dma_semaphore, #tpu.memory_space<semaphore_mem>>)
      } else {
      }
      %mul3A_161 = arith.constant 1 : i32
      %mul3A_162 = arith.muli %mul3A_161, %add3A_153 : i32
      %add3A_163 = arith.constant 0 : i32
      %add3A_164 = arith.addi %mul3A_162, %add3A_163 : i32
      %dma_wait3A_165 = arith.constant 0 : i32
      %dma_wait3A_166 = arith.constant 0 : i32
      %dma_wait3A_167 = tpu.memref_slice %arg7[%dma_wait3A_165, %dma_wait3A_166] : memref<128x128xf32, #tpu.memory_space<vmem>> -> memref<128x128xf32, #tpu.memory_space<vmem>>
      %dma_wait3A_168 = arith.constant 0 : i32
      %dma_wait3A_169 = tpu.memref_slice %arg5[%add3A_164, %dma_wait3A_168] : memref<50x128xi32, #tpu.memory_space<vmem>> -> memref<1x128xi32, #tpu.memory_space<vmem>>
      %dma_wait3A_170 = tpu.memref_squeeze %dma_wait3A_169 : memref<1x128xi32, #tpu.memory_space<vmem>> -> memref<128xi32, #tpu.memory_space<vmem>>
      %dma_wait3A_171 = arith.constant 0 : i32
      %dma_wait3A_172 = arith.constant 0 : i32
      %dma_wait3A_173 = tpu.memref_slice %arg3[%dma_wait3A_171, %dma_wait3A_172] : memref<1000000x128xf32, #tpu.memory_space<hbm>> -> memref<1000000x128xf32, #tpu.memory_space<hbm>>
      tpu.wait_indirect_dma semaphore(%arg14 : memref<!tpu.dma_semaphore, #tpu.memory_space<semaphore_mem>>) src(%dma_wait3A_173 : memref<1000000x128xf32, #tpu.memory_space<hbm>>) dst(%dma_wait3A_167 : memref<128x128xf32, #tpu.memory_space<vmem>>)
      %parallel_loop3A_174 = arith.constant 0 : i32
      %parallel_loop3A_175 = arith.constant 128 : i32
      %parallel_loop3A_176 = arith.constant 1 : i32
      scf.for %parallel_loop3A_355 = %parallel_loop3A_174 to %parallel_loop3A_175 step %parallel_loop3A_176  : i32 {
        %parallel_loop3A_356 = arith.index_cast %parallel_loop3A_355 : i32 to index
        %parallel_loop3A_357 = arith.constant 0 : index
        %parallel_loop3A_358 = tpu.vector_load %arg7[%parallel_loop3A_356, %parallel_loop3A_357] {strides = array<i32>} : memref<128x128xf32, #tpu.memory_space<vmem>>, vector<1x16xf32>,
        %parallel_loop3A_359 = vector.shape_cast %parallel_loop3A_358 : vector<1x16xf32> to vector<16xf32>
        %parallel_loop3A_360 = arith.constant 11.3137083 : f32
        %parallel_loop3A_361 = vector.broadcast %parallel_loop3A_360 : f32 to vector<16xf32>
        %parallel_loop3A_362 = arith.mulf %parallel_loop3A_359, %parallel_loop3A_361 : vector<16xf32>
        %parallel_loop3A_363 = arith.index_cast %parallel_loop3A_355 : i32 to index
        %parallel_loop3A_364 = arith.constant 0 : index
        %parallel_loop3A_365 = tpu.vector_load %arg7[%parallel_loop3A_363, %parallel_loop3A_364] {strides = array<i32>} : memref<128x128xf32, #tpu.memory_space<vmem>>, vector<1x16xf32>,
        %parallel_loop3A_366 = vector.shape_cast %parallel_loop3A_365 : vector<1x16xf32> to vector<16xf32>
        %parallel_loop3A_367 = vector.shape_cast %parallel_loop3A_362 : vector<16xf32> to vector<1x16xf32>
        tpu.vector_store %arg7[%parallel_loop3A_363, %parallel_loop3A_364], %parallel_loop3A_367 {strides = array<i32>} : memref<128x128xf32, #tpu.memory_space<vmem>>, vector<1x16xf32>,
        %parallel_loop3A_368 = arith.index_cast %parallel_loop3A_355 : i32 to index
        %parallel_loop3A_369 = arith.constant 16 : index
        %parallel_loop3A_370 = tpu.vector_load %arg7[%parallel_loop3A_368, %parallel_loop3A_369] {strides = array<i32>} : memref<128x128xf32, #tpu.memory_space<vmem>>, vector<1x16xf32>,
        %parallel_loop3A_371 = vector.shape_cast %parallel_loop3A_370 : vector<1x16xf32> to vector<16xf32>
        %parallel_loop3A_372 = arith.constant 11.3137083 : f32
        %parallel_loop3A_373 = vector.broadcast %parallel_loop3A_372 : f32 to vector<16xf32>
        %parallel_loop3A_374 = arith.mulf %parallel_loop3A_371, %parallel_loop3A_373 : vector<16xf32>
        %parallel_loop3A_375 = arith.index_cast %parallel_loop3A_355 : i32 to index
        %parallel_loop3A_376 = arith.constant 16 : index
        %parallel_loop3A_377 = tpu.vector_load %arg7[%parallel_loop3A_375, %parallel_loop3A_376] {strides = array<i32>} : memref<128x128xf32, #tpu.memory_space<vmem>>, vector<1x16xf32>,
        %parallel_loop3A_378 = vector.shape_cast %parallel_loop3A_377 : vector<1x16xf32> to vector<16xf32>
        %parallel_loop3A_379 = vector.shape_cast %parallel_loop3A_374 : vector<16xf32> to vector<1x16xf32>
        tpu.vector_store %arg7[%parallel_loop3A_375, %parallel_loop3A_376], %parallel_loop3A_379 {strides = array<i32>} : memref<128x128xf32, #tpu.memory_space<vmem>>, vector<1x16xf32>,
        %parallel_loop3A_380 = arith.index_cast %parallel_loop3A_355 : i32 to index
        %parallel_loop3A_381 = arith.constant 32 : index
        %parallel_loop3A_382 = tpu.vector_load %arg7[%parallel_loop3A_380, %parallel_loop3A_381] {strides = array<i32>} : memref<128x128xf32, #tpu.memory_space<vmem>>, vector<1x16xf32>,
        %parallel_loop3A_383 = vector.shape_cast %parallel_loop3A_382 : vector<1x16xf32> to vector<16xf32>
        %parallel_loop3A_384 = arith.constant 11.3137083 : f32
        %parallel_loop3A_385 = vector.broadcast %parallel_loop3A_384 : f32 to vector<16xf32>
        %parallel_loop3A_386 = arith.mulf %parallel_loop3A_383, %parallel_loop3A_385 : vector<16xf32>
        %parallel_loop3A_387 = arith.index_cast %parallel_loop3A_355 : i32 to index
        %parallel_loop3A_388 = arith.constant 32 : index
        %parallel_loop3A_389 = tpu.vector_load %arg7[%parallel_loop3A_387, %parallel_loop3A_388] {strides = array<i32>} : memref<128x128xf32, #tpu.memory_space<vmem>>, vector<1x16xf32>,
        %parallel_loop3A_390 = vector.shape_cast %parallel_loop3A_389 : vector<1x16xf32> to vector<16xf32>
        %parallel_loop3A_391 = vector.shape_cast %parallel_loop3A_386 : vector<16xf32> to vector<1x16xf32>
        tpu.vector_store %arg7[%parallel_loop3A_387, %parallel_loop3A_388], %parallel_loop3A_391 {strides = array<i32>} : memref<128x128xf32, #tpu.memory_space<vmem>>, vector<1x16xf32>,
        %parallel_loop3A_392 = arith.index_cast %parallel_loop3A_355 : i32 to index
        %parallel_loop3A_393 = arith.constant 48 : index
        %parallel_loop3A_394 = tpu.vector_load %arg7[%parallel_loop3A_392, %parallel_loop3A_393] {strides = array<i32>} : memref<128x128xf32, #tpu.memory_space<vmem>>, vector<1x16xf32>,
        %parallel_loop3A_395 = vector.shape_cast %parallel_loop3A_394 : vector<1x16xf32> to vector<16xf32>
        %parallel_loop3A_396 = arith.constant 11.3137083 : f32
        %parallel_loop3A_397 = vector.broadcast %parallel_loop3A_396 : f32 to vector<16xf32>
        %parallel_loop3A_398 = arith.mulf %parallel_loop3A_395, %parallel_loop3A_397 : vector<16xf32>
        %parallel_loop3A_399 = arith.index_cast %parallel_loop3A_355 : i32 to index
        %parallel_loop3A_400 = arith.constant 48 : index
        %parallel_loop3A_401 = tpu.vector_load %arg7[%parallel_loop3A_399, %parallel_loop3A_400] {strides = array<i32>} : memref<128x128xf32, #tpu.memory_space<vmem>>, vector<1x16xf32>,
        %parallel_loop3A_402 = vector.shape_cast %parallel_loop3A_401 : vector<1x16xf32> to vector<16xf32>
        %parallel_loop3A_403 = vector.shape_cast %parallel_loop3A_398 : vector<16xf32> to vector<1x16xf32>
        tpu.vector_store %arg7[%parallel_loop3A_399, %parallel_loop3A_400], %parallel_loop3A_403 {strides = array<i32>} : memref<128x128xf32, #tpu.memory_space<vmem>>, vector<1x16xf32>,
        %parallel_loop3A_404 = arith.index_cast %parallel_loop3A_355 : i32 to index
        %parallel_loop3A_405 = arith.constant 64 : index
        %parallel_loop3A_406 = tpu.vector_load %arg7[%parallel_loop3A_404, %parallel_loop3A_405] {strides = array<i32>} : memref<128x128xf32, #tpu.memory_space<vmem>>, vector<1x16xf32>,
        %parallel_loop3A_407 = vector.shape_cast %parallel_loop3A_406 : vector<1x16xf32> to vector<16xf32>
        %parallel_loop3A_408 = arith.constant 11.3137083 : f32
        %parallel_loop3A_409 = vector.broadcast %parallel_loop3A_408 : f32 to vector<16xf32>
        %parallel_loop3A_410 = arith.mulf %parallel_loop3A_407, %parallel_loop3A_409 : vector<16xf32>
        %parallel_loop3A_411 = arith.index_cast %parallel_loop3A_355 : i32 to index
        %parallel_loop3A_412 = arith.constant 64 : index
        %parallel_loop3A_413 = tpu.vector_load %arg7[%parallel_loop3A_411, %parallel_loop3A_412] {strides = array<i32>} : memref<128x128xf32, #tpu.memory_space<vmem>>, vector<1x16xf32>,
        %parallel_loop3A_414 = vector.shape_cast %parallel_loop3A_413 : vector<1x16xf32> to vector<16xf32>
        %parallel_loop3A_415 = vector.shape_cast %parallel_loop3A_410 : vector<16xf32> to vector<1x16xf32>
        tpu.vector_store %arg7[%parallel_loop3A_411, %parallel_loop3A_412], %parallel_loop3A_415 {strides = array<i32>} : memref<128x128xf32, #tpu.memory_space<vmem>>, vector<1x16xf32>,
        %parallel_loop3A_416 = arith.index_cast %parallel_loop3A_355 : i32 to index
        %parallel_loop3A_417 = arith.constant 80 : index
        %parallel_loop3A_418 = tpu.vector_load %arg7[%parallel_loop3A_416, %parallel_loop3A_417] {strides = array<i32>} : memref<128x128xf32, #tpu.memory_space<vmem>>, vector<1x16xf32>,
        %parallel_loop3A_419 = vector.shape_cast %parallel_loop3A_418 : vector<1x16xf32> to vector<16xf32>
        %parallel_loop3A_420 = arith.constant 11.3137083 : f32
        %parallel_loop3A_421 = vector.broadcast %parallel_loop3A_420 : f32 to vector<16xf32>
        %parallel_loop3A_422 = arith.mulf %parallel_loop3A_419, %parallel_loop3A_421 : vector<16xf32>
        %parallel_loop3A_423 = arith.index_cast %parallel_loop3A_355 : i32 to index
        %parallel_loop3A_424 = arith.constant 80 : index
        %parallel_loop3A_425 = tpu.vector_load %arg7[%parallel_loop3A_423, %parallel_loop3A_424] {strides = array<i32>} : memref<128x128xf32, #tpu.memory_space<vmem>>, vector<1x16xf32>,
        %parallel_loop3A_426 = vector.shape_cast %parallel_loop3A_425 : vector<1x16xf32> to vector<16xf32>
        %parallel_loop3A_427 = vector.shape_cast %parallel_loop3A_422 : vector<16xf32> to vector<1x16xf32>
        tpu.vector_store %arg7[%parallel_loop3A_423, %parallel_loop3A_424], %parallel_loop3A_427 {strides = array<i32>} : memref<128x128xf32, #tpu.memory_space<vmem>>, vector<1x16xf32>,
        %parallel_loop3A_428 = arith.index_cast %parallel_loop3A_355 : i32 to index
        %parallel_loop3A_429 = arith.constant 96 : index
        %parallel_loop3A_430 = tpu.vector_load %arg7[%parallel_loop3A_428, %parallel_loop3A_429] {strides = array<i32>} : memref<128x128xf32, #tpu.memory_space<vmem>>, vector<1x16xf32>,
        %parallel_loop3A_431 = vector.shape_cast %parallel_loop3A_430 : vector<1x16xf32> to vector<16xf32>
        %parallel_loop3A_432 = arith.constant 11.3137083 : f32
        %parallel_loop3A_433 = vector.broadcast %parallel_loop3A_432 : f32 to vector<16xf32>
        %parallel_loop3A_434 = arith.mulf %parallel_loop3A_431, %parallel_loop3A_433 : vector<16xf32>
        %parallel_loop3A_435 = arith.index_cast %parallel_loop3A_355 : i32 to index
        %parallel_loop3A_436 = arith.constant 96 : index
        %parallel_loop3A_437 = tpu.vector_load %arg7[%parallel_loop3A_435, %parallel_loop3A_436] {strides = array<i32>} : memref<128x128xf32, #tpu.memory_space<vmem>>, vector<1x16xf32>,
        %parallel_loop3A_438 = vector.shape_cast %parallel_loop3A_437 : vector<1x16xf32> to vector<16xf32>
        %parallel_loop3A_439 = vector.shape_cast %parallel_loop3A_434 : vector<16xf32> to vector<1x16xf32>
        tpu.vector_store %arg7[%parallel_loop3A_435, %parallel_loop3A_436], %parallel_loop3A_439 {strides = array<i32>} : memref<128x128xf32, #tpu.memory_space<vmem>>, vector<1x16xf32>,
        %parallel_loop3A_440 = arith.index_cast %parallel_loop3A_355 : i32 to index
        %parallel_loop3A_441 = arith.constant 112 : index
        %parallel_loop3A_442 = tpu.vector_load %arg7[%parallel_loop3A_440, %parallel_loop3A_441] {strides = array<i32>} : memref<128x128xf32, #tpu.memory_space<vmem>>, vector<1x16xf32>,
        %parallel_loop3A_443 = vector.shape_cast %parallel_loop3A_442 : vector<1x16xf32> to vector<16xf32>
        %parallel_loop3A_444 = arith.constant 11.3137083 : f32
        %parallel_loop3A_445 = vector.broadcast %parallel_loop3A_444 : f32 to vector<16xf32>
        %parallel_loop3A_446 = arith.mulf %parallel_loop3A_443, %parallel_loop3A_445 : vector<16xf32>
        %parallel_loop3A_447 = arith.index_cast %parallel_loop3A_355 : i32 to index
        %parallel_loop3A_448 = arith.constant 112 : index
        %parallel_loop3A_449 = tpu.vector_load %arg7[%parallel_loop3A_447, %parallel_loop3A_448] {strides = array<i32>} : memref<128x128xf32, #tpu.memory_space<vmem>>, vector<1x16xf32>,
        %parallel_loop3A_450 = vector.shape_cast %parallel_loop3A_449 : vector<1x16xf32> to vector<16xf32>
        %parallel_loop3A_451 = vector.shape_cast %parallel_loop3A_446 : vector<16xf32> to vector<1x16xf32>
        tpu.vector_store %arg7[%parallel_loop3A_447, %parallel_loop3A_448], %parallel_loop3A_451 {strides = array<i32>} : memref<128x128xf32, #tpu.memory_space<vmem>>, vector<1x16xf32>,
      } {sc.loop_unroll_factor = 4 : i64, sc.parallel_access}
      %mul3A_177 = arith.constant 128 : i32
      %mul3A_178 = arith.muli %add3A_153, %mul3A_177 : i32
      %add3A_179 = arith.addi %mul3A_2, %mul3A_178 : i32
      %dma_start3A_180 = arith.constant 0 : i32
      %dma_start3A_181 = tpu.memref_slice %arg4[%add3A_179, %dma_start3A_180] : memref<204800x128xf32, #tpu.memory_space<hbm>> -> memref<128x128xf32, #tpu.memory_space<hbm>>
      %dma_start3A_182 = arith.constant 0 : i32
      %dma_start3A_183 = tpu.memref_slice %arg4[%add3A_179, %dma_start3A_182] : memref<204800x128xf32, #tpu.memory_space<hbm>> -> memref<128x128xf32, #tpu.memory_space<hbm>>
      tpu.enqueue_dma source(%arg7 : memref<128x128xf32, #tpu.memory_space<vmem>>) target(%dma_start3A_183 : memref<128x128xf32, #tpu.memory_space<hbm>>) target_semaphore(%arg21 : memref<!tpu.dma_semaphore, #tpu.memory_space<semaphore_mem>>)
      %mul3A_184 = arith.constant 7 : i32
      %mul3A_185 = arith.muli %scan3A_117, %mul3A_184 : i32
      %add3A_186 = arith.constant 2 : i32
      %add3A_187 = arith.addi %mul3A_185, %add3A_186 : i32
      %add3A_188 = arith.constant 5 : i32
      %add3A_189 = arith.addi %add3A_187, %add3A_188 : i32
      %lt3A_190 = arith.constant 50 : i32
      %lt3A_191 = arith.cmpi slt, %add3A_189, %lt3A_190 : i32
      %convert_element_type3A_192 = arith.extui %lt3A_191 : i1 to i32
      %cond3A_193 = arith.constant 0 : i32
      %cond3A_194 = arith.cmpi ne, %convert_element_type3A_192, %cond3A_193 : i32
      scf.if %cond3A_194 {
        %ge3A = arith.constant 2 : i32
        %ge3A_355 = arith.cmpi sge, %add3A_187, %ge3A : i32
        %convert_element_type3A_356 = arith.extui %ge3A_355 : i1 to i32
        %cond3A_357 = arith.constant 0 : i32
        %cond3A_358 = arith.cmpi ne, %convert_element_type3A_356, %cond3A_357 : i32
        scf.if %cond3A_358 {
          %sub3A = arith.constant 2 : i32
          %sub3A_374 = arith.subi %add3A_187, %sub3A : i32
          %mul3A_375 = arith.constant 128 : i32
          %mul3A_376 = arith.muli %sub3A_374, %mul3A_375 : i32
          %add3A_377 = arith.addi %mul3A_2, %mul3A_376 : i32
          %dma_wait3A_378 = arith.constant 0 : i32
          %dma_wait3A_379 = tpu.memref_slice %arg4[%add3A_377, %dma_wait3A_378] : memref<204800x128xf32, #tpu.memory_space<hbm>> -> memref<128x128xf32, #tpu.memory_space<hbm>>
          %dma_wait3A_380 = arith.constant 0 : i32
          %dma_wait3A_381 = tpu.memref_slice %arg4[%add3A_377, %dma_wait3A_380] : memref<204800x128xf32, #tpu.memory_space<hbm>> -> memref<128x128xf32, #tpu.memory_space<hbm>>
          tpu.wait_dma2 semaphore(%arg20 : memref<!tpu.dma_semaphore, #tpu.memory_space<semaphore_mem>>) src(%arg6 : memref<128x128xf32, #tpu.memory_space<vmem>>) dst(%dma_wait3A_381 : memref<128x128xf32, #tpu.memory_space<hbm>>)
        } else {
        }
        %add3A_359 = arith.constant 5 : i32
        %add3A_360 = arith.addi %add3A_187, %add3A_359 : i32
        %mul3A_361 = arith.constant 1 : i32
        %mul3A_362 = arith.muli %mul3A_361, %add3A_360 : i32
        %add3A_363 = arith.constant 0 : i32
        %add3A_364 = arith.addi %mul3A_362, %add3A_363 : i32
        %dma_start3A_365 = arith.constant 0 : i32
        %dma_start3A_366 = arith.constant 0 : i32
        %dma_start3A_367 = tpu.memref_slice %arg6[%dma_start3A_365, %dma_start3A_366] : memref<128x128xf32, #tpu.memory_space<vmem>> -> memref<128x128xf32, #tpu.memory_space<vmem>>
        %dma_start3A_368 = arith.constant 0 : i32
        %dma_start3A_369 = tpu.memref_slice %arg5[%add3A_364, %dma_start3A_368] : memref<50x128xi32, #tpu.memory_space<vmem>> -> memref<1x128xi32, #tpu.memory_space<vmem>>
        %dma_start3A_370 = tpu.memref_squeeze %dma_start3A_369 : memref<1x128xi32, #tpu.memory_space<vmem>> -> memref<128xi32, #tpu.memory_space<vmem>>
        %dma_start3A_371 = arith.constant 0 : i32
        %dma_start3A_372 = arith.constant 0 : i32
        %dma_start3A_373 = tpu.memref_slice %arg3[%dma_start3A_371, %dma_start3A_372] : memref<1000000x128xf32, #tpu.memory_space<hbm>> -> memref<1000000x128xf32, #tpu.memory_space<hbm>>
        tpu.enqueue_indirect_dma source(%dma_start3A_373 : memref<1000000x128xf32, #tpu.memory_space<hbm>>) target(%dma_start3A_367 : memref<128x128xf32, #tpu.memory_space<vmem>>) offsets(%dma_start3A_370 : memref<128xi32, #tpu.memory_space<vmem>>) semaphore(%arg13 : memref<!tpu.dma_semaphore, #tpu.memory_space<semaphore_mem>>)
      } else {
      }
      %mul3A_195 = arith.constant 1 : i32
      %mul3A_196 = arith.muli %mul3A_195, %add3A_187 : i32
      %add3A_197 = arith.constant 0 : i32
      %add3A_198 = arith.addi %mul3A_196, %add3A_197 : i32
      %dma_wait3A_199 = arith.constant 0 : i32
      %dma_wait3A_200 = arith.constant 0 : i32
      %dma_wait3A_201 = tpu.memref_slice %arg8[%dma_wait3A_199, %dma_wait3A_200] : memref<128x128xf32, #tpu.memory_space<vmem>> -> memref<128x128xf32, #tpu.memory_space<vmem>>
      %dma_wait3A_202 = arith.constant 0 : i32
      %dma_wait3A_203 = tpu.memref_slice %arg5[%add3A_198, %dma_wait3A_202] : memref<50x128xi32, #tpu.memory_space<vmem>> -> memref<1x128xi32, #tpu.memory_space<vmem>>
      %dma_wait3A_204 = tpu.memref_squeeze %dma_wait3A_203 : memref<1x128xi32, #tpu.memory_space<vmem>> -> memref<128xi32, #tpu.memory_space<vmem>>
      %dma_wait3A_205 = arith.constant 0 : i32
      %dma_wait3A_206 = arith.constant 0 : i32
      %dma_wait3A_207 = tpu.memref_slice %arg3[%dma_wait3A_205, %dma_wait3A_206] : memref<1000000x128xf32, #tpu.memory_space<hbm>> -> memref<1000000x128xf32, #tpu.memory_space<hbm>>
      tpu.wait_indirect_dma semaphore(%arg15 : memref<!tpu.dma_semaphore, #tpu.memory_space<semaphore_mem>>) src(%dma_wait3A_207 : memref<1000000x128xf32, #tpu.memory_space<hbm>>) dst(%dma_wait3A_201 : memref<128x128xf32, #tpu.memory_space<vmem>>)
      %parallel_loop3A_208 = arith.constant 0 : i32
      %parallel_loop3A_209 = arith.constant 128 : i32
      %parallel_loop3A_210 = arith.constant 1 : i32
      scf.for %parallel_loop3A_355 = %parallel_loop3A_208 to %parallel_loop3A_209 step %parallel_loop3A_210  : i32 {
        %parallel_loop3A_356 = arith.index_cast %parallel_loop3A_355 : i32 to index
        %parallel_loop3A_357 = arith.constant 0 : index
        %parallel_loop3A_358 = tpu.vector_load %arg8[%parallel_loop3A_356, %parallel_loop3A_357] {strides = array<i32>} : memref<128x128xf32, #tpu.memory_space<vmem>>, vector<1x16xf32>,
        %parallel_loop3A_359 = vector.shape_cast %parallel_loop3A_358 : vector<1x16xf32> to vector<16xf32>
        %parallel_loop3A_360 = arith.constant 11.3137083 : f32
        %parallel_loop3A_361 = vector.broadcast %parallel_loop3A_360 : f32 to vector<16xf32>
        %parallel_loop3A_362 = arith.mulf %parallel_loop3A_359, %parallel_loop3A_361 : vector<16xf32>
        %parallel_loop3A_363 = arith.index_cast %parallel_loop3A_355 : i32 to index
        %parallel_loop3A_364 = arith.constant 0 : index
        %parallel_loop3A_365 = tpu.vector_load %arg8[%parallel_loop3A_363, %parallel_loop3A_364] {strides = array<i32>} : memref<128x128xf32, #tpu.memory_space<vmem>>, vector<1x16xf32>,
        %parallel_loop3A_366 = vector.shape_cast %parallel_loop3A_365 : vector<1x16xf32> to vector<16xf32>
        %parallel_loop3A_367 = vector.shape_cast %parallel_loop3A_362 : vector<16xf32> to vector<1x16xf32>
        tpu.vector_store %arg8[%parallel_loop3A_363, %parallel_loop3A_364], %parallel_loop3A_367 {strides = array<i32>} : memref<128x128xf32, #tpu.memory_space<vmem>>, vector<1x16xf32>,
        %parallel_loop3A_368 = arith.index_cast %parallel_loop3A_355 : i32 to index
        %parallel_loop3A_369 = arith.constant 16 : index
        %parallel_loop3A_370 = tpu.vector_load %arg8[%parallel_loop3A_368, %parallel_loop3A_369] {strides = array<i32>} : memref<128x128xf32, #tpu.memory_space<vmem>>, vector<1x16xf32>,
        %parallel_loop3A_371 = vector.shape_cast %parallel_loop3A_370 : vector<1x16xf32> to vector<16xf32>
        %parallel_loop3A_372 = arith.constant 11.3137083 : f32
        %parallel_loop3A_373 = vector.broadcast %parallel_loop3A_372 : f32 to vector<16xf32>
        %parallel_loop3A_374 = arith.mulf %parallel_loop3A_371, %parallel_loop3A_373 : vector<16xf32>
        %parallel_loop3A_375 = arith.index_cast %parallel_loop3A_355 : i32 to index
        %parallel_loop3A_376 = arith.constant 16 : index
        %parallel_loop3A_377 = tpu.vector_load %arg8[%parallel_loop3A_375, %parallel_loop3A_376] {strides = array<i32>} : memref<128x128xf32, #tpu.memory_space<vmem>>, vector<1x16xf32>,
        %parallel_loop3A_378 = vector.shape_cast %parallel_loop3A_377 : vector<1x16xf32> to vector<16xf32>
        %parallel_loop3A_379 = vector.shape_cast %parallel_loop3A_374 : vector<16xf32> to vector<1x16xf32>
        tpu.vector_store %arg8[%parallel_loop3A_375, %parallel_loop3A_376], %parallel_loop3A_379 {strides = array<i32>} : memref<128x128xf32, #tpu.memory_space<vmem>>, vector<1x16xf32>,
        %parallel_loop3A_380 = arith.index_cast %parallel_loop3A_355 : i32 to index
        %parallel_loop3A_381 = arith.constant 32 : index
        %parallel_loop3A_382 = tpu.vector_load %arg8[%parallel_loop3A_380, %parallel_loop3A_381] {strides = array<i32>} : memref<128x128xf32, #tpu.memory_space<vmem>>, vector<1x16xf32>,
        %parallel_loop3A_383 = vector.shape_cast %parallel_loop3A_382 : vector<1x16xf32> to vector<16xf32>
        %parallel_loop3A_384 = arith.constant 11.3137083 : f32
        %parallel_loop3A_385 = vector.broadcast %parallel_loop3A_384 : f32 to vector<16xf32>
        %parallel_loop3A_386 = arith.mulf %parallel_loop3A_383, %parallel_loop3A_385 : vector<16xf32>
        %parallel_loop3A_387 = arith.index_cast %parallel_loop3A_355 : i32 to index
        %parallel_loop3A_388 = arith.constant 32 : index
        %parallel_loop3A_389 = tpu.vector_load %arg8[%parallel_loop3A_387, %parallel_loop3A_388] {strides = array<i32>} : memref<128x128xf32, #tpu.memory_space<vmem>>, vector<1x16xf32>,
        %parallel_loop3A_390 = vector.shape_cast %parallel_loop3A_389 : vector<1x16xf32> to vector<16xf32>
        %parallel_loop3A_391 = vector.shape_cast %parallel_loop3A_386 : vector<16xf32> to vector<1x16xf32>
        tpu.vector_store %arg8[%parallel_loop3A_387, %parallel_loop3A_388], %parallel_loop3A_391 {strides = array<i32>} : memref<128x128xf32, #tpu.memory_space<vmem>>, vector<1x16xf32>,
        %parallel_loop3A_392 = arith.index_cast %parallel_loop3A_355 : i32 to index
        %parallel_loop3A_393 = arith.constant 48 : index
        %parallel_loop3A_394 = tpu.vector_load %arg8[%parallel_loop3A_392, %parallel_loop3A_393] {strides = array<i32>} : memref<128x128xf32, #tpu.memory_space<vmem>>, vector<1x16xf32>,
        %parallel_loop3A_395 = vector.shape_cast %parallel_loop3A_394 : vector<1x16xf32> to vector<16xf32>
        %parallel_loop3A_396 = arith.constant 11.3137083 : f32
        %parallel_loop3A_397 = vector.broadcast %parallel_loop3A_396 : f32 to vector<16xf32>
        %parallel_loop3A_398 = arith.mulf %parallel_loop3A_395, %parallel_loop3A_397 : vector<16xf32>
        %parallel_loop3A_399 = arith.index_cast %parallel_loop3A_355 : i32 to index
        %parallel_loop3A_400 = arith.constant 48 : index
        %parallel_loop3A_401 = tpu.vector_load %arg8[%parallel_loop3A_399, %parallel_loop3A_400] {strides = array<i32>} : memref<128x128xf32, #tpu.memory_space<vmem>>, vector<1x16xf32>,
        %parallel_loop3A_402 = vector.shape_cast %parallel_loop3A_401 : vector<1x16xf32> to vector<16xf32>
        %parallel_loop3A_403 = vector.shape_cast %parallel_loop3A_398 : vector<16xf32> to vector<1x16xf32>
        tpu.vector_store %arg8[%parallel_loop3A_399, %parallel_loop3A_400], %parallel_loop3A_403 {strides = array<i32>} : memref<128x128xf32, #tpu.memory_space<vmem>>, vector<1x16xf32>,
        %parallel_loop3A_404 = arith.index_cast %parallel_loop3A_355 : i32 to index
        %parallel_loop3A_405 = arith.constant 64 : index
        %parallel_loop3A_406 = tpu.vector_load %arg8[%parallel_loop3A_404, %parallel_loop3A_405] {strides = array<i32>} : memref<128x128xf32, #tpu.memory_space<vmem>>, vector<1x16xf32>,
        %parallel_loop3A_407 = vector.shape_cast %parallel_loop3A_406 : vector<1x16xf32> to vector<16xf32>
        %parallel_loop3A_408 = arith.constant 11.3137083 : f32
        %parallel_loop3A_409 = vector.broadcast %parallel_loop3A_408 : f32 to vector<16xf32>
        %parallel_loop3A_410 = arith.mulf %parallel_loop3A_407, %parallel_loop3A_409 : vector<16xf32>
        %parallel_loop3A_411 = arith.index_cast %parallel_loop3A_355 : i32 to index
        %parallel_loop3A_412 = arith.constant 64 : index
        %parallel_loop3A_413 = tpu.vector_load %arg8[%parallel_loop3A_411, %parallel_loop3A_412] {strides = array<i32>} : memref<128x128xf32, #tpu.memory_space<vmem>>, vector<1x16xf32>,
        %parallel_loop3A_414 = vector.shape_cast %parallel_loop3A_413 : vector<1x16xf32> to vector<16xf32>
        %parallel_loop3A_415 = vector.shape_cast %parallel_loop3A_410 : vector<16xf32> to vector<1x16xf32>
        tpu.vector_store %arg8[%parallel_loop3A_411, %parallel_loop3A_412], %parallel_loop3A_415 {strides = array<i32>} : memref<128x128xf32, #tpu.memory_space<vmem>>, vector<1x16xf32>,
        %parallel_loop3A_416 = arith.index_cast %parallel_loop3A_355 : i32 to index
        %parallel_loop3A_417 = arith.constant 80 : index
        %parallel_loop3A_418 = tpu.vector_load %arg8[%parallel_loop3A_416, %parallel_loop3A_417] {strides = array<i32>} : memref<128x128xf32, #tpu.memory_space<vmem>>, vector<1x16xf32>,
        %parallel_loop3A_419 = vector.shape_cast %parallel_loop3A_418 : vector<1x16xf32> to vector<16xf32>
        %parallel_loop3A_420 = arith.constant 11.3137083 : f32
        %parallel_loop3A_421 = vector.broadcast %parallel_loop3A_420 : f32 to vector<16xf32>
        %parallel_loop3A_422 = arith.mulf %parallel_loop3A_419, %parallel_loop3A_421 : vector<16xf32>
        %parallel_loop3A_423 = arith.index_cast %parallel_loop3A_355 : i32 to index
        %parallel_loop3A_424 = arith.constant 80 : index
        %parallel_loop3A_425 = tpu.vector_load %arg8[%parallel_loop3A_423, %parallel_loop3A_424] {strides = array<i32>} : memref<128x128xf32, #tpu.memory_space<vmem>>, vector<1x16xf32>,
        %parallel_loop3A_426 = vector.shape_cast %parallel_loop3A_425 : vector<1x16xf32> to vector<16xf32>
        %parallel_loop3A_427 = vector.shape_cast %parallel_loop3A_422 : vector<16xf32> to vector<1x16xf32>
        tpu.vector_store %arg8[%parallel_loop3A_423, %parallel_loop3A_424], %parallel_loop3A_427 {strides = array<i32>} : memref<128x128xf32, #tpu.memory_space<vmem>>, vector<1x16xf32>,
        %parallel_loop3A_428 = arith.index_cast %parallel_loop3A_355 : i32 to index
        %parallel_loop3A_429 = arith.constant 96 : index
        %parallel_loop3A_430 = tpu.vector_load %arg8[%parallel_loop3A_428, %parallel_loop3A_429] {strides = array<i32>} : memref<128x128xf32, #tpu.memory_space<vmem>>, vector<1x16xf32>,
        %parallel_loop3A_431 = vector.shape_cast %parallel_loop3A_430 : vector<1x16xf32> to vector<16xf32>
        %parallel_loop3A_432 = arith.constant 11.3137083 : f32
        %parallel_loop3A_433 = vector.broadcast %parallel_loop3A_432 : f32 to vector<16xf32>
        %parallel_loop3A_434 = arith.mulf %parallel_loop3A_431, %parallel_loop3A_433 : vector<16xf32>
        %parallel_loop3A_435 = arith.index_cast %parallel_loop3A_355 : i32 to index
        %parallel_loop3A_436 = arith.constant 96 : index
        %parallel_loop3A_437 = tpu.vector_load %arg8[%parallel_loop3A_435, %parallel_loop3A_436] {strides = array<i32>} : memref<128x128xf32, #tpu.memory_space<vmem>>, vector<1x16xf32>,
        %parallel_loop3A_438 = vector.shape_cast %parallel_loop3A_437 : vector<1x16xf32> to vector<16xf32>
        %parallel_loop3A_439 = vector.shape_cast %parallel_loop3A_434 : vector<16xf32> to vector<1x16xf32>
        tpu.vector_store %arg8[%parallel_loop3A_435, %parallel_loop3A_436], %parallel_loop3A_439 {strides = array<i32>} : memref<128x128xf32, #tpu.memory_space<vmem>>, vector<1x16xf32>,
        %parallel_loop3A_440 = arith.index_cast %parallel_loop3A_355 : i32 to index
        %parallel_loop3A_441 = arith.constant 112 : index
        %parallel_loop3A_442 = tpu.vector_load %arg8[%parallel_loop3A_440, %parallel_loop3A_441] {strides = array<i32>} : memref<128x128xf32, #tpu.memory_space<vmem>>, vector<1x16xf32>,
        %parallel_loop3A_443 = vector.shape_cast %parallel_loop3A_442 : vector<1x16xf32> to vector<16xf32>
        %parallel_loop3A_444 = arith.constant 11.3137083 : f32
        %parallel_loop3A_445 = vector.broadcast %parallel_loop3A_444 : f32 to vector<16xf32>
        %parallel_loop3A_446 = arith.mulf %parallel_loop3A_443, %parallel_loop3A_445 : vector<16xf32>
        %parallel_loop3A_447 = arith.index_cast %parallel_loop3A_355 : i32 to index
        %parallel_loop3A_448 = arith.constant 112 : index
        %parallel_loop3A_449 = tpu.vector_load %arg8[%parallel_loop3A_447, %parallel_loop3A_448] {strides = array<i32>} : memref<128x128xf32, #tpu.memory_space<vmem>>, vector<1x16xf32>,
        %parallel_loop3A_450 = vector.shape_cast %parallel_loop3A_449 : vector<1x16xf32> to vector<16xf32>
        %parallel_loop3A_451 = vector.shape_cast %parallel_loop3A_446 : vector<16xf32> to vector<1x16xf32>
        tpu.vector_store %arg8[%parallel_loop3A_447, %parallel_loop3A_448], %parallel_loop3A_451 {strides = array<i32>} : memref<128x128xf32, #tpu.memory_space<vmem>>, vector<1x16xf32>,
      } {sc.loop_unroll_factor = 4 : i64, sc.parallel_access}
      %mul3A_211 = arith.constant 128 : i32
      %mul3A_212 = arith.muli %add3A_187, %mul3A_211 : i32
      %add3A_213 = arith.addi %mul3A_2, %mul3A_212 : i32
      %dma_start3A_214 = arith.constant 0 : i32
      %dma_start3A_215 = tpu.memref_slice %arg4[%add3A_213, %dma_start3A_214] : memref<204800x128xf32, #tpu.memory_space<hbm>> -> memref<128x128xf32, #tpu.memory_space<hbm>>
      %dma_start3A_216 = arith.constant 0 : i32
      %dma_start3A_217 = tpu.memref_slice %arg4[%add3A_213, %dma_start3A_216] : memref<204800x128xf32, #tpu.memory_space<hbm>> -> memref<128x128xf32, #tpu.memory_space<hbm>>
      tpu.enqueue_dma source(%arg8 : memref<128x128xf32, #tpu.memory_space<vmem>>) target(%dma_start3A_217 : memref<128x128xf32, #tpu.memory_space<hbm>>) target_semaphore(%arg22 : memref<!tpu.dma_semaphore, #tpu.memory_space<semaphore_mem>>)
      %mul3A_218 = arith.constant 7 : i32
      %mul3A_219 = arith.muli %scan3A_117, %mul3A_218 : i32
      %add3A_220 = arith.constant 3 : i32
      %add3A_221 = arith.addi %mul3A_219, %add3A_220 : i32
      %add3A_222 = arith.constant 5 : i32
      %add3A_223 = arith.addi %add3A_221, %add3A_222 : i32
      %lt3A_224 = arith.constant 50 : i32
      %lt3A_225 = arith.cmpi slt, %add3A_223, %lt3A_224 : i32
      %convert_element_type3A_226 = arith.extui %lt3A_225 : i1 to i32
      %cond3A_227 = arith.constant 0 : i32
      %cond3A_228 = arith.cmpi ne, %convert_element_type3A_226, %cond3A_227 : i32
      scf.if %cond3A_228 {
        %ge3A = arith.constant 2 : i32
        %ge3A_355 = arith.cmpi sge, %add3A_221, %ge3A : i32
        %convert_element_type3A_356 = arith.extui %ge3A_355 : i1 to i32
        %cond3A_357 = arith.constant 0 : i32
        %cond3A_358 = arith.cmpi ne, %convert_element_type3A_356, %cond3A_357 : i32
        scf.if %cond3A_358 {
          %sub3A = arith.constant 2 : i32
          %sub3A_374 = arith.subi %add3A_221, %sub3A : i32
          %mul3A_375 = arith.constant 128 : i32
          %mul3A_376 = arith.muli %sub3A_374, %mul3A_375 : i32
          %add3A_377 = arith.addi %mul3A_2, %mul3A_376 : i32
          %dma_wait3A_378 = arith.constant 0 : i32
          %dma_wait3A_379 = tpu.memref_slice %arg4[%add3A_377, %dma_wait3A_378] : memref<204800x128xf32, #tpu.memory_space<hbm>> -> memref<128x128xf32, #tpu.memory_space<hbm>>
          %dma_wait3A_380 = arith.constant 0 : i32
          %dma_wait3A_381 = tpu.memref_slice %arg4[%add3A_377, %dma_wait3A_380] : memref<204800x128xf32, #tpu.memory_space<hbm>> -> memref<128x128xf32, #tpu.memory_space<hbm>>
          tpu.wait_dma2 semaphore(%arg21 : memref<!tpu.dma_semaphore, #tpu.memory_space<semaphore_mem>>) src(%arg7 : memref<128x128xf32, #tpu.memory_space<vmem>>) dst(%dma_wait3A_381 : memref<128x128xf32, #tpu.memory_space<hbm>>)
        } else {
        }
        %add3A_359 = arith.constant 5 : i32
        %add3A_360 = arith.addi %add3A_221, %add3A_359 : i32
        %mul3A_361 = arith.constant 1 : i32
        %mul3A_362 = arith.muli %mul3A_361, %add3A_360 : i32
        %add3A_363 = arith.constant 0 : i32
        %add3A_364 = arith.addi %mul3A_362, %add3A_363 : i32
        %dma_start3A_365 = arith.constant 0 : i32
        %dma_start3A_366 = arith.constant 0 : i32
        %dma_start3A_367 = tpu.memref_slice %arg7[%dma_start3A_365, %dma_start3A_366] : memref<128x128xf32, #tpu.memory_space<vmem>> -> memref<128x128xf32, #tpu.memory_space<vmem>>
        %dma_start3A_368 = arith.constant 0 : i32
        %dma_start3A_369 = tpu.memref_slice %arg5[%add3A_364, %dma_start3A_368] : memref<50x128xi32, #tpu.memory_space<vmem>> -> memref<1x128xi32, #tpu.memory_space<vmem>>
        %dma_start3A_370 = tpu.memref_squeeze %dma_start3A_369 : memref<1x128xi32, #tpu.memory_space<vmem>> -> memref<128xi32, #tpu.memory_space<vmem>>
        %dma_start3A_371 = arith.constant 0 : i32
        %dma_start3A_372 = arith.constant 0 : i32
        %dma_start3A_373 = tpu.memref_slice %arg3[%dma_start3A_371, %dma_start3A_372] : memref<1000000x128xf32, #tpu.memory_space<hbm>> -> memref<1000000x128xf32, #tpu.memory_space<hbm>>
        tpu.enqueue_indirect_dma source(%dma_start3A_373 : memref<1000000x128xf32, #tpu.memory_space<hbm>>) target(%dma_start3A_367 : memref<128x128xf32, #tpu.memory_space<vmem>>) offsets(%dma_start3A_370 : memref<128xi32, #tpu.memory_space<vmem>>) semaphore(%arg14 : memref<!tpu.dma_semaphore, #tpu.memory_space<semaphore_mem>>)
      } else {
      }
      %mul3A_229 = arith.constant 1 : i32
      %mul3A_230 = arith.muli %mul3A_229, %add3A_221 : i32
      %add3A_231 = arith.constant 0 : i32
      %add3A_232 = arith.addi %mul3A_230, %add3A_231 : i32
      %dma_wait3A_233 = arith.constant 0 : i32
      %dma_wait3A_234 = arith.constant 0 : i32
      %dma_wait3A_235 = tpu.memref_slice %arg9[%dma_wait3A_233, %dma_wait3A_234] : memref<128x128xf32, #tpu.memory_space<vmem>> -> memref<128x128xf32, #tpu.memory_space<vmem>>
      %dma_wait3A_236 = arith.constant 0 : i32
      %dma_wait3A_237 = tpu.memref_slice %arg5[%add3A_232, %dma_wait3A_236] : memref<50x128xi32, #tpu.memory_space<vmem>> -> memref<1x128xi32, #tpu.memory_space<vmem>>
      %dma_wait3A_238 = tpu.memref_squeeze %dma_wait3A_237 : memref<1x128xi32, #tpu.memory_space<vmem>> -> memref<128xi32, #tpu.memory_space<vmem>>
      %dma_wait3A_239 = arith.constant 0 : i32
      %dma_wait3A_240 = arith.constant 0 : i32
      %dma_wait3A_241 = tpu.memref_slice %arg3[%dma_wait3A_239, %dma_wait3A_240] : memref<1000000x128xf32, #tpu.memory_space<hbm>> -> memref<1000000x128xf32, #tpu.memory_space<hbm>>
      tpu.wait_indirect_dma semaphore(%arg16 : memref<!tpu.dma_semaphore, #tpu.memory_space<semaphore_mem>>) src(%dma_wait3A_241 : memref<1000000x128xf32, #tpu.memory_space<hbm>>) dst(%dma_wait3A_235 : memref<128x128xf32, #tpu.memory_space<vmem>>)
      %parallel_loop3A_242 = arith.constant 0 : i32
      %parallel_loop3A_243 = arith.constant 128 : i32
      %parallel_loop3A_244 = arith.constant 1 : i32
      scf.for %parallel_loop3A_355 = %parallel_loop3A_242 to %parallel_loop3A_243 step %parallel_loop3A_244  : i32 {
        %parallel_loop3A_356 = arith.index_cast %parallel_loop3A_355 : i32 to index
        %parallel_loop3A_357 = arith.constant 0 : index
        %parallel_loop3A_358 = tpu.vector_load %arg9[%parallel_loop3A_356, %parallel_loop3A_357] {strides = array<i32>} : memref<128x128xf32, #tpu.memory_space<vmem>>, vector<1x16xf32>,
        %parallel_loop3A_359 = vector.shape_cast %parallel_loop3A_358 : vector<1x16xf32> to vector<16xf32>
        %parallel_loop3A_360 = arith.constant 11.3137083 : f32
        %parallel_loop3A_361 = vector.broadcast %parallel_loop3A_360 : f32 to vector<16xf32>
        %parallel_loop3A_362 = arith.mulf %parallel_loop3A_359, %parallel_loop3A_361 : vector<16xf32>
        %parallel_loop3A_363 = arith.index_cast %parallel_loop3A_355 : i32 to index
        %parallel_loop3A_364 = arith.constant 0 : index
        %parallel_loop3A_365 = tpu.vector_load %arg9[%parallel_loop3A_363, %parallel_loop3A_364] {strides = array<i32>} : memref<128x128xf32, #tpu.memory_space<vmem>>, vector<1x16xf32>,
        %parallel_loop3A_366 = vector.shape_cast %parallel_loop3A_365 : vector<1x16xf32> to vector<16xf32>
        %parallel_loop3A_367 = vector.shape_cast %parallel_loop3A_362 : vector<16xf32> to vector<1x16xf32>
        tpu.vector_store %arg9[%parallel_loop3A_363, %parallel_loop3A_364], %parallel_loop3A_367 {strides = array<i32>} : memref<128x128xf32, #tpu.memory_space<vmem>>, vector<1x16xf32>,
        %parallel_loop3A_368 = arith.index_cast %parallel_loop3A_355 : i32 to index
        %parallel_loop3A_369 = arith.constant 16 : index
        %parallel_loop3A_370 = tpu.vector_load %arg9[%parallel_loop3A_368, %parallel_loop3A_369] {strides = array<i32>} : memref<128x128xf32, #tpu.memory_space<vmem>>, vector<1x16xf32>,
        %parallel_loop3A_371 = vector.shape_cast %parallel_loop3A_370 : vector<1x16xf32> to vector<16xf32>
        %parallel_loop3A_372 = arith.constant 11.3137083 : f32
        %parallel_loop3A_373 = vector.broadcast %parallel_loop3A_372 : f32 to vector<16xf32>
        %parallel_loop3A_374 = arith.mulf %parallel_loop3A_371, %parallel_loop3A_373 : vector<16xf32>
        %parallel_loop3A_375 = arith.index_cast %parallel_loop3A_355 : i32 to index
        %parallel_loop3A_376 = arith.constant 16 : index
        %parallel_loop3A_377 = tpu.vector_load %arg9[%parallel_loop3A_375, %parallel_loop3A_376] {strides = array<i32>} : memref<128x128xf32, #tpu.memory_space<vmem>>, vector<1x16xf32>,
        %parallel_loop3A_378 = vector.shape_cast %parallel_loop3A_377 : vector<1x16xf32> to vector<16xf32>
        %parallel_loop3A_379 = vector.shape_cast %parallel_loop3A_374 : vector<16xf32> to vector<1x16xf32>
        tpu.vector_store %arg9[%parallel_loop3A_375, %parallel_loop3A_376], %parallel_loop3A_379 {strides = array<i32>} : memref<128x128xf32, #tpu.memory_space<vmem>>, vector<1x16xf32>,
        %parallel_loop3A_380 = arith.index_cast %parallel_loop3A_355 : i32 to index
        %parallel_loop3A_381 = arith.constant 32 : index
        %parallel_loop3A_382 = tpu.vector_load %arg9[%parallel_loop3A_380, %parallel_loop3A_381] {strides = array<i32>} : memref<128x128xf32, #tpu.memory_space<vmem>>, vector<1x16xf32>,
        %parallel_loop3A_383 = vector.shape_cast %parallel_loop3A_382 : vector<1x16xf32> to vector<16xf32>
        %parallel_loop3A_384 = arith.constant 11.3137083 : f32
        %parallel_loop3A_385 = vector.broadcast %parallel_loop3A_384 : f32 to vector<16xf32>
        %parallel_loop3A_386 = arith.mulf %parallel_loop3A_383, %parallel_loop3A_385 : vector<16xf32>
        %parallel_loop3A_387 = arith.index_cast %parallel_loop3A_355 : i32 to index
        %parallel_loop3A_388 = arith.constant 32 : index
        %parallel_loop3A_389 = tpu.vector_load %arg9[%parallel_loop3A_387, %parallel_loop3A_388] {strides = array<i32>} : memref<128x128xf32, #tpu.memory_space<vmem>>, vector<1x16xf32>,
        %parallel_loop3A_390 = vector.shape_cast %parallel_loop3A_389 : vector<1x16xf32> to vector<16xf32>
        %parallel_loop3A_391 = vector.shape_cast %parallel_loop3A_386 : vector<16xf32> to vector<1x16xf32>
        tpu.vector_store %arg9[%parallel_loop3A_387, %parallel_loop3A_388], %parallel_loop3A_391 {strides = array<i32>} : memref<128x128xf32, #tpu.memory_space<vmem>>, vector<1x16xf32>,
        %parallel_loop3A_392 = arith.index_cast %parallel_loop3A_355 : i32 to index
        %parallel_loop3A_393 = arith.constant 48 : index
        %parallel_loop3A_394 = tpu.vector_load %arg9[%parallel_loop3A_392, %parallel_loop3A_393] {strides = array<i32>} : memref<128x128xf32, #tpu.memory_space<vmem>>, vector<1x16xf32>,
        %parallel_loop3A_395 = vector.shape_cast %parallel_loop3A_394 : vector<1x16xf32> to vector<16xf32>
        %parallel_loop3A_396 = arith.constant 11.3137083 : f32
        %parallel_loop3A_397 = vector.broadcast %parallel_loop3A_396 : f32 to vector<16xf32>
        %parallel_loop3A_398 = arith.mulf %parallel_loop3A_395, %parallel_loop3A_397 : vector<16xf32>
        %parallel_loop3A_399 = arith.index_cast %parallel_loop3A_355 : i32 to index
        %parallel_loop3A_400 = arith.constant 48 : index
        %parallel_loop3A_401 = tpu.vector_load %arg9[%parallel_loop3A_399, %parallel_loop3A_400] {strides = array<i32>} : memref<128x128xf32, #tpu.memory_space<vmem>>, vector<1x16xf32>,
        %parallel_loop3A_402 = vector.shape_cast %parallel_loop3A_401 : vector<1x16xf32> to vector<16xf32>
        %parallel_loop3A_403 = vector.shape_cast %parallel_loop3A_398 : vector<16xf32> to vector<1x16xf32>
        tpu.vector_store %arg9[%parallel_loop3A_399, %parallel_loop3A_400], %parallel_loop3A_403 {strides = array<i32>} : memref<128x128xf32, #tpu.memory_space<vmem>>, vector<1x16xf32>,
        %parallel_loop3A_404 = arith.index_cast %parallel_loop3A_355 : i32 to index
        %parallel_loop3A_405 = arith.constant 64 : index
        %parallel_loop3A_406 = tpu.vector_load %arg9[%parallel_loop3A_404, %parallel_loop3A_405] {strides = array<i32>} : memref<128x128xf32, #tpu.memory_space<vmem>>, vector<1x16xf32>,
        %parallel_loop3A_407 = vector.shape_cast %parallel_loop3A_406 : vector<1x16xf32> to vector<16xf32>
        %parallel_loop3A_408 = arith.constant 11.3137083 : f32
        %parallel_loop3A_409 = vector.broadcast %parallel_loop3A_408 : f32 to vector<16xf32>
        %parallel_loop3A_410 = arith.mulf %parallel_loop3A_407, %parallel_loop3A_409 : vector<16xf32>
        %parallel_loop3A_411 = arith.index_cast %parallel_loop3A_355 : i32 to index
        %parallel_loop3A_412 = arith.constant 64 : index
        %parallel_loop3A_413 = tpu.vector_load %arg9[%parallel_loop3A_411, %parallel_loop3A_412] {strides = array<i32>} : memref<128x128xf32, #tpu.memory_space<vmem>>, vector<1x16xf32>,
        %parallel_loop3A_414 = vector.shape_cast %parallel_loop3A_413 : vector<1x16xf32> to vector<16xf32>
        %parallel_loop3A_415 = vector.shape_cast %parallel_loop3A_410 : vector<16xf32> to vector<1x16xf32>
        tpu.vector_store %arg9[%parallel_loop3A_411, %parallel_loop3A_412], %parallel_loop3A_415 {strides = array<i32>} : memref<128x128xf32, #tpu.memory_space<vmem>>, vector<1x16xf32>,
        %parallel_loop3A_416 = arith.index_cast %parallel_loop3A_355 : i32 to index
        %parallel_loop3A_417 = arith.constant 80 : index
        %parallel_loop3A_418 = tpu.vector_load %arg9[%parallel_loop3A_416, %parallel_loop3A_417] {strides = array<i32>} : memref<128x128xf32, #tpu.memory_space<vmem>>, vector<1x16xf32>,
        %parallel_loop3A_419 = vector.shape_cast %parallel_loop3A_418 : vector<1x16xf32> to vector<16xf32>
        %parallel_loop3A_420 = arith.constant 11.3137083 : f32
        %parallel_loop3A_421 = vector.broadcast %parallel_loop3A_420 : f32 to vector<16xf32>
        %parallel_loop3A_422 = arith.mulf %parallel_loop3A_419, %parallel_loop3A_421 : vector<16xf32>
        %parallel_loop3A_423 = arith.index_cast %parallel_loop3A_355 : i32 to index
        %parallel_loop3A_424 = arith.constant 80 : index
        %parallel_loop3A_425 = tpu.vector_load %arg9[%parallel_loop3A_423, %parallel_loop3A_424] {strides = array<i32>} : memref<128x128xf32, #tpu.memory_space<vmem>>, vector<1x16xf32>,
        %parallel_loop3A_426 = vector.shape_cast %parallel_loop3A_425 : vector<1x16xf32> to vector<16xf32>
        %parallel_loop3A_427 = vector.shape_cast %parallel_loop3A_422 : vector<16xf32> to vector<1x16xf32>
        tpu.vector_store %arg9[%parallel_loop3A_423, %parallel_loop3A_424], %parallel_loop3A_427 {strides = array<i32>} : memref<128x128xf32, #tpu.memory_space<vmem>>, vector<1x16xf32>,
        %parallel_loop3A_428 = arith.index_cast %parallel_loop3A_355 : i32 to index
        %parallel_loop3A_429 = arith.constant 96 : index
        %parallel_loop3A_430 = tpu.vector_load %arg9[%parallel_loop3A_428, %parallel_loop3A_429] {strides = array<i32>} : memref<128x128xf32, #tpu.memory_space<vmem>>, vector<1x16xf32>,
        %parallel_loop3A_431 = vector.shape_cast %parallel_loop3A_430 : vector<1x16xf32> to vector<16xf32>
        %parallel_loop3A_432 = arith.constant 11.3137083 : f32
        %parallel_loop3A_433 = vector.broadcast %parallel_loop3A_432 : f32 to vector<16xf32>
        %parallel_loop3A_434 = arith.mulf %parallel_loop3A_431, %parallel_loop3A_433 : vector<16xf32>
        %parallel_loop3A_435 = arith.index_cast %parallel_loop3A_355 : i32 to index
        %parallel_loop3A_436 = arith.constant 96 : index
        %parallel_loop3A_437 = tpu.vector_load %arg9[%parallel_loop3A_435, %parallel_loop3A_436] {strides = array<i32>} : memref<128x128xf32, #tpu.memory_space<vmem>>, vector<1x16xf32>,
        %parallel_loop3A_438 = vector.shape_cast %parallel_loop3A_437 : vector<1x16xf32> to vector<16xf32>
        %parallel_loop3A_439 = vector.shape_cast %parallel_loop3A_434 : vector<16xf32> to vector<1x16xf32>
        tpu.vector_store %arg9[%parallel_loop3A_435, %parallel_loop3A_436], %parallel_loop3A_439 {strides = array<i32>} : memref<128x128xf32, #tpu.memory_space<vmem>>, vector<1x16xf32>,
        %parallel_loop3A_440 = arith.index_cast %parallel_loop3A_355 : i32 to index
        %parallel_loop3A_441 = arith.constant 112 : index
        %parallel_loop3A_442 = tpu.vector_load %arg9[%parallel_loop3A_440, %parallel_loop3A_441] {strides = array<i32>} : memref<128x128xf32, #tpu.memory_space<vmem>>, vector<1x16xf32>,
        %parallel_loop3A_443 = vector.shape_cast %parallel_loop3A_442 : vector<1x16xf32> to vector<16xf32>
        %parallel_loop3A_444 = arith.constant 11.3137083 : f32
        %parallel_loop3A_445 = vector.broadcast %parallel_loop3A_444 : f32 to vector<16xf32>
        %parallel_loop3A_446 = arith.mulf %parallel_loop3A_443, %parallel_loop3A_445 : vector<16xf32>
        %parallel_loop3A_447 = arith.index_cast %parallel_loop3A_355 : i32 to index
        %parallel_loop3A_448 = arith.constant 112 : index
        %parallel_loop3A_449 = tpu.vector_load %arg9[%parallel_loop3A_447, %parallel_loop3A_448] {strides = array<i32>} : memref<128x128xf32, #tpu.memory_space<vmem>>, vector<1x16xf32>,
        %parallel_loop3A_450 = vector.shape_cast %parallel_loop3A_449 : vector<1x16xf32> to vector<16xf32>
        %parallel_loop3A_451 = vector.shape_cast %parallel_loop3A_446 : vector<16xf32> to vector<1x16xf32>
        tpu.vector_store %arg9[%parallel_loop3A_447, %parallel_loop3A_448], %parallel_loop3A_451 {strides = array<i32>} : memref<128x128xf32, #tpu.memory_space<vmem>>, vector<1x16xf32>,
      } {sc.loop_unroll_factor = 4 : i64, sc.parallel_access}
      %mul3A_245 = arith.constant 128 : i32
      %mul3A_246 = arith.muli %add3A_221, %mul3A_245 : i32
      %add3A_247 = arith.addi %mul3A_2, %mul3A_246 : i32
      %dma_start3A_248 = arith.constant 0 : i32
      %dma_start3A_249 = tpu.memref_slice %arg4[%add3A_247, %dma_start3A_248] : memref<204800x128xf32, #tpu.memory_space<hbm>> -> memref<128x128xf32, #tpu.memory_space<hbm>>
      %dma_start3A_250 = arith.constant 0 : i32
      %dma_start3A_251 = tpu.memref_slice %arg4[%add3A_247, %dma_start3A_250] : memref<204800x128xf32, #tpu.memory_space<hbm>> -> memref<128x128xf32, #tpu.memory_space<hbm>>
      tpu.enqueue_dma source(%arg9 : memref<128x128xf32, #tpu.memory_space<vmem>>) target(%dma_start3A_251 : memref<128x128xf32, #tpu.memory_space<hbm>>) target_semaphore(%arg23 : memref<!tpu.dma_semaphore, #tpu.memory_space<semaphore_mem>>)
      %mul3A_252 = arith.constant 7 : i32
      %mul3A_253 = arith.muli %scan3A_117, %mul3A_252 : i32
      %add3A_254 = arith.constant 4 : i32
      %add3A_255 = arith.addi %mul3A_253, %add3A_254 : i32
      %add3A_256 = arith.constant 5 : i32
      %add3A_257 = arith.addi %add3A_255, %add3A_256 : i32
      %lt3A_258 = arith.constant 50 : i32
      %lt3A_259 = arith.cmpi slt, %add3A_257, %lt3A_258 : i32
      %convert_element_type3A_260 = arith.extui %lt3A_259 : i1 to i32
      %cond3A_261 = arith.constant 0 : i32
      %cond3A_262 = arith.cmpi ne, %convert_element_type3A_260, %cond3A_261 : i32
      scf.if %cond3A_262 {
        %ge3A = arith.constant 2 : i32
        %ge3A_355 = arith.cmpi sge, %add3A_255, %ge3A : i32
        %convert_element_type3A_356 = arith.extui %ge3A_355 : i1 to i32
        %cond3A_357 = arith.constant 0 : i32
        %cond3A_358 = arith.cmpi ne, %convert_element_type3A_356, %cond3A_357 : i32
        scf.if %cond3A_358 {
          %sub3A = arith.constant 2 : i32
          %sub3A_374 = arith.subi %add3A_255, %sub3A : i32
          %mul3A_375 = arith.constant 128 : i32
          %mul3A_376 = arith.muli %sub3A_374, %mul3A_375 : i32
          %add3A_377 = arith.addi %mul3A_2, %mul3A_376 : i32
          %dma_wait3A_378 = arith.constant 0 : i32
          %dma_wait3A_379 = tpu.memref_slice %arg4[%add3A_377, %dma_wait3A_378] : memref<204800x128xf32, #tpu.memory_space<hbm>> -> memref<128x128xf32, #tpu.memory_space<hbm>>
          %dma_wait3A_380 = arith.constant 0 : i32
          %dma_wait3A_381 = tpu.memref_slice %arg4[%add3A_377, %dma_wait3A_380] : memref<204800x128xf32, #tpu.memory_space<hbm>> -> memref<128x128xf32, #tpu.memory_space<hbm>>
          tpu.wait_dma2 semaphore(%arg22 : memref<!tpu.dma_semaphore, #tpu.memory_space<semaphore_mem>>) src(%arg8 : memref<128x128xf32, #tpu.memory_space<vmem>>) dst(%dma_wait3A_381 : memref<128x128xf32, #tpu.memory_space<hbm>>)
        } else {
        }
        %add3A_359 = arith.constant 5 : i32
        %add3A_360 = arith.addi %add3A_255, %add3A_359 : i32
        %mul3A_361 = arith.constant 1 : i32
        %mul3A_362 = arith.muli %mul3A_361, %add3A_360 : i32
        %add3A_363 = arith.constant 0 : i32
        %add3A_364 = arith.addi %mul3A_362, %add3A_363 : i32
        %dma_start3A_365 = arith.constant 0 : i32
        %dma_start3A_366 = arith.constant 0 : i32
        %dma_start3A_367 = tpu.memref_slice %arg8[%dma_start3A_365, %dma_start3A_366] : memref<128x128xf32, #tpu.memory_space<vmem>> -> memref<128x128xf32, #tpu.memory_space<vmem>>
        %dma_start3A_368 = arith.constant 0 : i32
        %dma_start3A_369 = tpu.memref_slice %arg5[%add3A_364, %dma_start3A_368] : memref<50x128xi32, #tpu.memory_space<vmem>> -> memref<1x128xi32, #tpu.memory_space<vmem>>
        %dma_start3A_370 = tpu.memref_squeeze %dma_start3A_369 : memref<1x128xi32, #tpu.memory_space<vmem>> -> memref<128xi32, #tpu.memory_space<vmem>>
        %dma_start3A_371 = arith.constant 0 : i32
        %dma_start3A_372 = arith.constant 0 : i32
        %dma_start3A_373 = tpu.memref_slice %arg3[%dma_start3A_371, %dma_start3A_372] : memref<1000000x128xf32, #tpu.memory_space<hbm>> -> memref<1000000x128xf32, #tpu.memory_space<hbm>>
        tpu.enqueue_indirect_dma source(%dma_start3A_373 : memref<1000000x128xf32, #tpu.memory_space<hbm>>) target(%dma_start3A_367 : memref<128x128xf32, #tpu.memory_space<vmem>>) offsets(%dma_start3A_370 : memref<128xi32, #tpu.memory_space<vmem>>) semaphore(%arg15 : memref<!tpu.dma_semaphore, #tpu.memory_space<semaphore_mem>>)
      } else {
      }
      %mul3A_263 = arith.constant 1 : i32
      %mul3A_264 = arith.muli %mul3A_263, %add3A_255 : i32
      %add3A_265 = arith.constant 0 : i32
      %add3A_266 = arith.addi %mul3A_264, %add3A_265 : i32
      %dma_wait3A_267 = arith.constant 0 : i32
      %dma_wait3A_268 = arith.constant 0 : i32
      %dma_wait3A_269 = tpu.memref_slice %arg10[%dma_wait3A_267, %dma_wait3A_268] : memref<128x128xf32, #tpu.memory_space<vmem>> -> memref<128x128xf32, #tpu.memory_space<vmem>>
      %dma_wait3A_270 = arith.constant 0 : i32
      %dma_wait3A_271 = tpu.memref_slice %arg5[%add3A_266, %dma_wait3A_270] : memref<50x128xi32, #tpu.memory_space<vmem>> -> memref<1x128xi32, #tpu.memory_space<vmem>>
      %dma_wait3A_272 = tpu.memref_squeeze %dma_wait3A_271 : memref<1x128xi32, #tpu.memory_space<vmem>> -> memref<128xi32, #tpu.memory_space<vmem>>
      %dma_wait3A_273 = arith.constant 0 : i32
      %dma_wait3A_274 = arith.constant 0 : i32
      %dma_wait3A_275 = tpu.memref_slice %arg3[%dma_wait3A_273, %dma_wait3A_274] : memref<1000000x128xf32, #tpu.memory_space<hbm>> -> memref<1000000x128xf32, #tpu.memory_space<hbm>>
      tpu.wait_indirect_dma semaphore(%arg17 : memref<!tpu.dma_semaphore, #tpu.memory_space<semaphore_mem>>) src(%dma_wait3A_275 : memref<1000000x128xf32, #tpu.memory_space<hbm>>) dst(%dma_wait3A_269 : memref<128x128xf32, #tpu.memory_space<vmem>>)
      %parallel_loop3A_276 = arith.constant 0 : i32
      %parallel_loop3A_277 = arith.constant 128 : i32
      %parallel_loop3A_278 = arith.constant 1 : i32
      scf.for %parallel_loop3A_355 = %parallel_loop3A_276 to %parallel_loop3A_277 step %parallel_loop3A_278  : i32 {
        %parallel_loop3A_356 = arith.index_cast %parallel_loop3A_355 : i32 to index
        %parallel_loop3A_357 = arith.constant 0 : index
        %parallel_loop3A_358 = tpu.vector_load %arg10[%parallel_loop3A_356, %parallel_loop3A_357] {strides = array<i32>} : memref<128x128xf32, #tpu.memory_space<vmem>>, vector<1x16xf32>,
        %parallel_loop3A_359 = vector.shape_cast %parallel_loop3A_358 : vector<1x16xf32> to vector<16xf32>
        %parallel_loop3A_360 = arith.constant 11.3137083 : f32
        %parallel_loop3A_361 = vector.broadcast %parallel_loop3A_360 : f32 to vector<16xf32>
        %parallel_loop3A_362 = arith.mulf %parallel_loop3A_359, %parallel_loop3A_361 : vector<16xf32>
        %parallel_loop3A_363 = arith.index_cast %parallel_loop3A_355 : i32 to index
        %parallel_loop3A_364 = arith.constant 0 : index
        %parallel_loop3A_365 = tpu.vector_load %arg10[%parallel_loop3A_363, %parallel_loop3A_364] {strides = array<i32>} : memref<128x128xf32, #tpu.memory_space<vmem>>, vector<1x16xf32>,
        %parallel_loop3A_366 = vector.shape_cast %parallel_loop3A_365 : vector<1x16xf32> to vector<16xf32>
        %parallel_loop3A_367 = vector.shape_cast %parallel_loop3A_362 : vector<16xf32> to vector<1x16xf32>
        tpu.vector_store %arg10[%parallel_loop3A_363, %parallel_loop3A_364], %parallel_loop3A_367 {strides = array<i32>} : memref<128x128xf32, #tpu.memory_space<vmem>>, vector<1x16xf32>,
        %parallel_loop3A_368 = arith.index_cast %parallel_loop3A_355 : i32 to index
        %parallel_loop3A_369 = arith.constant 16 : index
        %parallel_loop3A_370 = tpu.vector_load %arg10[%parallel_loop3A_368, %parallel_loop3A_369] {strides = array<i32>} : memref<128x128xf32, #tpu.memory_space<vmem>>, vector<1x16xf32>,
        %parallel_loop3A_371 = vector.shape_cast %parallel_loop3A_370 : vector<1x16xf32> to vector<16xf32>
        %parallel_loop3A_372 = arith.constant 11.3137083 : f32
        %parallel_loop3A_373 = vector.broadcast %parallel_loop3A_372 : f32 to vector<16xf32>
        %parallel_loop3A_374 = arith.mulf %parallel_loop3A_371, %parallel_loop3A_373 : vector<16xf32>
        %parallel_loop3A_375 = arith.index_cast %parallel_loop3A_355 : i32 to index
        %parallel_loop3A_376 = arith.constant 16 : index
        %parallel_loop3A_377 = tpu.vector_load %arg10[%parallel_loop3A_375, %parallel_loop3A_376] {strides = array<i32>} : memref<128x128xf32, #tpu.memory_space<vmem>>, vector<1x16xf32>,
        %parallel_loop3A_378 = vector.shape_cast %parallel_loop3A_377 : vector<1x16xf32> to vector<16xf32>
        %parallel_loop3A_379 = vector.shape_cast %parallel_loop3A_374 : vector<16xf32> to vector<1x16xf32>
        tpu.vector_store %arg10[%parallel_loop3A_375, %parallel_loop3A_376], %parallel_loop3A_379 {strides = array<i32>} : memref<128x128xf32, #tpu.memory_space<vmem>>, vector<1x16xf32>,
        %parallel_loop3A_380 = arith.index_cast %parallel_loop3A_355 : i32 to index
        %parallel_loop3A_381 = arith.constant 32 : index
        %parallel_loop3A_382 = tpu.vector_load %arg10[%parallel_loop3A_380, %parallel_loop3A_381] {strides = array<i32>} : memref<128x128xf32, #tpu.memory_space<vmem>>, vector<1x16xf32>,
        %parallel_loop3A_383 = vector.shape_cast %parallel_loop3A_382 : vector<1x16xf32> to vector<16xf32>
        %parallel_loop3A_384 = arith.constant 11.3137083 : f32
        %parallel_loop3A_385 = vector.broadcast %parallel_loop3A_384 : f32 to vector<16xf32>
        %parallel_loop3A_386 = arith.mulf %parallel_loop3A_383, %parallel_loop3A_385 : vector<16xf32>
        %parallel_loop3A_387 = arith.index_cast %parallel_loop3A_355 : i32 to index
        %parallel_loop3A_388 = arith.constant 32 : index
        %parallel_loop3A_389 = tpu.vector_load %arg10[%parallel_loop3A_387, %parallel_loop3A_388] {strides = array<i32>} : memref<128x128xf32, #tpu.memory_space<vmem>>, vector<1x16xf32>,
        %parallel_loop3A_390 = vector.shape_cast %parallel_loop3A_389 : vector<1x16xf32> to vector<16xf32>
        %parallel_loop3A_391 = vector.shape_cast %parallel_loop3A_386 : vector<16xf32> to vector<1x16xf32>
        tpu.vector_store %arg10[%parallel_loop3A_387, %parallel_loop3A_388], %parallel_loop3A_391 {strides = array<i32>} : memref<128x128xf32, #tpu.memory_space<vmem>>, vector<1x16xf32>,
        %parallel_loop3A_392 = arith.index_cast %parallel_loop3A_355 : i32 to index
        %parallel_loop3A_393 = arith.constant 48 : index
        %parallel_loop3A_394 = tpu.vector_load %arg10[%parallel_loop3A_392, %parallel_loop3A_393] {strides = array<i32>} : memref<128x128xf32, #tpu.memory_space<vmem>>, vector<1x16xf32>,
        %parallel_loop3A_395 = vector.shape_cast %parallel_loop3A_394 : vector<1x16xf32> to vector<16xf32>
        %parallel_loop3A_396 = arith.constant 11.3137083 : f32
        %parallel_loop3A_397 = vector.broadcast %parallel_loop3A_396 : f32 to vector<16xf32>
        %parallel_loop3A_398 = arith.mulf %parallel_loop3A_395, %parallel_loop3A_397 : vector<16xf32>
        %parallel_loop3A_399 = arith.index_cast %parallel_loop3A_355 : i32 to index
        %parallel_loop3A_400 = arith.constant 48 : index
        %parallel_loop3A_401 = tpu.vector_load %arg10[%parallel_loop3A_399, %parallel_loop3A_400] {strides = array<i32>} : memref<128x128xf32, #tpu.memory_space<vmem>>, vector<1x16xf32>,
        %parallel_loop3A_402 = vector.shape_cast %parallel_loop3A_401 : vector<1x16xf32> to vector<16xf32>
        %parallel_loop3A_403 = vector.shape_cast %parallel_loop3A_398 : vector<16xf32> to vector<1x16xf32>
        tpu.vector_store %arg10[%parallel_loop3A_399, %parallel_loop3A_400], %parallel_loop3A_403 {strides = array<i32>} : memref<128x128xf32, #tpu.memory_space<vmem>>, vector<1x16xf32>,
        %parallel_loop3A_404 = arith.index_cast %parallel_loop3A_355 : i32 to index
        %parallel_loop3A_405 = arith.constant 64 : index
        %parallel_loop3A_406 = tpu.vector_load %arg10[%parallel_loop3A_404, %parallel_loop3A_405] {strides = array<i32>} : memref<128x128xf32, #tpu.memory_space<vmem>>, vector<1x16xf32>,
        %parallel_loop3A_407 = vector.shape_cast %parallel_loop3A_406 : vector<1x16xf32> to vector<16xf32>
        %parallel_loop3A_408 = arith.constant 11.3137083 : f32
        %parallel_loop3A_409 = vector.broadcast %parallel_loop3A_408 : f32 to vector<16xf32>
        %parallel_loop3A_410 = arith.mulf %parallel_loop3A_407, %parallel_loop3A_409 : vector<16xf32>
        %parallel_loop3A_411 = arith.index_cast %parallel_loop3A_355 : i32 to index
        %parallel_loop3A_412 = arith.constant 64 : index
        %parallel_loop3A_413 = tpu.vector_load %arg10[%parallel_loop3A_411, %parallel_loop3A_412] {strides = array<i32>} : memref<128x128xf32, #tpu.memory_space<vmem>>, vector<1x16xf32>,
        %parallel_loop3A_414 = vector.shape_cast %parallel_loop3A_413 : vector<1x16xf32> to vector<16xf32>
        %parallel_loop3A_415 = vector.shape_cast %parallel_loop3A_410 : vector<16xf32> to vector<1x16xf32>
        tpu.vector_store %arg10[%parallel_loop3A_411, %parallel_loop3A_412], %parallel_loop3A_415 {strides = array<i32>} : memref<128x128xf32, #tpu.memory_space<vmem>>, vector<1x16xf32>,
        %parallel_loop3A_416 = arith.index_cast %parallel_loop3A_355 : i32 to index
        %parallel_loop3A_417 = arith.constant 80 : index
        %parallel_loop3A_418 = tpu.vector_load %arg10[%parallel_loop3A_416, %parallel_loop3A_417] {strides = array<i32>} : memref<128x128xf32, #tpu.memory_space<vmem>>, vector<1x16xf32>,
        %parallel_loop3A_419 = vector.shape_cast %parallel_loop3A_418 : vector<1x16xf32> to vector<16xf32>
        %parallel_loop3A_420 = arith.constant 11.3137083 : f32
        %parallel_loop3A_421 = vector.broadcast %parallel_loop3A_420 : f32 to vector<16xf32>
        %parallel_loop3A_422 = arith.mulf %parallel_loop3A_419, %parallel_loop3A_421 : vector<16xf32>
        %parallel_loop3A_423 = arith.index_cast %parallel_loop3A_355 : i32 to index
        %parallel_loop3A_424 = arith.constant 80 : index
        %parallel_loop3A_425 = tpu.vector_load %arg10[%parallel_loop3A_423, %parallel_loop3A_424] {strides = array<i32>} : memref<128x128xf32, #tpu.memory_space<vmem>>, vector<1x16xf32>,
        %parallel_loop3A_426 = vector.shape_cast %parallel_loop3A_425 : vector<1x16xf32> to vector<16xf32>
        %parallel_loop3A_427 = vector.shape_cast %parallel_loop3A_422 : vector<16xf32> to vector<1x16xf32>
        tpu.vector_store %arg10[%parallel_loop3A_423, %parallel_loop3A_424], %parallel_loop3A_427 {strides = array<i32>} : memref<128x128xf32, #tpu.memory_space<vmem>>, vector<1x16xf32>,
        %parallel_loop3A_428 = arith.index_cast %parallel_loop3A_355 : i32 to index
        %parallel_loop3A_429 = arith.constant 96 : index
        %parallel_loop3A_430 = tpu.vector_load %arg10[%parallel_loop3A_428, %parallel_loop3A_429] {strides = array<i32>} : memref<128x128xf32, #tpu.memory_space<vmem>>, vector<1x16xf32>,
        %parallel_loop3A_431 = vector.shape_cast %parallel_loop3A_430 : vector<1x16xf32> to vector<16xf32>
        %parallel_loop3A_432 = arith.constant 11.3137083 : f32
        %parallel_loop3A_433 = vector.broadcast %parallel_loop3A_432 : f32 to vector<16xf32>
        %parallel_loop3A_434 = arith.mulf %parallel_loop3A_431, %parallel_loop3A_433 : vector<16xf32>
        %parallel_loop3A_435 = arith.index_cast %parallel_loop3A_355 : i32 to index
        %parallel_loop3A_436 = arith.constant 96 : index
        %parallel_loop3A_437 = tpu.vector_load %arg10[%parallel_loop3A_435, %parallel_loop3A_436] {strides = array<i32>} : memref<128x128xf32, #tpu.memory_space<vmem>>, vector<1x16xf32>,
        %parallel_loop3A_438 = vector.shape_cast %parallel_loop3A_437 : vector<1x16xf32> to vector<16xf32>
        %parallel_loop3A_439 = vector.shape_cast %parallel_loop3A_434 : vector<16xf32> to vector<1x16xf32>
        tpu.vector_store %arg10[%parallel_loop3A_435, %parallel_loop3A_436], %parallel_loop3A_439 {strides = array<i32>} : memref<128x128xf32, #tpu.memory_space<vmem>>, vector<1x16xf32>,
        %parallel_loop3A_440 = arith.index_cast %parallel_loop3A_355 : i32 to index
        %parallel_loop3A_441 = arith.constant 112 : index
        %parallel_loop3A_442 = tpu.vector_load %arg10[%parallel_loop3A_440, %parallel_loop3A_441] {strides = array<i32>} : memref<128x128xf32, #tpu.memory_space<vmem>>, vector<1x16xf32>,
        %parallel_loop3A_443 = vector.shape_cast %parallel_loop3A_442 : vector<1x16xf32> to vector<16xf32>
        %parallel_loop3A_444 = arith.constant 11.3137083 : f32
        %parallel_loop3A_445 = vector.broadcast %parallel_loop3A_444 : f32 to vector<16xf32>
        %parallel_loop3A_446 = arith.mulf %parallel_loop3A_443, %parallel_loop3A_445 : vector<16xf32>
        %parallel_loop3A_447 = arith.index_cast %parallel_loop3A_355 : i32 to index
        %parallel_loop3A_448 = arith.constant 112 : index
        %parallel_loop3A_449 = tpu.vector_load %arg10[%parallel_loop3A_447, %parallel_loop3A_448] {strides = array<i32>} : memref<128x128xf32, #tpu.memory_space<vmem>>, vector<1x16xf32>,
        %parallel_loop3A_450 = vector.shape_cast %parallel_loop3A_449 : vector<1x16xf32> to vector<16xf32>
        %parallel_loop3A_451 = vector.shape_cast %parallel_loop3A_446 : vector<16xf32> to vector<1x16xf32>
        tpu.vector_store %arg10[%parallel_loop3A_447, %parallel_loop3A_448], %parallel_loop3A_451 {strides = array<i32>} : memref<128x128xf32, #tpu.memory_space<vmem>>, vector<1x16xf32>,
      } {sc.loop_unroll_factor = 4 : i64, sc.parallel_access}
      %mul3A_279 = arith.constant 128 : i32
      %mul3A_280 = arith.muli %add3A_255, %mul3A_279 : i32
      %add3A_281 = arith.addi %mul3A_2, %mul3A_280 : i32
      %dma_start3A_282 = arith.constant 0 : i32
      %dma_start3A_283 = tpu.memref_slice %arg4[%add3A_281, %dma_start3A_282] : memref<204800x128xf32, #tpu.memory_space<hbm>> -> memref<128x128xf32, #tpu.memory_space<hbm>>
      %dma_start3A_284 = arith.constant 0 : i32
      %dma_start3A_285 = tpu.memref_slice %arg4[%add3A_281, %dma_start3A_284] : memref<204800x128xf32, #tpu.memory_space<hbm>> -> memref<128x128xf32, #tpu.memory_space<hbm>>
      tpu.enqueue_dma source(%arg10 : memref<128x128xf32, #tpu.memory_space<vmem>>) target(%dma_start3A_285 : memref<128x128xf32, #tpu.memory_space<hbm>>) target_semaphore(%arg24 : memref<!tpu.dma_semaphore, #tpu.memory_space<semaphore_mem>>)
      %mul3A_286 = arith.constant 7 : i32
      %mul3A_287 = arith.muli %scan3A_117, %mul3A_286 : i32
      %add3A_288 = arith.constant 5 : i32
      %add3A_289 = arith.addi %mul3A_287, %add3A_288 : i32
      %add3A_290 = arith.constant 5 : i32
      %add3A_291 = arith.addi %add3A_289, %add3A_290 : i32
      %lt3A_292 = arith.constant 50 : i32
      %lt3A_293 = arith.cmpi slt, %add3A_291, %lt3A_292 : i32
      %convert_element_type3A_294 = arith.extui %lt3A_293 : i1 to i32
      %cond3A_295 = arith.constant 0 : i32
      %cond3A_296 = arith.cmpi ne, %convert_element_type3A_294, %cond3A_295 : i32
      scf.if %cond3A_296 {
        %ge3A = arith.constant 2 : i32
        %ge3A_355 = arith.cmpi sge, %add3A_289, %ge3A : i32
        %convert_element_type3A_356 = arith.extui %ge3A_355 : i1 to i32
        %cond3A_357 = arith.constant 0 : i32
        %cond3A_358 = arith.cmpi ne, %convert_element_type3A_356, %cond3A_357 : i32
        scf.if %cond3A_358 {
          %sub3A = arith.constant 2 : i32
          %sub3A_374 = arith.subi %add3A_289, %sub3A : i32
          %mul3A_375 = arith.constant 128 : i32
          %mul3A_376 = arith.muli %sub3A_374, %mul3A_375 : i32
          %add3A_377 = arith.addi %mul3A_2, %mul3A_376 : i32
          %dma_wait3A_378 = arith.constant 0 : i32
          %dma_wait3A_379 = tpu.memref_slice %arg4[%add3A_377, %dma_wait3A_378] : memref<204800x128xf32, #tpu.memory_space<hbm>> -> memref<128x128xf32, #tpu.memory_space<hbm>>
          %dma_wait3A_380 = arith.constant 0 : i32
          %dma_wait3A_381 = tpu.memref_slice %arg4[%add3A_377, %dma_wait3A_380] : memref<204800x128xf32, #tpu.memory_space<hbm>> -> memref<128x128xf32, #tpu.memory_space<hbm>>
          tpu.wait_dma2 semaphore(%arg23 : memref<!tpu.dma_semaphore, #tpu.memory_space<semaphore_mem>>) src(%arg9 : memref<128x128xf32, #tpu.memory_space<vmem>>) dst(%dma_wait3A_381 : memref<128x128xf32, #tpu.memory_space<hbm>>)
        } else {
        }
        %add3A_359 = arith.constant 5 : i32
        %add3A_360 = arith.addi %add3A_289, %add3A_359 : i32
        %mul3A_361 = arith.constant 1 : i32
        %mul3A_362 = arith.muli %mul3A_361, %add3A_360 : i32
        %add3A_363 = arith.constant 0 : i32
        %add3A_364 = arith.addi %mul3A_362, %add3A_363 : i32
        %dma_start3A_365 = arith.constant 0 : i32
        %dma_start3A_366 = arith.constant 0 : i32
        %dma_start3A_367 = tpu.memref_slice %arg9[%dma_start3A_365, %dma_start3A_366] : memref<128x128xf32, #tpu.memory_space<vmem>> -> memref<128x128xf32, #tpu.memory_space<vmem>>
        %dma_start3A_368 = arith.constant 0 : i32
        %dma_start3A_369 = tpu.memref_slice %arg5[%add3A_364, %dma_start3A_368] : memref<50x128xi32, #tpu.memory_space<vmem>> -> memref<1x128xi32, #tpu.memory_space<vmem>>
        %dma_start3A_370 = tpu.memref_squeeze %dma_start3A_369 : memref<1x128xi32, #tpu.memory_space<vmem>> -> memref<128xi32, #tpu.memory_space<vmem>>
        %dma_start3A_371 = arith.constant 0 : i32
        %dma_start3A_372 = arith.constant 0 : i32
        %dma_start3A_373 = tpu.memref_slice %arg3[%dma_start3A_371, %dma_start3A_372] : memref<1000000x128xf32, #tpu.memory_space<hbm>> -> memref<1000000x128xf32, #tpu.memory_space<hbm>>
        tpu.enqueue_indirect_dma source(%dma_start3A_373 : memref<1000000x128xf32, #tpu.memory_space<hbm>>) target(%dma_start3A_367 : memref<128x128xf32, #tpu.memory_space<vmem>>) offsets(%dma_start3A_370 : memref<128xi32, #tpu.memory_space<vmem>>) semaphore(%arg16 : memref<!tpu.dma_semaphore, #tpu.memory_space<semaphore_mem>>)
      } else {
      }
      %mul3A_297 = arith.constant 1 : i32
      %mul3A_298 = arith.muli %mul3A_297, %add3A_289 : i32
      %add3A_299 = arith.constant 0 : i32
      %add3A_300 = arith.addi %mul3A_298, %add3A_299 : i32
      %dma_wait3A_301 = arith.constant 0 : i32
      %dma_wait3A_302 = arith.constant 0 : i32
      %dma_wait3A_303 = tpu.memref_slice %arg11[%dma_wait3A_301, %dma_wait3A_302] : memref<128x128xf32, #tpu.memory_space<vmem>> -> memref<128x128xf32, #tpu.memory_space<vmem>>
      %dma_wait3A_304 = arith.constant 0 : i32
      %dma_wait3A_305 = tpu.memref_slice %arg5[%add3A_300, %dma_wait3A_304] : memref<50x128xi32, #tpu.memory_space<vmem>> -> memref<1x128xi32, #tpu.memory_space<vmem>>
      %dma_wait3A_306 = tpu.memref_squeeze %dma_wait3A_305 : memref<1x128xi32, #tpu.memory_space<vmem>> -> memref<128xi32, #tpu.memory_space<vmem>>
      %dma_wait3A_307 = arith.constant 0 : i32
      %dma_wait3A_308 = arith.constant 0 : i32
      %dma_wait3A_309 = tpu.memref_slice %arg3[%dma_wait3A_307, %dma_wait3A_308] : memref<1000000x128xf32, #tpu.memory_space<hbm>> -> memref<1000000x128xf32, #tpu.memory_space<hbm>>
      tpu.wait_indirect_dma semaphore(%arg18 : memref<!tpu.dma_semaphore, #tpu.memory_space<semaphore_mem>>) src(%dma_wait3A_309 : memref<1000000x128xf32, #tpu.memory_space<hbm>>) dst(%dma_wait3A_303 : memref<128x128xf32, #tpu.memory_space<vmem>>)
      %parallel_loop3A_310 = arith.constant 0 : i32
      %parallel_loop3A_311 = arith.constant 128 : i32
      %parallel_loop3A_312 = arith.constant 1 : i32
      scf.for %parallel_loop3A_355 = %parallel_loop3A_310 to %parallel_loop3A_311 step %parallel_loop3A_312  : i32 {
        %parallel_loop3A_356 = arith.index_cast %parallel_loop3A_355 : i32 to index
        %parallel_loop3A_357 = arith.constant 0 : index
        %parallel_loop3A_358 = tpu.vector_load %arg11[%parallel_loop3A_356, %parallel_loop3A_357] {strides = array<i32>} : memref<128x128xf32, #tpu.memory_space<vmem>>, vector<1x16xf32>,
        %parallel_loop3A_359 = vector.shape_cast %parallel_loop3A_358 : vector<1x16xf32> to vector<16xf32>
        %parallel_loop3A_360 = arith.constant 11.3137083 : f32
        %parallel_loop3A_361 = vector.broadcast %parallel_loop3A_360 : f32 to vector<16xf32>
        %parallel_loop3A_362 = arith.mulf %parallel_loop3A_359, %parallel_loop3A_361 : vector<16xf32>
        %parallel_loop3A_363 = arith.index_cast %parallel_loop3A_355 : i32 to index
        %parallel_loop3A_364 = arith.constant 0 : index
        %parallel_loop3A_365 = tpu.vector_load %arg11[%parallel_loop3A_363, %parallel_loop3A_364] {strides = array<i32>} : memref<128x128xf32, #tpu.memory_space<vmem>>, vector<1x16xf32>,
        %parallel_loop3A_366 = vector.shape_cast %parallel_loop3A_365 : vector<1x16xf32> to vector<16xf32>
        %parallel_loop3A_367 = vector.shape_cast %parallel_loop3A_362 : vector<16xf32> to vector<1x16xf32>
        tpu.vector_store %arg11[%parallel_loop3A_363, %parallel_loop3A_364], %parallel_loop3A_367 {strides = array<i32>} : memref<128x128xf32, #tpu.memory_space<vmem>>, vector<1x16xf32>,
        %parallel_loop3A_368 = arith.index_cast %parallel_loop3A_355 : i32 to index
        %parallel_loop3A_369 = arith.constant 16 : index
        %parallel_loop3A_370 = tpu.vector_load %arg11[%parallel_loop3A_368, %parallel_loop3A_369] {strides = array<i32>} : memref<128x128xf32, #tpu.memory_space<vmem>>, vector<1x16xf32>,
        %parallel_loop3A_371 = vector.shape_cast %parallel_loop3A_370 : vector<1x16xf32> to vector<16xf32>
        %parallel_loop3A_372 = arith.constant 11.3137083 : f32
        %parallel_loop3A_373 = vector.broadcast %parallel_loop3A_372 : f32 to vector<16xf32>
        %parallel_loop3A_374 = arith.mulf %parallel_loop3A_371, %parallel_loop3A_373 : vector<16xf32>
        %parallel_loop3A_375 = arith.index_cast %parallel_loop3A_355 : i32 to index
        %parallel_loop3A_376 = arith.constant 16 : index
        %parallel_loop3A_377 = tpu.vector_load %arg11[%parallel_loop3A_375, %parallel_loop3A_376] {strides = array<i32>} : memref<128x128xf32, #tpu.memory_space<vmem>>, vector<1x16xf32>,
        %parallel_loop3A_378 = vector.shape_cast %parallel_loop3A_377 : vector<1x16xf32> to vector<16xf32>
        %parallel_loop3A_379 = vector.shape_cast %parallel_loop3A_374 : vector<16xf32> to vector<1x16xf32>
        tpu.vector_store %arg11[%parallel_loop3A_375, %parallel_loop3A_376], %parallel_loop3A_379 {strides = array<i32>} : memref<128x128xf32, #tpu.memory_space<vmem>>, vector<1x16xf32>,
        %parallel_loop3A_380 = arith.index_cast %parallel_loop3A_355 : i32 to index
        %parallel_loop3A_381 = arith.constant 32 : index
        %parallel_loop3A_382 = tpu.vector_load %arg11[%parallel_loop3A_380, %parallel_loop3A_381] {strides = array<i32>} : memref<128x128xf32, #tpu.memory_space<vmem>>, vector<1x16xf32>,
        %parallel_loop3A_383 = vector.shape_cast %parallel_loop3A_382 : vector<1x16xf32> to vector<16xf32>
        %parallel_loop3A_384 = arith.constant 11.3137083 : f32
        %parallel_loop3A_385 = vector.broadcast %parallel_loop3A_384 : f32 to vector<16xf32>
        %parallel_loop3A_386 = arith.mulf %parallel_loop3A_383, %parallel_loop3A_385 : vector<16xf32>
        %parallel_loop3A_387 = arith.index_cast %parallel_loop3A_355 : i32 to index
        %parallel_loop3A_388 = arith.constant 32 : index
        %parallel_loop3A_389 = tpu.vector_load %arg11[%parallel_loop3A_387, %parallel_loop3A_388] {strides = array<i32>} : memref<128x128xf32, #tpu.memory_space<vmem>>, vector<1x16xf32>,
        %parallel_loop3A_390 = vector.shape_cast %parallel_loop3A_389 : vector<1x16xf32> to vector<16xf32>
        %parallel_loop3A_391 = vector.shape_cast %parallel_loop3A_386 : vector<16xf32> to vector<1x16xf32>
        tpu.vector_store %arg11[%parallel_loop3A_387, %parallel_loop3A_388], %parallel_loop3A_391 {strides = array<i32>} : memref<128x128xf32, #tpu.memory_space<vmem>>, vector<1x16xf32>,
        %parallel_loop3A_392 = arith.index_cast %parallel_loop3A_355 : i32 to index
        %parallel_loop3A_393 = arith.constant 48 : index
        %parallel_loop3A_394 = tpu.vector_load %arg11[%parallel_loop3A_392, %parallel_loop3A_393] {strides = array<i32>} : memref<128x128xf32, #tpu.memory_space<vmem>>, vector<1x16xf32>,
        %parallel_loop3A_395 = vector.shape_cast %parallel_loop3A_394 : vector<1x16xf32> to vector<16xf32>
        %parallel_loop3A_396 = arith.constant 11.3137083 : f32
        %parallel_loop3A_397 = vector.broadcast %parallel_loop3A_396 : f32 to vector<16xf32>
        %parallel_loop3A_398 = arith.mulf %parallel_loop3A_395, %parallel_loop3A_397 : vector<16xf32>
        %parallel_loop3A_399 = arith.index_cast %parallel_loop3A_355 : i32 to index
        %parallel_loop3A_400 = arith.constant 48 : index
        %parallel_loop3A_401 = tpu.vector_load %arg11[%parallel_loop3A_399, %parallel_loop3A_400] {strides = array<i32>} : memref<128x128xf32, #tpu.memory_space<vmem>>, vector<1x16xf32>,
        %parallel_loop3A_402 = vector.shape_cast %parallel_loop3A_401 : vector<1x16xf32> to vector<16xf32>
        %parallel_loop3A_403 = vector.shape_cast %parallel_loop3A_398 : vector<16xf32> to vector<1x16xf32>
        tpu.vector_store %arg11[%parallel_loop3A_399, %parallel_loop3A_400], %parallel_loop3A_403 {strides = array<i32>} : memref<128x128xf32, #tpu.memory_space<vmem>>, vector<1x16xf32>,
        %parallel_loop3A_404 = arith.index_cast %parallel_loop3A_355 : i32 to index
        %parallel_loop3A_405 = arith.constant 64 : index
        %parallel_loop3A_406 = tpu.vector_load %arg11[%parallel_loop3A_404, %parallel_loop3A_405] {strides = array<i32>} : memref<128x128xf32, #tpu.memory_space<vmem>>, vector<1x16xf32>,
        %parallel_loop3A_407 = vector.shape_cast %parallel_loop3A_406 : vector<1x16xf32> to vector<16xf32>
        %parallel_loop3A_408 = arith.constant 11.3137083 : f32
        %parallel_loop3A_409 = vector.broadcast %parallel_loop3A_408 : f32 to vector<16xf32>
        %parallel_loop3A_410 = arith.mulf %parallel_loop3A_407, %parallel_loop3A_409 : vector<16xf32>
        %parallel_loop3A_411 = arith.index_cast %parallel_loop3A_355 : i32 to index
        %parallel_loop3A_412 = arith.constant 64 : index
        %parallel_loop3A_413 = tpu.vector_load %arg11[%parallel_loop3A_411, %parallel_loop3A_412] {strides = array<i32>} : memref<128x128xf32, #tpu.memory_space<vmem>>, vector<1x16xf32>,
        %parallel_loop3A_414 = vector.shape_cast %parallel_loop3A_413 : vector<1x16xf32> to vector<16xf32>
        %parallel_loop3A_415 = vector.shape_cast %parallel_loop3A_410 : vector<16xf32> to vector<1x16xf32>
        tpu.vector_store %arg11[%parallel_loop3A_411, %parallel_loop3A_412], %parallel_loop3A_415 {strides = array<i32>} : memref<128x128xf32, #tpu.memory_space<vmem>>, vector<1x16xf32>,
        %parallel_loop3A_416 = arith.index_cast %parallel_loop3A_355 : i32 to index
        %parallel_loop3A_417 = arith.constant 80 : index
        %parallel_loop3A_418 = tpu.vector_load %arg11[%parallel_loop3A_416, %parallel_loop3A_417] {strides = array<i32>} : memref<128x128xf32, #tpu.memory_space<vmem>>, vector<1x16xf32>,
        %parallel_loop3A_419 = vector.shape_cast %parallel_loop3A_418 : vector<1x16xf32> to vector<16xf32>
        %parallel_loop3A_420 = arith.constant 11.3137083 : f32
        %parallel_loop3A_421 = vector.broadcast %parallel_loop3A_420 : f32 to vector<16xf32>
        %parallel_loop3A_422 = arith.mulf %parallel_loop3A_419, %parallel_loop3A_421 : vector<16xf32>
        %parallel_loop3A_423 = arith.index_cast %parallel_loop3A_355 : i32 to index
        %parallel_loop3A_424 = arith.constant 80 : index
        %parallel_loop3A_425 = tpu.vector_load %arg11[%parallel_loop3A_423, %parallel_loop3A_424] {strides = array<i32>} : memref<128x128xf32, #tpu.memory_space<vmem>>, vector<1x16xf32>,
        %parallel_loop3A_426 = vector.shape_cast %parallel_loop3A_425 : vector<1x16xf32> to vector<16xf32>
        %parallel_loop3A_427 = vector.shape_cast %parallel_loop3A_422 : vector<16xf32> to vector<1x16xf32>
        tpu.vector_store %arg11[%parallel_loop3A_423, %parallel_loop3A_424], %parallel_loop3A_427 {strides = array<i32>} : memref<128x128xf32, #tpu.memory_space<vmem>>, vector<1x16xf32>,
        %parallel_loop3A_428 = arith.index_cast %parallel_loop3A_355 : i32 to index
        %parallel_loop3A_429 = arith.constant 96 : index
        %parallel_loop3A_430 = tpu.vector_load %arg11[%parallel_loop3A_428, %parallel_loop3A_429] {strides = array<i32>} : memref<128x128xf32, #tpu.memory_space<vmem>>, vector<1x16xf32>,
        %parallel_loop3A_431 = vector.shape_cast %parallel_loop3A_430 : vector<1x16xf32> to vector<16xf32>
        %parallel_loop3A_432 = arith.constant 11.3137083 : f32
        %parallel_loop3A_433 = vector.broadcast %parallel_loop3A_432 : f32 to vector<16xf32>
        %parallel_loop3A_434 = arith.mulf %parallel_loop3A_431, %parallel_loop3A_433 : vector<16xf32>
        %parallel_loop3A_435 = arith.index_cast %parallel_loop3A_355 : i32 to index
        %parallel_loop3A_436 = arith.constant 96 : index
        %parallel_loop3A_437 = tpu.vector_load %arg11[%parallel_loop3A_435, %parallel_loop3A_436] {strides = array<i32>} : memref<128x128xf32, #tpu.memory_space<vmem>>, vector<1x16xf32>,
        %parallel_loop3A_438 = vector.shape_cast %parallel_loop3A_437 : vector<1x16xf32> to vector<16xf32>
        %parallel_loop3A_439 = vector.shape_cast %parallel_loop3A_434 : vector<16xf32> to vector<1x16xf32>
        tpu.vector_store %arg11[%parallel_loop3A_435, %parallel_loop3A_436], %parallel_loop3A_439 {strides = array<i32>} : memref<128x128xf32, #tpu.memory_space<vmem>>, vector<1x16xf32>,
        %parallel_loop3A_440 = arith.index_cast %parallel_loop3A_355 : i32 to index
        %parallel_loop3A_441 = arith.constant 112 : index
        %parallel_loop3A_442 = tpu.vector_load %arg11[%parallel_loop3A_440, %parallel_loop3A_441] {strides = array<i32>} : memref<128x128xf32, #tpu.memory_space<vmem>>, vector<1x16xf32>,
        %parallel_loop3A_443 = vector.shape_cast %parallel_loop3A_442 : vector<1x16xf32> to vector<16xf32>
        %parallel_loop3A_444 = arith.constant 11.3137083 : f32
        %parallel_loop3A_445 = vector.broadcast %parallel_loop3A_444 : f32 to vector<16xf32>
        %parallel_loop3A_446 = arith.mulf %parallel_loop3A_443, %parallel_loop3A_445 : vector<16xf32>
        %parallel_loop3A_447 = arith.index_cast %parallel_loop3A_355 : i32 to index
        %parallel_loop3A_448 = arith.constant 112 : index
        %parallel_loop3A_449 = tpu.vector_load %arg11[%parallel_loop3A_447, %parallel_loop3A_448] {strides = array<i32>} : memref<128x128xf32, #tpu.memory_space<vmem>>, vector<1x16xf32>,
        %parallel_loop3A_450 = vector.shape_cast %parallel_loop3A_449 : vector<1x16xf32> to vector<16xf32>
        %parallel_loop3A_451 = vector.shape_cast %parallel_loop3A_446 : vector<16xf32> to vector<1x16xf32>
        tpu.vector_store %arg11[%parallel_loop3A_447, %parallel_loop3A_448], %parallel_loop3A_451 {strides = array<i32>} : memref<128x128xf32, #tpu.memory_space<vmem>>, vector<1x16xf32>,
      } {sc.loop_unroll_factor = 4 : i64, sc.parallel_access}
      %mul3A_313 = arith.constant 128 : i32
      %mul3A_314 = arith.muli %add3A_289, %mul3A_313 : i32
      %add3A_315 = arith.addi %mul3A_2, %mul3A_314 : i32
      %dma_start3A_316 = arith.constant 0 : i32
      %dma_start3A_317 = tpu.memref_slice %arg4[%add3A_315, %dma_start3A_316] : memref<204800x128xf32, #tpu.memory_space<hbm>> -> memref<128x128xf32, #tpu.memory_space<hbm>>
      %dma_start3A_318 = arith.constant 0 : i32
      %dma_start3A_319 = tpu.memref_slice %arg4[%add3A_315, %dma_start3A_318] : memref<204800x128xf32, #tpu.memory_space<hbm>> -> memref<128x128xf32, #tpu.memory_space<hbm>>
      tpu.enqueue_dma source(%arg11 : memref<128x128xf32, #tpu.memory_space<vmem>>) target(%dma_start3A_319 : memref<128x128xf32, #tpu.memory_space<hbm>>) target_semaphore(%arg25 : memref<!tpu.dma_semaphore, #tpu.memory_space<semaphore_mem>>)
      %mul3A_320 = arith.constant 7 : i32
      %mul3A_321 = arith.muli %scan3A_117, %mul3A_320 : i32
      %add3A_322 = arith.constant 6 : i32
      %add3A_323 = arith.addi %mul3A_321, %add3A_322 : i32
      %add3A_324 = arith.constant 5 : i32
      %add3A_325 = arith.addi %add3A_323, %add3A_324 : i32
      %lt3A_326 = arith.constant 50 : i32
      %lt3A_327 = arith.cmpi slt, %add3A_325, %lt3A_326 : i32
      %convert_element_type3A_328 = arith.extui %lt3A_327 : i1 to i32
      %cond3A_329 = arith.constant 0 : i32
      %cond3A_330 = arith.cmpi ne, %convert_element_type3A_328, %cond3A_329 : i32
      scf.if %cond3A_330 {
        %ge3A = arith.constant 2 : i32
        %ge3A_355 = arith.cmpi sge, %add3A_323, %ge3A : i32
        %convert_element_type3A_356 = arith.extui %ge3A_355 : i1 to i32
        %cond3A_357 = arith.constant 0 : i32
        %cond3A_358 = arith.cmpi ne, %convert_element_type3A_356, %cond3A_357 : i32
        scf.if %cond3A_358 {
          %sub3A = arith.constant 2 : i32
          %sub3A_374 = arith.subi %add3A_323, %sub3A : i32
          %mul3A_375 = arith.constant 128 : i32
          %mul3A_376 = arith.muli %sub3A_374, %mul3A_375 : i32
          %add3A_377 = arith.addi %mul3A_2, %mul3A_376 : i32
          %dma_wait3A_378 = arith.constant 0 : i32
          %dma_wait3A_379 = tpu.memref_slice %arg4[%add3A_377, %dma_wait3A_378] : memref<204800x128xf32, #tpu.memory_space<hbm>> -> memref<128x128xf32, #tpu.memory_space<hbm>>
          %dma_wait3A_380 = arith.constant 0 : i32
          %dma_wait3A_381 = tpu.memref_slice %arg4[%add3A_377, %dma_wait3A_380] : memref<204800x128xf32, #tpu.memory_space<hbm>> -> memref<128x128xf32, #tpu.memory_space<hbm>>
          tpu.wait_dma2 semaphore(%arg24 : memref<!tpu.dma_semaphore, #tpu.memory_space<semaphore_mem>>) src(%arg10 : memref<128x128xf32, #tpu.memory_space<vmem>>) dst(%dma_wait3A_381 : memref<128x128xf32, #tpu.memory_space<hbm>>)
        } else {
        }
        %add3A_359 = arith.constant 5 : i32
        %add3A_360 = arith.addi %add3A_323, %add3A_359 : i32
        %mul3A_361 = arith.constant 1 : i32
        %mul3A_362 = arith.muli %mul3A_361, %add3A_360 : i32
        %add3A_363 = arith.constant 0 : i32
        %add3A_364 = arith.addi %mul3A_362, %add3A_363 : i32
        %dma_start3A_365 = arith.constant 0 : i32
        %dma_start3A_366 = arith.constant 0 : i32
        %dma_start3A_367 = tpu.memref_slice %arg10[%dma_start3A_365, %dma_start3A_366] : memref<128x128xf32, #tpu.memory_space<vmem>> -> memref<128x128xf32, #tpu.memory_space<vmem>>
        %dma_start3A_368 = arith.constant 0 : i32
        %dma_start3A_369 = tpu.memref_slice %arg5[%add3A_364, %dma_start3A_368] : memref<50x128xi32, #tpu.memory_space<vmem>> -> memref<1x128xi32, #tpu.memory_space<vmem>>
        %dma_start3A_370 = tpu.memref_squeeze %dma_start3A_369 : memref<1x128xi32, #tpu.memory_space<vmem>> -> memref<128xi32, #tpu.memory_space<vmem>>
        %dma_start3A_371 = arith.constant 0 : i32
        %dma_start3A_372 = arith.constant 0 : i32
        %dma_start3A_373 = tpu.memref_slice %arg3[%dma_start3A_371, %dma_start3A_372] : memref<1000000x128xf32, #tpu.memory_space<hbm>> -> memref<1000000x128xf32, #tpu.memory_space<hbm>>
        tpu.enqueue_indirect_dma source(%dma_start3A_373 : memref<1000000x128xf32, #tpu.memory_space<hbm>>) target(%dma_start3A_367 : memref<128x128xf32, #tpu.memory_space<vmem>>) offsets(%dma_start3A_370 : memref<128xi32, #tpu.memory_space<vmem>>) semaphore(%arg17 : memref<!tpu.dma_semaphore, #tpu.memory_space<semaphore_mem>>)
      } else {
      }
      %mul3A_331 = arith.constant 1 : i32
      %mul3A_332 = arith.muli %mul3A_331, %add3A_323 : i32
      %add3A_333 = arith.constant 0 : i32
      %add3A_334 = arith.addi %mul3A_332, %add3A_333 : i32
      %dma_wait3A_335 = arith.constant 0 : i32
      %dma_wait3A_336 = arith.constant 0 : i32
      %dma_wait3A_337 = tpu.memref_slice %arg12[%dma_wait3A_335, %dma_wait3A_336] : memref<128x128xf32, #tpu.memory_space<vmem>> -> memref<128x128xf32, #tpu.memory_space<vmem>>
      %dma_wait3A_338 = arith.constant 0 : i32
      %dma_wait3A_339 = tpu.memref_slice %arg5[%add3A_334, %dma_wait3A_338] : memref<50x128xi32, #tpu.memory_space<vmem>> -> memref<1x128xi32, #tpu.memory_space<vmem>>
      %dma_wait3A_340 = tpu.memref_squeeze %dma_wait3A_339 : memref<1x128xi32, #tpu.memory_space<vmem>> -> memref<128xi32, #tpu.memory_space<vmem>>
      %dma_wait3A_341 = arith.constant 0 : i32
      %dma_wait3A_342 = arith.constant 0 : i32
      %dma_wait3A_343 = tpu.memref_slice %arg3[%dma_wait3A_341, %dma_wait3A_342] : memref<1000000x128xf32, #tpu.memory_space<hbm>> -> memref<1000000x128xf32, #tpu.memory_space<hbm>>
      tpu.wait_indirect_dma semaphore(%arg19 : memref<!tpu.dma_semaphore, #tpu.memory_space<semaphore_mem>>) src(%dma_wait3A_343 : memref<1000000x128xf32, #tpu.memory_space<hbm>>) dst(%dma_wait3A_337 : memref<128x128xf32, #tpu.memory_space<vmem>>)
      %parallel_loop3A_344 = arith.constant 0 : i32
      %parallel_loop3A_345 = arith.constant 128 : i32
      %parallel_loop3A_346 = arith.constant 1 : i32
      scf.for %parallel_loop3A_355 = %parallel_loop3A_344 to %parallel_loop3A_345 step %parallel_loop3A_346  : i32 {
        %parallel_loop3A_356 = arith.index_cast %parallel_loop3A_355 : i32 to index
        %parallel_loop3A_357 = arith.constant 0 : index
        %parallel_loop3A_358 = tpu.vector_load %arg12[%parallel_loop3A_356, %parallel_loop3A_357] {strides = array<i32>} : memref<128x128xf32, #tpu.memory_space<vmem>>, vector<1x16xf32>,
        %parallel_loop3A_359 = vector.shape_cast %parallel_loop3A_358 : vector<1x16xf32> to vector<16xf32>
        %parallel_loop3A_360 = arith.constant 11.3137083 : f32
        %parallel_loop3A_361 = vector.broadcast %parallel_loop3A_360 : f32 to vector<16xf32>
        %parallel_loop3A_362 = arith.mulf %parallel_loop3A_359, %parallel_loop3A_361 : vector<16xf32>
        %parallel_loop3A_363 = arith.index_cast %parallel_loop3A_355 : i32 to index
        %parallel_loop3A_364 = arith.constant 0 : index
        %parallel_loop3A_365 = tpu.vector_load %arg12[%parallel_loop3A_363, %parallel_loop3A_364] {strides = array<i32>} : memref<128x128xf32, #tpu.memory_space<vmem>>, vector<1x16xf32>,
        %parallel_loop3A_366 = vector.shape_cast %parallel_loop3A_365 : vector<1x16xf32> to vector<16xf32>
        %parallel_loop3A_367 = vector.shape_cast %parallel_loop3A_362 : vector<16xf32> to vector<1x16xf32>
        tpu.vector_store %arg12[%parallel_loop3A_363, %parallel_loop3A_364], %parallel_loop3A_367 {strides = array<i32>} : memref<128x128xf32, #tpu.memory_space<vmem>>, vector<1x16xf32>,
        %parallel_loop3A_368 = arith.index_cast %parallel_loop3A_355 : i32 to index
        %parallel_loop3A_369 = arith.constant 16 : index
        %parallel_loop3A_370 = tpu.vector_load %arg12[%parallel_loop3A_368, %parallel_loop3A_369] {strides = array<i32>} : memref<128x128xf32, #tpu.memory_space<vmem>>, vector<1x16xf32>,
        %parallel_loop3A_371 = vector.shape_cast %parallel_loop3A_370 : vector<1x16xf32> to vector<16xf32>
        %parallel_loop3A_372 = arith.constant 11.3137083 : f32
        %parallel_loop3A_373 = vector.broadcast %parallel_loop3A_372 : f32 to vector<16xf32>
        %parallel_loop3A_374 = arith.mulf %parallel_loop3A_371, %parallel_loop3A_373 : vector<16xf32>
        %parallel_loop3A_375 = arith.index_cast %parallel_loop3A_355 : i32 to index
        %parallel_loop3A_376 = arith.constant 16 : index
        %parallel_loop3A_377 = tpu.vector_load %arg12[%parallel_loop3A_375, %parallel_loop3A_376] {strides = array<i32>} : memref<128x128xf32, #tpu.memory_space<vmem>>, vector<1x16xf32>,
        %parallel_loop3A_378 = vector.shape_cast %parallel_loop3A_377 : vector<1x16xf32> to vector<16xf32>
        %parallel_loop3A_379 = vector.shape_cast %parallel_loop3A_374 : vector<16xf32> to vector<1x16xf32>
        tpu.vector_store %arg12[%parallel_loop3A_375, %parallel_loop3A_376], %parallel_loop3A_379 {strides = array<i32>} : memref<128x128xf32, #tpu.memory_space<vmem>>, vector<1x16xf32>,
        %parallel_loop3A_380 = arith.index_cast %parallel_loop3A_355 : i32 to index
        %parallel_loop3A_381 = arith.constant 32 : index
        %parallel_loop3A_382 = tpu.vector_load %arg12[%parallel_loop3A_380, %parallel_loop3A_381] {strides = array<i32>} : memref<128x128xf32, #tpu.memory_space<vmem>>, vector<1x16xf32>,
        %parallel_loop3A_383 = vector.shape_cast %parallel_loop3A_382 : vector<1x16xf32> to vector<16xf32>
        %parallel_loop3A_384 = arith.constant 11.3137083 : f32
        %parallel_loop3A_385 = vector.broadcast %parallel_loop3A_384 : f32 to vector<16xf32>
        %parallel_loop3A_386 = arith.mulf %parallel_loop3A_383, %parallel_loop3A_385 : vector<16xf32>
        %parallel_loop3A_387 = arith.index_cast %parallel_loop3A_355 : i32 to index
        %parallel_loop3A_388 = arith.constant 32 : index
        %parallel_loop3A_389 = tpu.vector_load %arg12[%parallel_loop3A_387, %parallel_loop3A_388] {strides = array<i32>} : memref<128x128xf32, #tpu.memory_space<vmem>>, vector<1x16xf32>,
        %parallel_loop3A_390 = vector.shape_cast %parallel_loop3A_389 : vector<1x16xf32> to vector<16xf32>
        %parallel_loop3A_391 = vector.shape_cast %parallel_loop3A_386 : vector<16xf32> to vector<1x16xf32>
        tpu.vector_store %arg12[%parallel_loop3A_387, %parallel_loop3A_388], %parallel_loop3A_391 {strides = array<i32>} : memref<128x128xf32, #tpu.memory_space<vmem>>, vector<1x16xf32>,
        %parallel_loop3A_392 = arith.index_cast %parallel_loop3A_355 : i32 to index
        %parallel_loop3A_393 = arith.constant 48 : index
        %parallel_loop3A_394 = tpu.vector_load %arg12[%parallel_loop3A_392, %parallel_loop3A_393] {strides = array<i32>} : memref<128x128xf32, #tpu.memory_space<vmem>>, vector<1x16xf32>,
        %parallel_loop3A_395 = vector.shape_cast %parallel_loop3A_394 : vector<1x16xf32> to vector<16xf32>
        %parallel_loop3A_396 = arith.constant 11.3137083 : f32
        %parallel_loop3A_397 = vector.broadcast %parallel_loop3A_396 : f32 to vector<16xf32>
        %parallel_loop3A_398 = arith.mulf %parallel_loop3A_395, %parallel_loop3A_397 : vector<16xf32>
        %parallel_loop3A_399 = arith.index_cast %parallel_loop3A_355 : i32 to index
        %parallel_loop3A_400 = arith.constant 48 : index
        %parallel_loop3A_401 = tpu.vector_load %arg12[%parallel_loop3A_399, %parallel_loop3A_400] {strides = array<i32>} : memref<128x128xf32, #tpu.memory_space<vmem>>, vector<1x16xf32>,
        %parallel_loop3A_402 = vector.shape_cast %parallel_loop3A_401 : vector<1x16xf32> to vector<16xf32>
        %parallel_loop3A_403 = vector.shape_cast %parallel_loop3A_398 : vector<16xf32> to vector<1x16xf32>
        tpu.vector_store %arg12[%parallel_loop3A_399, %parallel_loop3A_400], %parallel_loop3A_403 {strides = array<i32>} : memref<128x128xf32, #tpu.memory_space<vmem>>, vector<1x16xf32>,
        %parallel_loop3A_404 = arith.index_cast %parallel_loop3A_355 : i32 to index
        %parallel_loop3A_405 = arith.constant 64 : index
        %parallel_loop3A_406 = tpu.vector_load %arg12[%parallel_loop3A_404, %parallel_loop3A_405] {strides = array<i32>} : memref<128x128xf32, #tpu.memory_space<vmem>>, vector<1x16xf32>,
        %parallel_loop3A_407 = vector.shape_cast %parallel_loop3A_406 : vector<1x16xf32> to vector<16xf32>
        %parallel_loop3A_408 = arith.constant 11.3137083 : f32
        %parallel_loop3A_409 = vector.broadcast %parallel_loop3A_408 : f32 to vector<16xf32>
        %parallel_loop3A_410 = arith.mulf %parallel_loop3A_407, %parallel_loop3A_409 : vector<16xf32>
        %parallel_loop3A_411 = arith.index_cast %parallel_loop3A_355 : i32 to index
        %parallel_loop3A_412 = arith.constant 64 : index
        %parallel_loop3A_413 = tpu.vector_load %arg12[%parallel_loop3A_411, %parallel_loop3A_412] {strides = array<i32>} : memref<128x128xf32, #tpu.memory_space<vmem>>, vector<1x16xf32>,
        %parallel_loop3A_414 = vector.shape_cast %parallel_loop3A_413 : vector<1x16xf32> to vector<16xf32>
        %parallel_loop3A_415 = vector.shape_cast %parallel_loop3A_410 : vector<16xf32> to vector<1x16xf32>
        tpu.vector_store %arg12[%parallel_loop3A_411, %parallel_loop3A_412], %parallel_loop3A_415 {strides = array<i32>} : memref<128x128xf32, #tpu.memory_space<vmem>>, vector<1x16xf32>,
        %parallel_loop3A_416 = arith.index_cast %parallel_loop3A_355 : i32 to index
        %parallel_loop3A_417 = arith.constant 80 : index
        %parallel_loop3A_418 = tpu.vector_load %arg12[%parallel_loop3A_416, %parallel_loop3A_417] {strides = array<i32>} : memref<128x128xf32, #tpu.memory_space<vmem>>, vector<1x16xf32>,
        %parallel_loop3A_419 = vector.shape_cast %parallel_loop3A_418 : vector<1x16xf32> to vector<16xf32>
        %parallel_loop3A_420 = arith.constant 11.3137083 : f32
        %parallel_loop3A_421 = vector.broadcast %parallel_loop3A_420 : f32 to vector<16xf32>
        %parallel_loop3A_422 = arith.mulf %parallel_loop3A_419, %parallel_loop3A_421 : vector<16xf32>
        %parallel_loop3A_423 = arith.index_cast %parallel_loop3A_355 : i32 to index
        %parallel_loop3A_424 = arith.constant 80 : index
        %parallel_loop3A_425 = tpu.vector_load %arg12[%parallel_loop3A_423, %parallel_loop3A_424] {strides = array<i32>} : memref<128x128xf32, #tpu.memory_space<vmem>>, vector<1x16xf32>,
        %parallel_loop3A_426 = vector.shape_cast %parallel_loop3A_425 : vector<1x16xf32> to vector<16xf32>
        %parallel_loop3A_427 = vector.shape_cast %parallel_loop3A_422 : vector<16xf32> to vector<1x16xf32>
        tpu.vector_store %arg12[%parallel_loop3A_423, %parallel_loop3A_424], %parallel_loop3A_427 {strides = array<i32>} : memref<128x128xf32, #tpu.memory_space<vmem>>, vector<1x16xf32>,
        %parallel_loop3A_428 = arith.index_cast %parallel_loop3A_355 : i32 to index
        %parallel_loop3A_429 = arith.constant 96 : index
        %parallel_loop3A_430 = tpu.vector_load %arg12[%parallel_loop3A_428, %parallel_loop3A_429] {strides = array<i32>} : memref<128x128xf32, #tpu.memory_space<vmem>>, vector<1x16xf32>,
        %parallel_loop3A_431 = vector.shape_cast %parallel_loop3A_430 : vector<1x16xf32> to vector<16xf32>
        %parallel_loop3A_432 = arith.constant 11.3137083 : f32
        %parallel_loop3A_433 = vector.broadcast %parallel_loop3A_432 : f32 to vector<16xf32>
        %parallel_loop3A_434 = arith.mulf %parallel_loop3A_431, %parallel_loop3A_433 : vector<16xf32>
        %parallel_loop3A_435 = arith.index_cast %parallel_loop3A_355 : i32 to index
        %parallel_loop3A_436 = arith.constant 96 : index
        %parallel_loop3A_437 = tpu.vector_load %arg12[%parallel_loop3A_435, %parallel_loop3A_436] {strides = array<i32>} : memref<128x128xf32, #tpu.memory_space<vmem>>, vector<1x16xf32>,
        %parallel_loop3A_438 = vector.shape_cast %parallel_loop3A_437 : vector<1x16xf32> to vector<16xf32>
        %parallel_loop3A_439 = vector.shape_cast %parallel_loop3A_434 : vector<16xf32> to vector<1x16xf32>
        tpu.vector_store %arg12[%parallel_loop3A_435, %parallel_loop3A_436], %parallel_loop3A_439 {strides = array<i32>} : memref<128x128xf32, #tpu.memory_space<vmem>>, vector<1x16xf32>,
        %parallel_loop3A_440 = arith.index_cast %parallel_loop3A_355 : i32 to index
        %parallel_loop3A_441 = arith.constant 112 : index
        %parallel_loop3A_442 = tpu.vector_load %arg12[%parallel_loop3A_440, %parallel_loop3A_441] {strides = array<i32>} : memref<128x128xf32, #tpu.memory_space<vmem>>, vector<1x16xf32>,
        %parallel_loop3A_443 = vector.shape_cast %parallel_loop3A_442 : vector<1x16xf32> to vector<16xf32>
        %parallel_loop3A_444 = arith.constant 11.3137083 : f32
        %parallel_loop3A_445 = vector.broadcast %parallel_loop3A_444 : f32 to vector<16xf32>
        %parallel_loop3A_446 = arith.mulf %parallel_loop3A_443, %parallel_loop3A_445 : vector<16xf32>
        %parallel_loop3A_447 = arith.index_cast %parallel_loop3A_355 : i32 to index
        %parallel_loop3A_448 = arith.constant 112 : index
        %parallel_loop3A_449 = tpu.vector_load %arg12[%parallel_loop3A_447, %parallel_loop3A_448] {strides = array<i32>} : memref<128x128xf32, #tpu.memory_space<vmem>>, vector<1x16xf32>,
        %parallel_loop3A_450 = vector.shape_cast %parallel_loop3A_449 : vector<1x16xf32> to vector<16xf32>
        %parallel_loop3A_451 = vector.shape_cast %parallel_loop3A_446 : vector<16xf32> to vector<1x16xf32>
        tpu.vector_store %arg12[%parallel_loop3A_447, %parallel_loop3A_448], %parallel_loop3A_451 {strides = array<i32>} : memref<128x128xf32, #tpu.memory_space<vmem>>, vector<1x16xf32>,
      } {sc.loop_unroll_factor = 4 : i64, sc.parallel_access}
      %mul3A_347 = arith.constant 128 : i32
      %mul3A_348 = arith.muli %add3A_323, %mul3A_347 : i32
      %add3A_349 = arith.addi %mul3A_2, %mul3A_348 : i32
      %dma_start3A_350 = arith.constant 0 : i32
      %dma_start3A_351 = tpu.memref_slice %arg4[%add3A_349, %dma_start3A_350] : memref<204800x128xf32, #tpu.memory_space<hbm>> -> memref<128x128xf32, #tpu.memory_space<hbm>>
      %dma_start3A_352 = arith.constant 0 : i32
      %dma_start3A_353 = tpu.memref_slice %arg4[%add3A_349, %dma_start3A_352] : memref<204800x128xf32, #tpu.memory_space<hbm>> -> memref<128x128xf32, #tpu.memory_space<hbm>>
      tpu.enqueue_dma source(%arg12 : memref<128x128xf32, #tpu.memory_space<vmem>>) target(%dma_start3A_353 : memref<128x128xf32, #tpu.memory_space<hbm>>) target_semaphore(%arg26 : memref<!tpu.dma_semaphore, #tpu.memory_space<semaphore_mem>>)
      %scan3A_354 = arith.constant 0 : i32
      scf.yield %scan3A_354 : i32
    }
    %scan3A_57 = arith.constant 7 : i32
    %dma_wait3A = arith.constant 49 : i32
    %dma_wait3A_58 = arith.constant 0 : i32
    %dma_wait3A_59 = arith.constant 0 : i32
    %dma_wait3A_60 = tpu.memref_slice %arg6[%dma_wait3A_58, %dma_wait3A_59] : memref<128x128xf32, #tpu.memory_space<vmem>> -> memref<128x128xf32, #tpu.memory_space<vmem>>
    %dma_wait3A_61 = arith.constant 0 : i32
    %dma_wait3A_62 = tpu.memref_slice %arg5[%dma_wait3A, %dma_wait3A_61] : memref<50x128xi32, #tpu.memory_space<vmem>> -> memref<1x128xi32, #tpu.memory_space<vmem>>
    %dma_wait3A_63 = tpu.memref_squeeze %dma_wait3A_62 : memref<1x128xi32, #tpu.memory_space<vmem>> -> memref<128xi32, #tpu.memory_space<vmem>>
    %dma_wait3A_64 = arith.constant 0 : i32
    %dma_wait3A_65 = arith.constant 0 : i32
    %dma_wait3A_66 = tpu.memref_slice %arg3[%dma_wait3A_64, %dma_wait3A_65] : memref<1000000x128xf32, #tpu.memory_space<hbm>> -> memref<1000000x128xf32, #tpu.memory_space<hbm>>
    tpu.wait_indirect_dma semaphore(%arg13 : memref<!tpu.dma_semaphore, #tpu.memory_space<semaphore_mem>>) src(%dma_wait3A_66 : memref<1000000x128xf32, #tpu.memory_space<hbm>>) dst(%dma_wait3A_60 : memref<128x128xf32, #tpu.memory_space<vmem>>)
    %parallel_loop3A = arith.constant 0 : i32
    %parallel_loop3A_67 = arith.constant 128 : i32
    %parallel_loop3A_68 = arith.constant 1 : i32
    scf.for %parallel_loop3A_117 = %parallel_loop3A to %parallel_loop3A_67 step %parallel_loop3A_68  : i32 {
      %parallel_loop3A_118 = arith.index_cast %parallel_loop3A_117 : i32 to index
      %parallel_loop3A_119 = arith.constant 0 : index
      %parallel_loop3A_120 = tpu.vector_load %arg6[%parallel_loop3A_118, %parallel_loop3A_119] {strides = array<i32>} : memref<128x128xf32, #tpu.memory_space<vmem>>, vector<1x16xf32>,
      %parallel_loop3A_121 = vector.shape_cast %parallel_loop3A_120 : vector<1x16xf32> to vector<16xf32>
      %parallel_loop3A_122 = arith.constant 11.3137083 : f32
      %parallel_loop3A_123 = vector.broadcast %parallel_loop3A_122 : f32 to vector<16xf32>
      %parallel_loop3A_124 = arith.mulf %parallel_loop3A_121, %parallel_loop3A_123 : vector<16xf32>
      %parallel_loop3A_125 = arith.index_cast %parallel_loop3A_117 : i32 to index
      %parallel_loop3A_126 = arith.constant 0 : index
      %parallel_loop3A_127 = tpu.vector_load %arg6[%parallel_loop3A_125, %parallel_loop3A_126] {strides = array<i32>} : memref<128x128xf32, #tpu.memory_space<vmem>>, vector<1x16xf32>,
      %parallel_loop3A_128 = vector.shape_cast %parallel_loop3A_127 : vector<1x16xf32> to vector<16xf32>
      %parallel_loop3A_129 = vector.shape_cast %parallel_loop3A_124 : vector<16xf32> to vector<1x16xf32>
      tpu.vector_store %arg6[%parallel_loop3A_125, %parallel_loop3A_126], %parallel_loop3A_129 {strides = array<i32>} : memref<128x128xf32, #tpu.memory_space<vmem>>, vector<1x16xf32>,
      %parallel_loop3A_130 = arith.index_cast %parallel_loop3A_117 : i32 to index
      %parallel_loop3A_131 = arith.constant 16 : index
      %parallel_loop3A_132 = tpu.vector_load %arg6[%parallel_loop3A_130, %parallel_loop3A_131] {strides = array<i32>} : memref<128x128xf32, #tpu.memory_space<vmem>>, vector<1x16xf32>,
      %parallel_loop3A_133 = vector.shape_cast %parallel_loop3A_132 : vector<1x16xf32> to vector<16xf32>
      %parallel_loop3A_134 = arith.constant 11.3137083 : f32
      %parallel_loop3A_135 = vector.broadcast %parallel_loop3A_134 : f32 to vector<16xf32>
      %parallel_loop3A_136 = arith.mulf %parallel_loop3A_133, %parallel_loop3A_135 : vector<16xf32>
      %parallel_loop3A_137 = arith.index_cast %parallel_loop3A_117 : i32 to index
      %parallel_loop3A_138 = arith.constant 16 : index
      %parallel_loop3A_139 = tpu.vector_load %arg6[%parallel_loop3A_137, %parallel_loop3A_138] {strides = array<i32>} : memref<128x128xf32, #tpu.memory_space<vmem>>, vector<1x16xf32>,
      %parallel_loop3A_140 = vector.shape_cast %parallel_loop3A_139 : vector<1x16xf32> to vector<16xf32>
      %parallel_loop3A_141 = vector.shape_cast %parallel_loop3A_136 : vector<16xf32> to vector<1x16xf32>
      tpu.vector_store %arg6[%parallel_loop3A_137, %parallel_loop3A_138], %parallel_loop3A_141 {strides = array<i32>} : memref<128x128xf32, #tpu.memory_space<vmem>>, vector<1x16xf32>,
      %parallel_loop3A_142 = arith.index_cast %parallel_loop3A_117 : i32 to index
      %parallel_loop3A_143 = arith.constant 32 : index
      %parallel_loop3A_144 = tpu.vector_load %arg6[%parallel_loop3A_142, %parallel_loop3A_143] {strides = array<i32>} : memref<128x128xf32, #tpu.memory_space<vmem>>, vector<1x16xf32>,
      %parallel_loop3A_145 = vector.shape_cast %parallel_loop3A_144 : vector<1x16xf32> to vector<16xf32>
      %parallel_loop3A_146 = arith.constant 11.3137083 : f32
      %parallel_loop3A_147 = vector.broadcast %parallel_loop3A_146 : f32 to vector<16xf32>
      %parallel_loop3A_148 = arith.mulf %parallel_loop3A_145, %parallel_loop3A_147 : vector<16xf32>
      %parallel_loop3A_149 = arith.index_cast %parallel_loop3A_117 : i32 to index
      %parallel_loop3A_150 = arith.constant 32 : index
      %parallel_loop3A_151 = tpu.vector_load %arg6[%parallel_loop3A_149, %parallel_loop3A_150] {strides = array<i32>} : memref<128x128xf32, #tpu.memory_space<vmem>>, vector<1x16xf32>,
      %parallel_loop3A_152 = vector.shape_cast %parallel_loop3A_151 : vector<1x16xf32> to vector<16xf32>
      %parallel_loop3A_153 = vector.shape_cast %parallel_loop3A_148 : vector<16xf32> to vector<1x16xf32>
      tpu.vector_store %arg6[%parallel_loop3A_149, %parallel_loop3A_150], %parallel_loop3A_153 {strides = array<i32>} : memref<128x128xf32, #tpu.memory_space<vmem>>, vector<1x16xf32>,
      %parallel_loop3A_154 = arith.index_cast %parallel_loop3A_117 : i32 to index
      %parallel_loop3A_155 = arith.constant 48 : index
      %parallel_loop3A_156 = tpu.vector_load %arg6[%parallel_loop3A_154, %parallel_loop3A_155] {strides = array<i32>} : memref<128x128xf32, #tpu.memory_space<vmem>>, vector<1x16xf32>,
      %parallel_loop3A_157 = vector.shape_cast %parallel_loop3A_156 : vector<1x16xf32> to vector<16xf32>
      %parallel_loop3A_158 = arith.constant 11.3137083 : f32
      %parallel_loop3A_159 = vector.broadcast %parallel_loop3A_158 : f32 to vector<16xf32>
      %parallel_loop3A_160 = arith.mulf %parallel_loop3A_157, %parallel_loop3A_159 : vector<16xf32>
      %parallel_loop3A_161 = arith.index_cast %parallel_loop3A_117 : i32 to index
      %parallel_loop3A_162 = arith.constant 48 : index
      %parallel_loop3A_163 = tpu.vector_load %arg6[%parallel_loop3A_161, %parallel_loop3A_162] {strides = array<i32>} : memref<128x128xf32, #tpu.memory_space<vmem>>, vector<1x16xf32>,
      %parallel_loop3A_164 = vector.shape_cast %parallel_loop3A_163 : vector<1x16xf32> to vector<16xf32>
      %parallel_loop3A_165 = vector.shape_cast %parallel_loop3A_160 : vector<16xf32> to vector<1x16xf32>
      tpu.vector_store %arg6[%parallel_loop3A_161, %parallel_loop3A_162], %parallel_loop3A_165 {strides = array<i32>} : memref<128x128xf32, #tpu.memory_space<vmem>>, vector<1x16xf32>,
      %parallel_loop3A_166 = arith.index_cast %parallel_loop3A_117 : i32 to index
      %parallel_loop3A_167 = arith.constant 64 : index
      %parallel_loop3A_168 = tpu.vector_load %arg6[%parallel_loop3A_166, %parallel_loop3A_167] {strides = array<i32>} : memref<128x128xf32, #tpu.memory_space<vmem>>, vector<1x16xf32>,
      %parallel_loop3A_169 = vector.shape_cast %parallel_loop3A_168 : vector<1x16xf32> to vector<16xf32>
      %parallel_loop3A_170 = arith.constant 11.3137083 : f32
      %parallel_loop3A_171 = vector.broadcast %parallel_loop3A_170 : f32 to vector<16xf32>
      %parallel_loop3A_172 = arith.mulf %parallel_loop3A_169, %parallel_loop3A_171 : vector<16xf32>
      %parallel_loop3A_173 = arith.index_cast %parallel_loop3A_117 : i32 to index
      %parallel_loop3A_174 = arith.constant 64 : index
      %parallel_loop3A_175 = tpu.vector_load %arg6[%parallel_loop3A_173, %parallel_loop3A_174] {strides = array<i32>} : memref<128x128xf32, #tpu.memory_space<vmem>>, vector<1x16xf32>,
      %parallel_loop3A_176 = vector.shape_cast %parallel_loop3A_175 : vector<1x16xf32> to vector<16xf32>
      %parallel_loop3A_177 = vector.shape_cast %parallel_loop3A_172 : vector<16xf32> to vector<1x16xf32>
      tpu.vector_store %arg6[%parallel_loop3A_173, %parallel_loop3A_174], %parallel_loop3A_177 {strides = array<i32>} : memref<128x128xf32, #tpu.memory_space<vmem>>, vector<1x16xf32>,
      %parallel_loop3A_178 = arith.index_cast %parallel_loop3A_117 : i32 to index
      %parallel_loop3A_179 = arith.constant 80 : index
      %parallel_loop3A_180 = tpu.vector_load %arg6[%parallel_loop3A_178, %parallel_loop3A_179] {strides = array<i32>} : memref<128x128xf32, #tpu.memory_space<vmem>>, vector<1x16xf32>,
      %parallel_loop3A_181 = vector.shape_cast %parallel_loop3A_180 : vector<1x16xf32> to vector<16xf32>
      %parallel_loop3A_182 = arith.constant 11.3137083 : f32
      %parallel_loop3A_183 = vector.broadcast %parallel_loop3A_182 : f32 to vector<16xf32>
      %parallel_loop3A_184 = arith.mulf %parallel_loop3A_181, %parallel_loop3A_183 : vector<16xf32>
      %parallel_loop3A_185 = arith.index_cast %parallel_loop3A_117 : i32 to index
      %parallel_loop3A_186 = arith.constant 80 : index
      %parallel_loop3A_187 = tpu.vector_load %arg6[%parallel_loop3A_185, %parallel_loop3A_186] {strides = array<i32>} : memref<128x128xf32, #tpu.memory_space<vmem>>, vector<1x16xf32>,
      %parallel_loop3A_188 = vector.shape_cast %parallel_loop3A_187 : vector<1x16xf32> to vector<16xf32>
      %parallel_loop3A_189 = vector.shape_cast %parallel_loop3A_184 : vector<16xf32> to vector<1x16xf32>
      tpu.vector_store %arg6[%parallel_loop3A_185, %parallel_loop3A_186], %parallel_loop3A_189 {strides = array<i32>} : memref<128x128xf32, #tpu.memory_space<vmem>>, vector<1x16xf32>,
      %parallel_loop3A_190 = arith.index_cast %parallel_loop3A_117 : i32 to index
      %parallel_loop3A_191 = arith.constant 96 : index
      %parallel_loop3A_192 = tpu.vector_load %arg6[%parallel_loop3A_190, %parallel_loop3A_191] {strides = array<i32>} : memref<128x128xf32, #tpu.memory_space<vmem>>, vector<1x16xf32>,
      %parallel_loop3A_193 = vector.shape_cast %parallel_loop3A_192 : vector<1x16xf32> to vector<16xf32>
      %parallel_loop3A_194 = arith.constant 11.3137083 : f32
      %parallel_loop3A_195 = vector.broadcast %parallel_loop3A_194 : f32 to vector<16xf32>
      %parallel_loop3A_196 = arith.mulf %parallel_loop3A_193, %parallel_loop3A_195 : vector<16xf32>
      %parallel_loop3A_197 = arith.index_cast %parallel_loop3A_117 : i32 to index
      %parallel_loop3A_198 = arith.constant 96 : index
      %parallel_loop3A_199 = tpu.vector_load %arg6[%parallel_loop3A_197, %parallel_loop3A_198] {strides = array<i32>} : memref<128x128xf32, #tpu.memory_space<vmem>>, vector<1x16xf32>,
      %parallel_loop3A_200 = vector.shape_cast %parallel_loop3A_199 : vector<1x16xf32> to vector<16xf32>
      %parallel_loop3A_201 = vector.shape_cast %parallel_loop3A_196 : vector<16xf32> to vector<1x16xf32>
      tpu.vector_store %arg6[%parallel_loop3A_197, %parallel_loop3A_198], %parallel_loop3A_201 {strides = array<i32>} : memref<128x128xf32, #tpu.memory_space<vmem>>, vector<1x16xf32>,
      %parallel_loop3A_202 = arith.index_cast %parallel_loop3A_117 : i32 to index
      %parallel_loop3A_203 = arith.constant 112 : index
      %parallel_loop3A_204 = tpu.vector_load %arg6[%parallel_loop3A_202, %parallel_loop3A_203] {strides = array<i32>} : memref<128x128xf32, #tpu.memory_space<vmem>>, vector<1x16xf32>,
      %parallel_loop3A_205 = vector.shape_cast %parallel_loop3A_204 : vector<1x16xf32> to vector<16xf32>
      %parallel_loop3A_206 = arith.constant 11.3137083 : f32
      %parallel_loop3A_207 = vector.broadcast %parallel_loop3A_206 : f32 to vector<16xf32>
      %parallel_loop3A_208 = arith.mulf %parallel_loop3A_205, %parallel_loop3A_207 : vector<16xf32>
      %parallel_loop3A_209 = arith.index_cast %parallel_loop3A_117 : i32 to index
      %parallel_loop3A_210 = arith.constant 112 : index
      %parallel_loop3A_211 = tpu.vector_load %arg6[%parallel_loop3A_209, %parallel_loop3A_210] {strides = array<i32>} : memref<128x128xf32, #tpu.memory_space<vmem>>, vector<1x16xf32>,
      %parallel_loop3A_212 = vector.shape_cast %parallel_loop3A_211 : vector<1x16xf32> to vector<16xf32>
      %parallel_loop3A_213 = vector.shape_cast %parallel_loop3A_208 : vector<16xf32> to vector<1x16xf32>
      tpu.vector_store %arg6[%parallel_loop3A_209, %parallel_loop3A_210], %parallel_loop3A_213 {strides = array<i32>} : memref<128x128xf32, #tpu.memory_space<vmem>>, vector<1x16xf32>,
    } {sc.loop_unroll_factor = 4 : i64, sc.parallel_access}
    %add3A_69 = arith.constant 6272 : i32
    %add3A_70 = arith.addi %mul3A_2, %add3A_69 : i32
    %dma_start3A_71 = arith.constant 0 : i32
    %dma_start3A_72 = tpu.memref_slice %arg4[%add3A_70, %dma_start3A_71] : memref<204800x128xf32, #tpu.memory_space<hbm>> -> memref<128x128xf32, #tpu.memory_space<hbm>>
    %dma_start3A_73 = arith.constant 0 : i32
    %dma_start3A_74 = tpu.memref_slice %arg4[%add3A_70, %dma_start3A_73] : memref<204800x128xf32, #tpu.memory_space<hbm>> -> memref<128x128xf32, #tpu.memory_space<hbm>>
    tpu.enqueue_dma source(%arg6 : memref<128x128xf32, #tpu.memory_space<vmem>>) target(%dma_start3A_74 : memref<128x128xf32, #tpu.memory_space<hbm>>) target_semaphore(%arg20 : memref<!tpu.dma_semaphore, #tpu.memory_space<semaphore_mem>>)
    %add3A_75 = arith.constant 5504 : i32
    %add3A_76 = arith.addi %mul3A_2, %add3A_75 : i32
    %dma_wait3A_77 = arith.constant 0 : i32
    %dma_wait3A_78 = tpu.memref_slice %arg4[%add3A_76, %dma_wait3A_77] : memref<204800x128xf32, #tpu.memory_space<hbm>> -> memref<128x128xf32, #tpu.memory_space<hbm>>
    %dma_wait3A_79 = arith.constant 0 : i32
    %dma_wait3A_80 = tpu.memref_slice %arg4[%add3A_76, %dma_wait3A_79] : memref<204800x128xf32, #tpu.memory_space<hbm>> -> memref<128x128xf32, #tpu.memory_space<hbm>>
    tpu.wait_dma2 semaphore(%arg21 : memref<!tpu.dma_semaphore, #tpu.memory_space<semaphore_mem>>) src(%arg7 : memref<128x128xf32, #tpu.memory_space<vmem>>) dst(%dma_wait3A_80 : memref<128x128xf32, #tpu.memory_space<hbm>>)
    %add3A_81 = arith.constant 5632 : i32
    %add3A_82 = arith.addi %mul3A_2, %add3A_81 : i32
    %dma_wait3A_83 = arith.constant 0 : i32
    %dma_wait3A_84 = tpu.memref_slice %arg4[%add3A_82, %dma_wait3A_83] : memref<204800x128xf32, #tpu.memory_space<hbm>> -> memref<128x128xf32, #tpu.memory_space<hbm>>
    %dma_wait3A_85 = arith.constant 0 : i32
    %dma_wait3A_86 = tpu.memref_slice %arg4[%add3A_82, %dma_wait3A_85] : memref<204800x128xf32, #tpu.memory_space<hbm>> -> memref<128x128xf32, #tpu.memory_space<hbm>>
    tpu.wait_dma2 semaphore(%arg22 : memref<!tpu.dma_semaphore, #tpu.memory_space<semaphore_mem>>) src(%arg8 : memref<128x128xf32, #tpu.memory_space<vmem>>) dst(%dma_wait3A_86 : memref<128x128xf32, #tpu.memory_space<hbm>>)
    %add3A_87 = arith.constant 5760 : i32
    %add3A_88 = arith.addi %mul3A_2, %add3A_87 : i32
    %dma_wait3A_89 = arith.constant 0 : i32
    %dma_wait3A_90 = tpu.memref_slice %arg4[%add3A_88, %dma_wait3A_89] : memref<204800x128xf32, #tpu.memory_space<hbm>> -> memref<128x128xf32, #tpu.memory_space<hbm>>
    %dma_wait3A_91 = arith.constant 0 : i32
    %dma_wait3A_92 = tpu.memref_slice %arg4[%add3A_88, %dma_wait3A_91] : memref<204800x128xf32, #tpu.memory_space<hbm>> -> memref<128x128xf32, #tpu.memory_space<hbm>>
    tpu.wait_dma2 semaphore(%arg23 : memref<!tpu.dma_semaphore, #tpu.memory_space<semaphore_mem>>) src(%arg9 : memref<128x128xf32, #tpu.memory_space<vmem>>) dst(%dma_wait3A_92 : memref<128x128xf32, #tpu.memory_space<hbm>>)
    %add3A_93 = arith.constant 5888 : i32
    %add3A_94 = arith.addi %mul3A_2, %add3A_93 : i32
    %dma_wait3A_95 = arith.constant 0 : i32
    %dma_wait3A_96 = tpu.memref_slice %arg4[%add3A_94, %dma_wait3A_95] : memref<204800x128xf32, #tpu.memory_space<hbm>> -> memref<128x128xf32, #tpu.memory_space<hbm>>
    %dma_wait3A_97 = arith.constant 0 : i32
    %dma_wait3A_98 = tpu.memref_slice %arg4[%add3A_94, %dma_wait3A_97] : memref<204800x128xf32, #tpu.memory_space<hbm>> -> memref<128x128xf32, #tpu.memory_space<hbm>>
    tpu.wait_dma2 semaphore(%arg24 : memref<!tpu.dma_semaphore, #tpu.memory_space<semaphore_mem>>) src(%arg10 : memref<128x128xf32, #tpu.memory_space<vmem>>) dst(%dma_wait3A_98 : memref<128x128xf32, #tpu.memory_space<hbm>>)
    %add3A_99 = arith.constant 6016 : i32
    %add3A_100 = arith.addi %mul3A_2, %add3A_99 : i32
    %dma_wait3A_101 = arith.constant 0 : i32
    %dma_wait3A_102 = tpu.memref_slice %arg4[%add3A_100, %dma_wait3A_101] : memref<204800x128xf32, #tpu.memory_space<hbm>> -> memref<128x128xf32, #tpu.memory_space<hbm>>
    %dma_wait3A_103 = arith.constant 0 : i32
    %dma_wait3A_104 = tpu.memref_slice %arg4[%add3A_100, %dma_wait3A_103] : memref<204800x128xf32, #tpu.memory_space<hbm>> -> memref<128x128xf32, #tpu.memory_space<hbm>>
    tpu.wait_dma2 semaphore(%arg25 : memref<!tpu.dma_semaphore, #tpu.memory_space<semaphore_mem>>) src(%arg11 : memref<128x128xf32, #tpu.memory_space<vmem>>) dst(%dma_wait3A_104 : memref<128x128xf32, #tpu.memory_space<hbm>>)
    %add3A_105 = arith.constant 6144 : i32
    %add3A_106 = arith.addi %mul3A_2, %add3A_105 : i32
    %dma_wait3A_107 = arith.constant 0 : i32
    %dma_wait3A_108 = tpu.memref_slice %arg4[%add3A_106, %dma_wait3A_107] : memref<204800x128xf32, #tpu.memory_space<hbm>> -> memref<128x128xf32, #tpu.memory_space<hbm>>
    %dma_wait3A_109 = arith.constant 0 : i32
    %dma_wait3A_110 = tpu.memref_slice %arg4[%add3A_106, %dma_wait3A_109] : memref<204800x128xf32, #tpu.memory_space<hbm>> -> memref<128x128xf32, #tpu.memory_space<hbm>>
    tpu.wait_dma2 semaphore(%arg26 : memref<!tpu.dma_semaphore, #tpu.memory_space<semaphore_mem>>) src(%arg12 : memref<128x128xf32, #tpu.memory_space<vmem>>) dst(%dma_wait3A_110 : memref<128x128xf32, #tpu.memory_space<hbm>>)
    %add3A_111 = arith.constant 6272 : i32
    %add3A_112 = arith.addi %mul3A_2, %add3A_111 : i32
    %dma_wait3A_113 = arith.constant 0 : i32
    %dma_wait3A_114 = tpu.memref_slice %arg4[%add3A_112, %dma_wait3A_113] : memref<204800x128xf32, #tpu.memory_space<hbm>> -> memref<128x128xf32, #tpu.memory_space<hbm>>
    %dma_wait3A_115 = arith.constant 0 : i32
    %dma_wait3A_116 = tpu.memref_slice %arg4[%add3A_112, %dma_wait3A_115] : memref<204800x128xf32, #tpu.memory_space<hbm>> -> memref<128x128xf32, #tpu.memory_space<hbm>>
    tpu.wait_dma2 semaphore(%arg20 : memref<!tpu.dma_semaphore, #tpu.memory_space<semaphore_mem>>) src(%arg6 : memref<128x128xf32, #tpu.memory_space<vmem>>) dst(%dma_wait3A_116 : memref<128x128xf32, #tpu.memory_space<hbm>>)
    return
  }
}

</mosaic_0001>

<sc_bundles>
// kernel: kernel.3.cloned.1.call-start
scs
__scs_entry_jumppad:
0x0: {  	(pc) =	sbr.rel $0x88, $3  }
0x1: {  	(tag) =	ssettag $0x0;
	lr =	simm.s32 $0x1  }
0x2: {  	[smem:$0x3F9F] =	sst lr;
	_ =	strace $0xD0000000  }
0x3: {  	_ = 	snop  }
0x4: {  	_ = 	snop  }
0x5: {  	_ = 	snop  }
0x6: {  	_ = 	snop  }
0x7: {  	_ = 	snop  }
__scs_overlays_trampoline_lowered:
0x8: {  	[smem:$0x3FAE] =	sst s0  }
0x9: {  	[smem:$0x3FAF] =	sst s1  }
0xa: {  	[smem:$0x3FB0] =	sst s2  }
0xb: {  	[smem:$0x3FB1] =	sst s3  }
0xc: {  	[smem:$0x3FB2] =	sst s4  }
0xd: {  	[smem:$0x3FB3] =	sst s5  }
0xe: {  	[smem:$0x3FB4] =	sst s6  }
0xf: {  	[smem:$0x3FB5] =	sst s7  }
0x10: {  	[smem:$0x3FB6] =	sst s8  }
0x11: {  	[smem:$0x3FB7] =	sst s9;
	s0 =	simm.s32 @!p0 $0x0  }
0x12: {  	s1 =	sld [smem:$0x3F9D];
	s0 =	simm.s32 @p0 $0x1  }
0x13: {  	[smem:$0x3FB8] =	sst s0;
	s0 =	simm.s32 @!p1 $0x0  }
0x14: {  	s2 =	sld [smem:$0x3F9C];
	s0 =	simm.s32 @p1 $0x1  }
0x15: {  	[smem:$0x3FB9] =	sst s0;
	s0 =	simm.s32 @!p2 $0x0  }
0x16: {  	s3 =	sld [smem:$0x3FDB];
	s0 =	simm.s32 @p2 $0x1  }
0x17: {  	s4 =	simm.s32 $0x1BF5;
	[smem:$0x3FBB] =	sst s0  }
0x18: {  	s0 =	sld [smem:$0x3F9E];
	_ =	swait.ge [sflag:s4], $0x0  }
0x19: {  	s7 =	sld [smem:$0x3F9F]  }
0x1a: {  	s8 =	sadd.s32 $0xFFFFE003, lr  }
0x1b: {  	s9 =	sadd.s32 $0xFFFFFEF7, lr;
	s5 =	simm.s32 $0xFFFFFFFF;
	p2 =	slt.u32 s8, $0xFFFFF086  }
0x1c: {  	p1 =	slt.u32 s9, $0xF7A;
	s5 =	simm.s32 @!p2 $0x0  }
0x1d: {  	s5 =	simm.s32 @p1 $0x1;
	p0 =	seq.s32 s7, s2  }
0x1e: {  	s7 =	smul.u32 @!p0 $0xF7A, s2;
	p2 =	seq.s32 @!p0 s5, $0x0  }
0x1f: {  	s9 =	smul.u32 $0xF7A, s1;
	s8 =	simm.s32 @!p0 $0x1BF5;
	p2 =	por !p2, p0  }
0x20: {  	[sflag:s8] =	ssyncset.s32 @!p0 $0xFFFFF086;
	s6 =	sadd.s32 @!p0 s3, s7;
	s7 =	simm.s32 @!p0 $0x108  }
0x21: {  	s3 =	sadd.s32 s3, s9;
	s6 =	sadd.s32 @!p0 $0x88, s6;
	s7 =	simm.s32 @p2 $0x1082  }
0x22: {  	[simem:s7], [sflag:s8] =	dma.local @!p0 [hbm:s6], $0xF7A  }
0x23: {  	s9 =	sor.u32 $0xD0000000, s2;
	s6 =	simm.s32 $0x108;
	_ =	swait.ge @!p0 [sflag:s8], $0x0  }
0x24: {  	s3 =	sadd.s32 $0x88, s3;
	s6 =	simm.s32 @!p1 $0x1082;
	[sflag:s4] =	ssyncset.s32 $0xFFFFF086  }
0x25: {  	[simem:s6], [sflag:s4] =	dma.local [hbm:s3], $0xF7A  }
0x26: {  	[smem:$0x3F9F] =	sst s1;
	(tag) =	ssettag s2;
	_ =	strace s9  }
0x27: {  	s1 =	sld [smem:$0x3FAF]  }
0x28: {  	s2 =	sld [smem:$0x3FB0]  }
0x29: {  	s4 =	sld [smem:$0x3FB2]  }
0x2a: {  	p0 =	seq.s32 s5, $0x0;
	s5 =	sld [smem:$0x3FB3]  }
0x2b: {  	s6 =	sld [smem:$0x3FB4]  }
0x2c: {  	s7 =	sld [smem:$0x3FB5]  }
0x2d: {  	s3 =	simm.s32 $0x108;
	s8 =	sld [smem:$0x3FB6]  }
0x2e: {  	s3 =	simm.s32 @!p0 $0x1082;
	s9 =	sld [smem:$0x3FB7]  }
0x2f: {  	lr =	sadd.s32 s0, s3;
	s0 =	sld [smem:$0x3FAE]  }
0x30: {  	s3 =	sld [smem:$0x3FB1]  }
0x31: {  	[smem:$0x3FBA] =	sst s10  }
0x32: {  	s10 =	sld [smem:$0x3FB8];
	_ =	sdelay $0x3  }
0x33: {  	p0 =	seq.s32 s10, $0x1;
	s10 =	sld [smem:$0x3FBA];
	_ =	sdelay $0x3  }
0x34: {  	[smem:$0x3FBA] =	sst s10  }
0x35: {  	s10 =	sld [smem:$0x3FB9];
	_ =	sdelay $0x3  }
0x36: {  	p1 =	seq.s32 s10, $0x1;
	s10 =	sld [smem:$0x3FBA];
	_ =	sdelay $0x3  }
0x37: {  	[smem:$0x3FBA] =	sst s10  }
0x38: {  	s10 =	sld [smem:$0x3FBB]  }
0x39: {  	_ = 	snop;
	(pc) =	sbr.ind lr, $3  }
0x3a: {  	_ = 	snop  }
0x3b: {  	_ = 	snop  }
0x3c: {  	p2 =	seq.s32 s10, $0x1;
	s10 =	sld [smem:$0x3FBA]  }
0x3d: {  	_ =	shalt  }
0x3e: {  	_ =	shalt  }
0x3f: {  	_ =	shalt  }
0x40: {  	_ =	shalt  }
0x41: {  	_ =	shalt  }
0x42: {  	_ =	shalt  }
0x43: {  	_ =	shalt  }
0x44: {  	_ =	shalt  }
0x45: {  	_ =	shalt  }
0x46: {  	_ =	shalt  }
0x47: {  	_ =	shalt  }
0x48: {  	_ =	shalt  }
0x49: {  	_ =	shalt  }
0x4a: {  	_ =	shalt  }
0x4b: {  	_ =	shalt  }
0x4c: {  	_ =	shalt  }
0x4d: {  	_ =	shalt  }
0x4e: {  	_ =	shalt  }
0x4f: {  	_ =	shalt  }
0x50: {  	_ =	shalt  }
0x51: {  	_ =	shalt  }
0x52: {  	_ =	shalt  }
0x53: {  	_ =	shalt  }
0x54: {  	_ =	shalt  }
0x55: {  	_ =	shalt  }
0x56: {  	_ =	shalt  }
0x57: {  	_ =	shalt  }
0x58: {  	_ =	shalt  }
0x59: {  	_ =	shalt  }
0x5a: {  	_ =	shalt  }
0x5b: {  	_ =	shalt  }
0x5c: {  	_ =	shalt  }
0x5d: {  	_ =	shalt  }
0x5e: {  	_ =	shalt  }
0x5f: {  	_ =	shalt  }
0x60: {  	_ =	shalt  }
0x61: {  	_ =	shalt  }
0x62: {  	_ =	shalt  }
0x63: {  	_ =	shalt  }
0x64: {  	_ =	shalt  }
0x65: {  	_ =	shalt  }
0x66: {  	_ =	shalt  }
0x67: {  	_ =	shalt  }
0x68: {  	_ =	shalt  }
0x69: {  	_ =	shalt  }
0x6a: {  	_ =	shalt  }
0x6b: {  	_ =	shalt  }
0x6c: {  	_ =	shalt  }
0x6d: {  	_ =	shalt  }
0x6e: {  	_ =	shalt  }
0x6f: {  	_ =	shalt  }
0x70: {  	_ =	shalt  }
0x71: {  	_ =	shalt  }
0x72: {  	_ =	shalt  }
0x73: {  	_ =	shalt  }
0x74: {  	_ =	shalt  }
0x75: {  	_ =	shalt  }
0x76: {  	_ =	shalt  }
0x77: {  	_ =	shalt  }
0x78: {  	_ =	shalt  }
0x79: {  	_ =	shalt  }
0x7a: {  	_ =	shalt  }
0x7b: {  	_ =	shalt  }
0x7c: {  	_ =	shalt  }
0x7d: {  	_ =	shalt  }
0x7e: {  	_ =	shalt  }
0x7f: {  	_ =	shalt  }
0x80: {  	_ =	shalt  }
0x81: {  	_ =	shalt  }
0x82: {  	_ =	shalt  }
0x83: {  	_ =	shalt  }
0x84: {  	_ =	shalt  }
0x85: {  	_ =	shalt  }
0x86: {  	_ =	shalt  }
0x87: {  	_ =	shalt  }
.Lfunc_end0:
.L_simem_size_0:
called_computation_lowered:
.L_overlay_start_0:
0x88: {  	s2 =	sld [smem:$0x3FD9]  }
0x89: {  	s3 =	sld [smem:$0x3FFE];
	_ =	sdelay $0x1  }
0x8a: {  	s1 =	srdreg.scid  }
0x8b: {  	s0 =	sand.u32 $0x1, s1  }
0x8c: {  	s17 =	sshll.u32 s0, $0xA;
	s2 =	sadd.s32 s3, s2  }
0x8d: {  	s2 =	sadd.s32 s2, s17  }
0x8e: {  	[smem:$0x3FC6] =	sst s2  }
0x8f: {  	_ = 	snop  }
0x90: {  	s2 =	sld [smem:$0x3FC8]  }
0x91: {  	s18 =	sld [smem:$0x3FD0];
	(tm) =	ssettm $0x1  }
0x92: {  	s4 =	sld [smem:$0x3FFB];
	_ =	sdelay $0x3  }
0x93: {  	_ =	strace s4  }
0x94: {  	s4 =	sld [smem:$0x3FFC];
	_ =	sdelay $0x3  }
0x95: {  	_ =	strace s4  }
0x96: {  	s4 =	sld [smem:$0x3FFD];
	_ =	sdelay $0x3  }
0x97: {  	_ =	strace s4  }
0x98: {  	_ =	strace $0x8FFFFFFF  }
0x99: {  	s19 =	sld [smem:$0x3FDB];
	_ =	sdelay $0x1  }
0x9a: {  	s5 =	simm.s32 $_scs_section_size  }
0x9b: {  	s6 =	simm.s32 $_size__tile_overlayer_lowered;
	s7 =	simm.s32 $_tile_overlayer_lowered  }
0x9c: {  	s22 =	simm.s32 $0x1BFF;
	s21 =	sshll.u32 s7, $0x1;
	s4 =	sadd.s32 s5, s19  }
0x9d: {  	s8 =	simm.s32 $0x0;
	s20 =	sshll.u32 s6, $0x1;
	s6 =	sadd.s32 s21, s4  }
0x9e: {  	[timem:s8], [sflag:s22] =	dma.local [hbm:s6], s20  }
0x9f: {  	_ =	swait.ge [sflag:s22], s20  }
0xa0: {  	s5 =	ssub.s32 $0x0, s20;
	[sflag:s22] =	ssyncset.done $0x0  }
0xa1: {  	[sflag:s22] =	ssyncadd.s32 s5;
	_ =	sdelay $0x1  }
0xa2: {  	s23 =	simm.s32 $0x1B8B  }
0xa3: {  	_ =	swait.ge [sflag:s23], $0x1  }
0xa4: {  	[sflag:s23] =	ssyncset.done $0x0  }
0xa5: {  	s25 =	simm.s32 $0x1B8E;
	s24 =	sld [smem:$0x3FFE];
	[sflag:s23] =	ssyncadd.s32 $0xFFFFFFFF  }
0xa6: {  	s26 =	simm.s32 $execute0_lowered;
	[smem:$0x3FD2] =	sst s25  }
0xa7: {  	s6 =	sshll.u32 s26, $0x1;
	_ =	strace $0x80000046;
	[dreg:$0x1] =	wrdreg $0xFFFFFFFF  }
0xa8: {  	s28 =	simm.s32 $_size_execute0_lowered;
	s4 =	sadd.s32 s4, s6;
	[dreg:$0x0] =	wrdreg $0x0  }
0xa9: {  	s6 =	sshll.u32 s28, $0x1;
	[dreg:$0x2] =	wrdreg s4  }
0xaa: {  	[dreg:$0x3] =	wrdreg s6  }
0xab: {  	[dreg:$0x4] =	wrdreg $0xC0  }
0xac: {  	_ =	task [dreg:s8], $0x5FFFF  }
0xad: {  	[dreg:$0x1] =	wrdreg $0xFFFFFFFF  }
0xae: {  	[dreg:$0x0] =	wrdreg $0x60  }
0xaf: {  	[dreg:$0x2] =	wrdreg s24  }
0xb0: {  	[dreg:$0x3] =	wrdreg s2  }
0xb1: {  	[dreg:$0x4] =	wrdreg s18  }
0xb2: {  	[dreg:$0x5] =	wrdreg $0x9  }
0xb3: {  	_ =	task.clear_ibuf [dreg:s8], $0x6FFFF;
	_ =	strace $0x90000046  }
0xb4: {  	s29 =	simm.s32 $0x9;
	_ =	strace $0x80000048  }
0xb5: {  	_ =	swait.ge [sflag:s29], $0x1  }
0xb6: {  	[sflag:s29] =	ssyncadd.s32 $0xFFFFFFFF  }
0xb7: {  	_ =	strace $0x90000048  }
0xb8: {  	_ =	sfence  }
0xb9: {  	s30 =	sld [smem:$0x0];
	_ =	sdelay $0x2  }
0xba: {  	s31 =	sshll.u32 s1, $0xD;
	s1 =	sshrl.u32 s1, $0x2  }
0xbb: {  	s3 =	sand.u32 $0x4000, s31;
	s1 =	sadd.s32 s1, s30  }
0xbc: {  	s0 =	sor.u32 s3, s0;
	s1 =	sshll.u32 s1, $0x11  }
0xbd: {  	s0 =	sor.u32 s1, s0  }
0xbe: {  	s0 =	sadd.s32 $0x8F2B, s0  }
0xbf: {  	[sflag:s0] =	ssyncadd.remote.s32 $0x1  }
0xc0: {  	_ =	sfence.sel $0xFFFF  }
0xc1: {  	[dreg:$0x0] =	wrdreg $0xFFFFFFFF;
	(pc) =	sbr.abs _section_cstart, $3  }
0xc2: {  	[dreg:$0x1] =	wrdreg $0xFFFFFFFF  }
0xc3: {  	_ =	task.clear_ibuf [dreg:s8], $0x2FFFF;
	_ =	strace $0x9FFFFFFF  }
0xc4: {  	(tm) =	ssettm $0x7FFFFFFF  }
0xc5: {  	_ =	shalt  }
tec
execute0_lowered:
.L_overlay_start_1:
0x0: {  	(tag) =	ssettag $0x1  }
0x1: {  	s0 =	rddreg [dreg:$0x0]  }
0x2: {  	s2 =	rddreg [dreg:$0x1];
	s1 =	srdreg.scid  }
0x3: {  	s4 =	stileid.u32;
	s3 =	rddreg [dreg:$0x2]  }
0x4: {  	s15 =	simm.s32 $0x80;
	s16 =	simm.s32 $0x1C00;
	s23 =	simm.s32 $0x11C00  }
0x5: {  	s24 =	simm.s32 $0x15C00;
	s28 =	simm.s32 $0x2;
	s29 =	simm.s32 $0x8  }
0x6: {  	s30 =	simm.s32 $0x3;
	s1 =	sand.u32 $0x1, s1;
	s5 =	sshll.u32 s4, $0x1  }
0x7: {  	s31 =	simm.s32 $0x4;
	s18 =	simm.s32 $0x7;
	s6 =	sor.u32 s1, s5  }
0x8: {  	s12 =	simm.s32 $0x0;
	s4 =	simm.s32 $0x0;
	s7 =	smul.u32 $0x380, s6  }
0x9: {  	[smem:$0x7FF] =	sst s4;
	s1 =	ssub.s32 $0x2, s1;
	s5 =	smul.u32 $0xC8000, s6  }
0xa: {  	_ =	strace $0x80000047;
	s8 =	sshrl.u32 s1, $0x1;
	s6 =	smul.u32 $0x1900, s6  }
0xb: {  	s1 =	ssub.s32 s1, s8;
	s0 =	sadd.s32 s7, s0;
	s8 =	sor.u32 $0x4000, s5  }
0xc: {  	s25 =	sshrl.u32 s5, $0x3;
	s9 =	sadd.s32 $0x100, s6;
	s10 =	sadd.s32 $0xC000, s5  }
0xd: {  	s11 =	sadd.s32 $0x10000, s5;
	s26 =	smax.u32 s1, $0x1;
	s0 =	sadd.s32 $0x400, s0  }
0xe: {  	s1 =	simm.s32 $0x5;
	[dreg:$0x4] =	wrdreg s0;
	s0 =	sadd.s32 s3, s25  }
0xf: {  	[dreg:$0x6] =	wrdreg s26;
	s26 =	simm.s32 $0x19C00;
	s0 =	sadd.s32 $0x18800, s0  }
0x10: {  	s25 =	simm.s32 $0x1;
	[dreg:$0x5] =	wrdreg s0;
	s0 =	simm.s32 $0x6  }
.LBB2_1:
0x11: {  	[dreg:$0x7] =	wrdreg s12  }
0x12: {  	s7 =	rddreg [dreg:$0x4];
	s13 =	simm.s32 $0xF  }
0x13: {  	[tilespmem:s4], [sflag:$0xF] =	stream.linear.gather [hbm4b:s7+s4], $0x1900, $0x38;
	[tilespmem:$0x1DC00] =	vst v63  }
0x14: {  	_ =	swait.ge [sflag:s13], $0x1900  }
0x15: {  	[sflag:s13] =	ssyncset.done $0x0  }
0x16: {  	[sflag:s13] =	ssyncadd.s32 $0xFFFFE700  }
0x17: {  	[tilespmem:s16], [sflag:$0x1] =	stream.indirect.gather [hbm4b:s2+s15], $0x80, s4, s15, $0xb8;
	[tilespmem:$0x1DC00] =	vst v63  }
0x18: {  	s14 =	simm.s32 $0x5C00  }
0x19: {  	[tilespmem:s14], [sflag:$0x2] =	stream.indirect.gather [hbm4b:s2+s15], $0x80, s15, s15, $0xb8;
	[tilespmem:$0x1DC00] =	vst v63  }
0x1a: {  	s17 =	simm.s32 $0x100;
	s19 =	simm.s32 $0x9C00  }
0x1b: {  	[tilespmem:s19], [sflag:$0x3] =	stream.indirect.gather [hbm4b:s2+s15], $0x80, s17, s15, $0xb8;
	[tilespmem:$0x1DC00] =	vst v63  }
0x1c: {  	s20 =	simm.s32 $0x180;
	s21 =	simm.s32 $0xDC00  }
0x1d: {  	[tilespmem:s21], [sflag:$0x4] =	stream.indirect.gather [hbm4b:s2+s15], $0x80, s20, s15, $0xb8;
	[tilespmem:$0x1DC00] =	vst v63  }
0x1e: {  	s22 =	simm.s32 $0x200  }
0x1f: {  	[tilespmem:s23], [sflag:$0x5] =	stream.indirect.gather [hbm4b:s2+s15], $0x80, s22, s15, $0xb8;
	[tilespmem:$0x1DC00] =	vst v63  }
0x20: {  	s22 =	simm.s32 $0x0  }
.LBB2_2:
0x21: {  	s12 =	smul.u32 $0x7, s22;
	p0 =	seq.s32 s22, $0x0  }
0x22: {  	s13 =	simm.s32 @!p0 $0xD  }
0x23: {  	s7 =	sadd.s32 $0x5, s12;
	_ =	swait.ge @!p0 [sflag:s13], $0x4000  }
0x24: {  	[sflag:s13] =	ssyncset.done @!p0 $0x0;
	s14 =	sshll.u32 s7, $0x7  }
0x25: {  	[sflag:s13] =	ssyncadd.s32 @!p0 $0xFFFFC000;
	s21 =	sand.u32 $0x3FFFFF80, s14  }
0x26: {  	[tilespmem:s24], [sflag:$0x6] =	stream.indirect.gather [hbm4b:s2+s15], $0x80, s21, s15, $0xb8;
	[tilespmem:$0x1DC00] =	vst v63  }
0x27: {  	_ =	swait.ge [sflag:s25], $0x4000  }
0x28: {  	[sflag:s25] =	ssyncset.done $0x0  }
0x29: {  	s13 =	simm.s32 $0x1D00;
	[sflag:s25] =	ssyncadd.s32 $0xFFFFC000  }
0x2a: {  	v0 =	vld [tilespmem:s13+$0xF0]  }
0x2b: {  	v1 =	vld [tilespmem:s13+$0xFFFFFF10]  }
0x2c: {  	v2 =	vld [tilespmem:s13+$0xFFFFFF20]  }
0x2d: {  	v3 =	vld [tilespmem:s13+$0xFFFFFF30]  }
0x2e: {  	v6 =	vld [tilespmem:s13+$0xFFFFFF60]  }
0x2f: {  	v4 =	vld [tilespmem:s13+$0xFFFFFF40]  }
0x30: {  	v5 =	vld [tilespmem:s13+$0xFFFFFF50];
	v0 =	vmul.f32 $1.131370830e+01, v0  }
0x31: {  	v8 =	vld [tilespmem:s13+$0xFFFFFF80];
	v1 =	vmul.f32 $1.131370830e+01, v1  }
0x32: {  	v7 =	vld [tilespmem:s13+$0xFFFFFF70];
	v2 =	vmul.f32 $1.131370830e+01, v2;
	[tilespmem:s13+$0xF0] =	vst v0  }
0x33: {  	v6 =	vmul.f32 $1.131370830e+01, v6;
	v0 =	vld [tilespmem:s13+$0xFFFFFF90];
	[tilespmem:s13+$0xFFFFFF10] =	vst v1  }
0x34: {  	v1 =	vmul.f32 $1.131370830e+01, v3;
	v3 =	vld [tilespmem:s13+$0xFFFFFFA0];
	[tilespmem:s13+$0xFFFFFF20] =	vst v2;
	v2 =	vmul.f32 $1.131370830e+01, v4  }
0x35: {  	[tilespmem:s13+$0xFFFFFF60] =	vst v6;
	v6 =	vld [tilespmem:s13+$0xFFFFFFF0]  }
0x36: {  	v4 =	vld [tilespmem:s13+$0xFFFFFFB0];
	[tilespmem:s13+$0xFFFFFF40] =	vst v2;
	v2 =	vmul.f32 $1.131370830e+01, v8  }
0x37: {  	[tilespmem:s13+$0xFFFFFF30] =	vst v1;
	v1 =	vmul.f32 $1.131370830e+01, v5;
	v5 =	vld [tilespmem:s13+$0xFFFFFFC0]  }
0x38: {  	v8 =	vld [tilespmem:s13+$0xFFFFFFD0];
	[tilespmem:s13+$0xFFFFFF80] =	vst v2;
	v2 =	vmul.f32 $1.131370830e+01, v7  }
0x39: {  	[tilespmem:s13+$0xFFFFFF50] =	vst v1;
	v1 =	vld [tilespmem:s13+$0xFFFFFFE0];
	v0 =	vmul.f32 $1.131370830e+01, v0  }
0x3a: {  	v7 =	vld [tilespmem:s13+$0x30];
	v6 =	vmul.f32 $1.131370830e+01, v6;
	[tilespmem:s13+$0xFFFFFF70] =	vst v2  }
0x3b: {  	v2 =	vmul.f32 $1.131370830e+01, v3;
	v3 =	vld [tilespmem:s13+$0x0];
	[tilespmem:s13+$0xFFFFFF90] =	vst v0  }
0x3c: {  	v0 =	vmul.f32 $1.131370830e+01, v4;
	v4 =	vld [tilespmem:s13+$0x10];
	[tilespmem:s13+$0xFFFFFFF0] =	vst v6  }
0x3d: {  	[tilespmem:s13+$0xFFFFFFA0] =	vst v2;
	v2 =	vmul.f32 $1.131370830e+01, v5;
	v5 =	vld [tilespmem:s13+$0x20]  }
0x3e: {  	v6 =	vld [tilespmem:s13+$0x80];
	[tilespmem:s13+$0xFFFFFFB0] =	vst v0;
	v0 =	vmul.f32 $1.131370830e+01, v8  }
0x3f: {  	v1 =	vmul.f32 $1.131370830e+01, v1;
	[tilespmem:s13+$0xFFFFFFC0] =	vst v2;
	v2 =	vld [tilespmem:s13+$0x40]  }
0x40: {  	[tilespmem:s13+$0xFFFFFFD0] =	vst v0;
	v0 =	vmul.f32 $1.131370830e+01, v3;
	v3 =	vld [tilespmem:s13+$0x50]  }
0x41: {  	[tilespmem:s13+$0xFFFFFFE0] =	vst v1;
	v1 =	vld [tilespmem:s13+$0x60];
	v4 =	vmul.f32 $1.131370830e+01, v4  }
0x42: {  	[tilespmem:s13+$0x0] =	vst v0;
	v0 =	vmul.f32 $1.131370830e+01, v5;
	v5 =	vld [tilespmem:s13+$0x70]  }
0x43: {  	v6 =	vmul.f32 $1.131370830e+01, v6;
	[tilespmem:s13+$0x10] =	vst v4  }
0x44: {  	v4 =	vmul.f32 $1.131370830e+01, v7;
	v7 =	vld [tilespmem:s13+$0x90];
	[tilespmem:s13+$0x20] =	vst v0;
	v0 =	vmul.f32 $1.131370830e+01, v2  }
0x45: {  	v8 =	vld [tilespmem:s13+$0xA0];
	[tilespmem:s13+$0x80] =	vst v6;
	v2 =	vmul.f32 $1.131370830e+01, v3  }
0x46: {  	v3 =	vmul.f32 $1.131370830e+01, v1;
	[tilespmem:s13+$0x40] =	vst v0;
	v0 =	vld [tilespmem:s13+$0xB0]  }
0x47: {  	v1 =	vld [tilespmem:s13+$0xC0];
	[tilespmem:s13+$0x50] =	vst v2;
	v2 =	vmul.f32 $1.131370830e+01, v5  }
0x48: {  	[tilespmem:s13+$0x60] =	vst v3;
	v3 =	vld [tilespmem:s13+$0xD0]  }
0x49: {  	v5 =	vmul.f32 $1.131370830e+01, v7;
	[tilespmem:s13+$0x70] =	vst v2;
	v2 =	vld [tilespmem:s13+$0xE0]  }
0x4a: {  	s17 =	simm.s32 $0x1F00;
	s14 =	simm.s32 $0x0;
	v6 =	vmul.f32 $1.131370830e+01, v8;
	[tilespmem:s13+$0x30] =	vst v4;
	v4 =	vld [tilespmem:s13+$0xFFFFFF00]  }
.LBB2_3:
0x4b: {  	v7 =	vld [tilespmem:s17+$0xF0];
	s14 =	sadd.s32 $0x4, s14;
	[tilespmem:s13+$0x90] =	vst v5;
	v0 =	vmul.f32 $1.131370830e+01, v0  }
0x4c: {  	v5 =	vld [tilespmem:s17+$0xFFFFFF10];
	p1 =	slt.u32 s14, $0x7C;
	[tilespmem:s13+$0xA0] =	vst v6;
	v1 =	vmul.f32 $1.131370830e+01, v1  }
0x4d: {  	v6 =	vld [tilespmem:s17+$0xFFFFFF20];
	[tilespmem:s13+$0xB0] =	vst v0;
	v0 =	vmul.f32 $1.131370830e+01, v3  }
0x4e: {  	v3 =	vld [tilespmem:s17+$0xFFFFFF30];
	[tilespmem:s13+$0xC0] =	vst v1;
	v1 =	vmul.f32 $1.131370830e+01, v2  }
0x4f: {  	v2 =	vld [tilespmem:s17+$0xFFFFFF40];
	v4 =	vmul.f32 $1.131370830e+01, v4;
	[tilespmem:s13+$0xD0] =	vst v0  }
0x50: {  	v0 =	vld [tilespmem:s17+$0xFFFFFF50];
	v7 =	vmul.f32 $1.131370830e+01, v7;
	[tilespmem:s13+$0xE0] =	vst v1  }
0x51: {  	v1 =	vmul.f32 $1.131370830e+01, v5;
	v5 =	vld [tilespmem:s17+$0xFFFFFF60];
	[tilespmem:s13+$0xFFFFFF00] =	vst v4;
	s13 =	smov.u32 s17  }
0x52: {  	v4 =	vmul.f32 $1.131370830e+01, v6;
	v6 =	vld [tilespmem:s17+$0xFFFFFF70];
	[tilespmem:s17+$0xF0] =	vst v7  }
0x53: {  	[tilespmem:s17+$0xFFFFFF10] =	vst v1;
	v1 =	vmul.f32 $1.131370830e+01, v3;
	v3 =	vld [tilespmem:s17+$0xFFFFFF80]  }
0x54: {  	[tilespmem:s17+$0xFFFFFF20] =	vst v4;
	v2 =	vmul.f32 $1.131370830e+01, v2;
	v4 =	vld [tilespmem:s17+$0xFFFFFF90]  }
0x55: {  	[tilespmem:s17+$0xFFFFFF30] =	vst v1;
	v0 =	vmul.f32 $1.131370830e+01, v0;
	v1 =	vld [tilespmem:s17+$0xFFFFFFA0]  }
0x56: {  	[tilespmem:s17+$0xFFFFFF40] =	vst v2;
	v2 =	vmul.f32 $1.131370830e+01, v5;
	v5 =	vld [tilespmem:s17+$0xFFFFFFB0]  }
0x57: {  	[tilespmem:s17+$0xFFFFFF50] =	vst v0;
	v0 =	vmul.f32 $1.131370830e+01, v6;
	v6 =	vld [tilespmem:s17+$0xFFFFFFC0]  }
0x58: {  	[tilespmem:s17+$0xFFFFFF60] =	vst v2;
	v2 =	vmul.f32 $1.131370830e+01, v3;
	v3 =	vld [tilespmem:s17+$0xFFFFFFD0]  }
0x59: {  	[tilespmem:s17+$0xFFFFFF70] =	vst v0;
	v0 =	vmul.f32 $1.131370830e+01, v4;
	v4 =	vld [tilespmem:s17+$0xFFFFFFE0]  }
0x5a: {  	[tilespmem:s17+$0xFFFFFF80] =	vst v2;
	v1 =	vmul.f32 $1.131370830e+01, v1;
	v2 =	vld [tilespmem:s17+$0xFFFFFFF0]  }
0x5b: {  	[tilespmem:s17+$0xFFFFFF90] =	vst v0;
	v0 =	vmul.f32 $1.131370830e+01, v5;
	v5 =	vld [tilespmem:s17+$0x0]  }
0x5c: {  	[tilespmem:s17+$0xFFFFFFA0] =	vst v1;
	v1 =	vmul.f32 $1.131370830e+01, v6;
	v6 =	vld [tilespmem:s17+$0x10]  }
0x5d: {  	[tilespmem:s17+$0xFFFFFFB0] =	vst v0;
	v0 =	vmul.f32 $1.131370830e+01, v3;
	v3 =	vld [tilespmem:s17+$0x20]  }
0x5e: {  	[tilespmem:s17+$0xFFFFFFC0] =	vst v1;
	v1 =	vmul.f32 $1.131370830e+01, v4;
	v4 =	vld [tilespmem:s17+$0x30]  }
0x5f: {  	[tilespmem:s17+$0xFFFFFFD0] =	vst v0;
	v0 =	vmul.f32 $1.131370830e+01, v2;
	v2 =	vld [tilespmem:s17+$0x40]  }
0x60: {  	[tilespmem:s17+$0xFFFFFFE0] =	vst v1;
	v1 =	vmul.f32 $1.131370830e+01, v5;
	v5 =	vld [tilespmem:s17+$0x50]  }
0x61: {  	[tilespmem:s17+$0xFFFFFFF0] =	vst v0;
	v0 =	vmul.f32 $1.131370830e+01, v6;
	v6 =	vld [tilespmem:s17+$0x60]  }
0x62: {  	[tilespmem:s17+$0x0] =	vst v1;
	v1 =	vmul.f32 $1.131370830e+01, v3;
	v3 =	vld [tilespmem:s17+$0x70]  }
0x63: {  	[tilespmem:s17+$0x10] =	vst v0;
	v0 =	vmul.f32 $1.131370830e+01, v4;
	v4 =	vld [tilespmem:s17+$0x80]  }
0x64: {  	[tilespmem:s17+$0x20] =	vst v1;
	v1 =	vmul.f32 $1.131370830e+01, v2;
	v2 =	vld [tilespmem:s17+$0x90]  }
0x65: {  	[tilespmem:s17+$0x30] =	vst v0;
	v5 =	vmul.f32 $1.131370830e+01, v5;
	v7 =	vld [tilespmem:s17+$0xA0]  }
.Ltmp0:
0x66: {  	[tilespmem:s17+$0x40] =	vst v1;
	v6 =	vmul.f32 $1.131370830e+01, v6;
	v0 =	vld [tilespmem:s17+$0xB0];
	(pc) =	sbr.rel @p1 .LBB2_3-.Ltmp0, $4  }
0x67: {  	[tilespmem:s17+$0x50] =	vst v5;
	v5 =	vmul.f32 $1.131370830e+01, v3;
	v1 =	vld [tilespmem:s17+$0xC0]  }
0x68: {  	[tilespmem:s17+$0x60] =	vst v6;
	v6 =	vmul.f32 $1.131370830e+01, v4;
	v3 =	vld [tilespmem:s17+$0xD0]  }
0x69: {  	[tilespmem:s17+$0x70] =	vst v5;
	v5 =	vmul.f32 $1.131370830e+01, v2;
	v2 =	vld [tilespmem:s17+$0xE0]  }
0x6a: {  	s17 =	sadd.s32 $0x200, s17;
	v4 =	vld [tilespmem:s13+$0xFFFFFF00];
	[tilespmem:s13+$0x80] =	vst v6;
	v6 =	vmul.f32 $1.131370830e+01, v7  }
0x6b: {  	[tilespmem:s13+$0x90] =	vst v5;
	v0 =	vmul.f32 $1.131370830e+01, v0  }
0x6c: {  	[tilespmem:s13+$0xA0] =	vst v6;
	v1 =	vmul.f32 $1.131370830e+01, v1  }
0x6d: {  	s20 =	smul.u32 $0x380, s22;
	[tilespmem:s13+$0xB0] =	vst v0;
	v0 =	vmul.f32 $1.131370830e+01, v3  }
0x6e: {  	[tilespmem:s13+$0xC0] =	vst v1;
	v1 =	vmul.f32 $1.131370830e+01, v2  }
0x6f: {  	s14 =	sadd.s32 s6, s20;
	v2 =	vmul.f32 $1.131370830e+01, v4;
	[tilespmem:s13+$0xD0] =	vst v0  }
0x70: {  	s14 =	sshll.u32 s14, $0x4;
	[tilespmem:s13+$0xE0] =	vst v1  }
0x71: {  	s17 =	sadd.s32 s3, s14;
	[tilespmem:s13+$0xFFFFFF00] =	vst v2;
	s13 =	simm.s32 @!p0 $0xE  }
0x72: {  	[hbm4b:s17+s4] =	stream.linear.scatter [tilespmem:s16], [sflag:$0x8], $0x4000, $0x38;
	[tilespmem:$0x1DC00] =	vst v63  }
0x73: {  	s12 =	sadd.s32 $0x6, s12;
	_ =	swait.ge @!p0 [sflag:s13], $0x4000  }
0x74: {  	s19 =	sshll.u32 s12, $0x7;
	[sflag:s13] =	ssyncset.done @!p0 $0x0  }
0x75: {  	s21 =	sand.u32 $0x3FFFFF80, s19;
	[sflag:s13] =	ssyncadd.s32 @!p0 $0xFFFFC000  }
0x76: {  	[tilespmem:s26], [sflag:$0x7] =	stream.indirect.gather [hbm4b:s2+s15], $0x80, s21, s15, $0xb8;
	[tilespmem:$0x1DC00] =	vst v63  }
0x77: {  	_ =	swait.ge [sflag:s28], $0x4000  }
0x78: {  	[sflag:s28] =	ssyncset.done $0x0  }
0x79: {  	s13 =	simm.s32 $0x5D00;
	[sflag:s28] =	ssyncadd.s32 $0xFFFFC000  }
0x7a: {  	v0 =	vld [tilespmem:s13+$0xF0]  }
0x7b: {  	v1 =	vld [tilespmem:s13+$0xFFFFFF10]  }
0x7c: {  	v2 =	vld [tilespmem:s13+$0xFFFFFF20]  }
0x7d: {  	v3 =	vld [tilespmem:s13+$0xFFFFFF30]  }
0x7e: {  	v6 =	vld [tilespmem:s13+$0xFFFFFF60]  }
0x7f: {  	v4 =	vld [tilespmem:s13+$0xFFFFFF40]  }
0x80: {  	v5 =	vld [tilespmem:s13+$0xFFFFFF50];
	v0 =	vmul.f32 $1.131370830e+01, v0  }
0x81: {  	v8 =	vld [tilespmem:s13+$0xFFFFFF80];
	v1 =	vmul.f32 $1.131370830e+01, v1  }
0x82: {  	v7 =	vld [tilespmem:s13+$0xFFFFFF70];
	v2 =	vmul.f32 $1.131370830e+01, v2;
	[tilespmem:s13+$0xF0] =	vst v0  }
0x83: {  	v6 =	vmul.f32 $1.131370830e+01, v6;
	v0 =	vld [tilespmem:s13+$0xFFFFFF90];
	[tilespmem:s13+$0xFFFFFF10] =	vst v1  }
0x84: {  	v1 =	vmul.f32 $1.131370830e+01, v3;
	v3 =	vld [tilespmem:s13+$0xFFFFFFA0];
	[tilespmem:s13+$0xFFFFFF20] =	vst v2;
	v2 =	vmul.f32 $1.131370830e+01, v4  }
0x85: {  	[tilespmem:s13+$0xFFFFFF60] =	vst v6;
	v6 =	vld [tilespmem:s13+$0xFFFFFFF0]  }
0x86: {  	v4 =	vld [tilespmem:s13+$0xFFFFFFB0];
	[tilespmem:s13+$0xFFFFFF40] =	vst v2;
	v2 =	vmul.f32 $1.131370830e+01, v8  }
0x87: {  	[tilespmem:s13+$0xFFFFFF30] =	vst v1;
	v1 =	vmul.f32 $1.131370830e+01, v5;
	v5 =	vld [tilespmem:s13+$0xFFFFFFC0]  }
0x88: {  	v8 =	vld [tilespmem:s13+$0xFFFFFFD0];
	[tilespmem:s13+$0xFFFFFF80] =	vst v2;
	v2 =	vmul.f32 $1.131370830e+01, v7  }
0x89: {  	[tilespmem:s13+$0xFFFFFF50] =	vst v1;
	v1 =	vld [tilespmem:s13+$0xFFFFFFE0];
	v0 =	vmul.f32 $1.131370830e+01, v0  }
0x8a: {  	v7 =	vld [tilespmem:s13+$0x30];
	v6 =	vmul.f32 $1.131370830e+01, v6;
	[tilespmem:s13+$0xFFFFFF70] =	vst v2  }
0x8b: {  	v2 =	vmul.f32 $1.131370830e+01, v3;
	v3 =	vld [tilespmem:s13+$0x0];
	[tilespmem:s13+$0xFFFFFF90] =	vst v0  }
0x8c: {  	v0 =	vmul.f32 $1.131370830e+01, v4;
	v4 =	vld [tilespmem:s13+$0x10];
	[tilespmem:s13+$0xFFFFFFF0] =	vst v6  }
0x8d: {  	[tilespmem:s13+$0xFFFFFFA0] =	vst v2;
	v2 =	vmul.f32 $1.131370830e+01, v5;
	v5 =	vld [tilespmem:s13+$0x20]  }
0x8e: {  	v6 =	vld [tilespmem:s13+$0x80];
	[tilespmem:s13+$0xFFFFFFB0] =	vst v0;
	v0 =	vmul.f32 $1.131370830e+01, v8  }
0x8f: {  	v1 =	vmul.f32 $1.131370830e+01, v1;
	[tilespmem:s13+$0xFFFFFFC0] =	vst v2;
	v2 =	vld [tilespmem:s13+$0x40]  }
0x90: {  	[tilespmem:s13+$0xFFFFFFD0] =	vst v0;
	v0 =	vmul.f32 $1.131370830e+01, v3;
	v3 =	vld [tilespmem:s13+$0x50]  }
0x91: {  	[tilespmem:s13+$0xFFFFFFE0] =	vst v1;
	v1 =	vld [tilespmem:s13+$0x60];
	v4 =	vmul.f32 $1.131370830e+01, v4  }
0x92: {  	[tilespmem:s13+$0x0] =	vst v0;
	v0 =	vmul.f32 $1.131370830e+01, v5;
	v5 =	vld [tilespmem:s13+$0x70]  }
0x93: {  	v6 =	vmul.f32 $1.131370830e+01, v6;
	[tilespmem:s13+$0x10] =	vst v4  }
0x94: {  	v4 =	vmul.f32 $1.131370830e+01, v7;
	v7 =	vld [tilespmem:s13+$0x90];
	[tilespmem:s13+$0x20] =	vst v0;
	v0 =	vmul.f32 $1.131370830e+01, v2  }
0x95: {  	v8 =	vld [tilespmem:s13+$0xA0];
	[tilespmem:s13+$0x80] =	vst v6;
	v2 =	vmul.f32 $1.131370830e+01, v3  }
0x96: {  	v3 =	vmul.f32 $1.131370830e+01, v1;
	[tilespmem:s13+$0x40] =	vst v0;
	v0 =	vld [tilespmem:s13+$0xB0]  }
0x97: {  	v1 =	vld [tilespmem:s13+$0xC0];
	[tilespmem:s13+$0x50] =	vst v2;
	v2 =	vmul.f32 $1.131370830e+01, v5  }
0x98: {  	[tilespmem:s13+$0x60] =	vst v3;
	v3 =	vld [tilespmem:s13+$0xD0]  }
0x99: {  	v5 =	vmul.f32 $1.131370830e+01, v7;
	[tilespmem:s13+$0x70] =	vst v2;
	v2 =	vld [tilespmem:s13+$0xE0]  }
0x9a: {  	s14 =	simm.s32 $0x0;
	s17 =	simm.s32 $0x5F00;
	v6 =	vmul.f32 $1.131370830e+01, v8;
	[tilespmem:s13+$0x30] =	vst v4;
	v4 =	vld [tilespmem:s13+$0xFFFFFF00]  }
.LBB2_5:
0x9b: {  	v7 =	vld [tilespmem:s17+$0xF0];
	s14 =	sadd.s32 $0x4, s14;
	[tilespmem:s13+$0x90] =	vst v5;
	v0 =	vmul.f32 $1.131370830e+01, v0  }
0x9c: {  	v5 =	vld [tilespmem:s17+$0xFFFFFF10];
	p0 =	slt.u32 s14, $0x7C;
	[tilespmem:s13+$0xA0] =	vst v6;
	v1 =	vmul.f32 $1.131370830e+01, v1  }
0x9d: {  	v6 =	vld [tilespmem:s17+$0xFFFFFF20];
	[tilespmem:s13+$0xB0] =	vst v0;
	v0 =	vmul.f32 $1.131370830e+01, v3  }
0x9e: {  	v3 =	vld [tilespmem:s17+$0xFFFFFF30];
	[tilespmem:s13+$0xC0] =	vst v1;
	v1 =	vmul.f32 $1.131370830e+01, v2  }
0x9f: {  	v2 =	vld [tilespmem:s17+$0xFFFFFF40];
	v4 =	vmul.f32 $1.131370830e+01, v4;
	[tilespmem:s13+$0xD0] =	vst v0  }
0xa0: {  	v0 =	vld [tilespmem:s17+$0xFFFFFF50];
	v7 =	vmul.f32 $1.131370830e+01, v7;
	[tilespmem:s13+$0xE0] =	vst v1  }
0xa1: {  	v1 =	vmul.f32 $1.131370830e+01, v5;
	v5 =	vld [tilespmem:s17+$0xFFFFFF60];
	[tilespmem:s13+$0xFFFFFF00] =	vst v4;
	s13 =	smov.u32 s17  }
0xa2: {  	v4 =	vmul.f32 $1.131370830e+01, v6;
	v6 =	vld [tilespmem:s17+$0xFFFFFF70];
	[tilespmem:s17+$0xF0] =	vst v7  }
0xa3: {  	[tilespmem:s17+$0xFFFFFF10] =	vst v1;
	v1 =	vmul.f32 $1.131370830e+01, v3;
	v3 =	vld [tilespmem:s17+$0xFFFFFF80]  }
0xa4: {  	[tilespmem:s17+$0xFFFFFF20] =	vst v4;
	v2 =	vmul.f32 $1.131370830e+01, v2;
	v4 =	vld [tilespmem:s17+$0xFFFFFF90]  }
0xa5: {  	[tilespmem:s17+$0xFFFFFF30] =	vst v1;
	v0 =	vmul.f32 $1.131370830e+01, v0;
	v1 =	vld [tilespmem:s17+$0xFFFFFFA0]  }
0xa6: {  	[tilespmem:s17+$0xFFFFFF40] =	vst v2;
	v2 =	vmul.f32 $1.131370830e+01, v5;
	v5 =	vld [tilespmem:s17+$0xFFFFFFB0]  }
0xa7: {  	[tilespmem:s17+$0xFFFFFF50] =	vst v0;
	v0 =	vmul.f32 $1.131370830e+01, v6;
	v6 =	vld [tilespmem:s17+$0xFFFFFFC0]  }
0xa8: {  	[tilespmem:s17+$0xFFFFFF60] =	vst v2;
	v2 =	vmul.f32 $1.131370830e+01, v3;
	v3 =	vld [tilespmem:s17+$0xFFFFFFD0]  }
0xa9: {  	[tilespmem:s17+$0xFFFFFF70] =	vst v0;
	v0 =	vmul.f32 $1.131370830e+01, v4;
	v4 =	vld [tilespmem:s17+$0xFFFFFFE0]  }
0xaa: {  	[tilespmem:s17+$0xFFFFFF80] =	vst v2;
	v1 =	vmul.f32 $1.131370830e+01, v1;
	v2 =	vld [tilespmem:s17+$0xFFFFFFF0]  }
0xab: {  	[tilespmem:s17+$0xFFFFFF90] =	vst v0;
	v0 =	vmul.f32 $1.131370830e+01, v5;
	v5 =	vld [tilespmem:s17+$0x0]  }
0xac: {  	[tilespmem:s17+$0xFFFFFFA0] =	vst v1;
	v1 =	vmul.f32 $1.131370830e+01, v6;
	v6 =	vld [tilespmem:s17+$0x10]  }
0xad: {  	[tilespmem:s17+$0xFFFFFFB0] =	vst v0;
	v0 =	vmul.f32 $1.131370830e+01, v3;
	v3 =	vld [tilespmem:s17+$0x20]  }
0xae: {  	[tilespmem:s17+$0xFFFFFFC0] =	vst v1;
	v1 =	vmul.f32 $1.131370830e+01, v4;
	v4 =	vld [tilespmem:s17+$0x30]  }
0xaf: {  	[tilespmem:s17+$0xFFFFFFD0] =	vst v0;
	v0 =	vmul.f32 $1.131370830e+01, v2;
	v2 =	vld [tilespmem:s17+$0x40]  }
0xb0: {  	[tilespmem:s17+$0xFFFFFFE0] =	vst v1;
	v1 =	vmul.f32 $1.131370830e+01, v5;
	v5 =	vld [tilespmem:s17+$0x50]  }
0xb1: {  	[tilespmem:s17+$0xFFFFFFF0] =	vst v0;
	v0 =	vmul.f32 $1.131370830e+01, v6;
	v6 =	vld [tilespmem:s17+$0x60]  }
0xb2: {  	[tilespmem:s17+$0x0] =	vst v1;
	v1 =	vmul.f32 $1.131370830e+01, v3;
	v3 =	vld [tilespmem:s17+$0x70]  }
0xb3: {  	[tilespmem:s17+$0x10] =	vst v0;
	v0 =	vmul.f32 $1.131370830e+01, v4;
	v4 =	vld [tilespmem:s17+$0x80]  }
0xb4: {  	[tilespmem:s17+$0x20] =	vst v1;
	v1 =	vmul.f32 $1.131370830e+01, v2;
	v2 =	vld [tilespmem:s17+$0x90]  }
0xb5: {  	[tilespmem:s17+$0x30] =	vst v0;
	v5 =	vmul.f32 $1.131370830e+01, v5;
	v7 =	vld [tilespmem:s17+$0xA0]  }
.Ltmp1:
0xb6: {  	[tilespmem:s17+$0x40] =	vst v1;
	v6 =	vmul.f32 $1.131370830e+01, v6;
	v0 =	vld [tilespmem:s17+$0xB0];
	(pc) =	sbr.rel @p0 .LBB2_5-.Ltmp1, $4  }
0xb7: {  	[tilespmem:s17+$0x50] =	vst v5;
	v5 =	vmul.f32 $1.131370830e+01, v3;
	v1 =	vld [tilespmem:s17+$0xC0]  }
0xb8: {  	[tilespmem:s17+$0x60] =	vst v6;
	v6 =	vmul.f32 $1.131370830e+01, v4;
	v3 =	vld [tilespmem:s17+$0xD0]  }
0xb9: {  	[tilespmem:s17+$0x70] =	vst v5;
	v5 =	vmul.f32 $1.131370830e+01, v2;
	v2 =	vld [tilespmem:s17+$0xE0]  }
0xba: {  	s17 =	sadd.s32 $0x200, s17;
	v4 =	vld [tilespmem:s13+$0xFFFFFF00];
	[tilespmem:s13+$0x80] =	vst v6;
	v6 =	vmul.f32 $1.131370830e+01, v7  }
0xbb: {  	[tilespmem:s13+$0x90] =	vst v5;
	v0 =	vmul.f32 $1.131370830e+01, v0  }
0xbc: {  	[tilespmem:s13+$0xA0] =	vst v6;
	v1 =	vmul.f32 $1.131370830e+01, v1  }
0xbd: {  	s14 =	smul.u32 $0x1C000, s22;
	[tilespmem:s13+$0xB0] =	vst v0;
	v0 =	vmul.f32 $1.131370830e+01, v3  }
0xbe: {  	[tilespmem:s13+$0xC0] =	vst v1;
	v1 =	vmul.f32 $1.131370830e+01, v2  }
0xbf: {  	s17 =	sadd.s32 s8, s14;
	v2 =	vmul.f32 $1.131370830e+01, v4;
	[tilespmem:s13+$0xD0] =	vst v0  }
0xc0: {  	s17 =	sshrl.u32 s17, $0x3;
	[tilespmem:s13+$0xE0] =	vst v1  }
0xc1: {  	s21 =	simm.s32 $0x5C00;
	s19 =	sadd.s32 s3, s17;
	[tilespmem:s13+$0xFFFFFF00] =	vst v2  }
0xc2: {  	[hbm4b:s19+s4] =	stream.linear.scatter [tilespmem:s21], [sflag:$0x9], $0x4000, $0x38;
	[tilespmem:$0x1DC00] =	vst v63  }
0xc3: {  	s19 =	smul.u32 $0xE00, s22  }
0xc4: {  	_ =	swait.ge [sflag:s29], $0x4000  }
0xc5: {  	[sflag:s29] =	ssyncset.done $0x0;
	s13 =	sshra.s32 s19, $0x2  }
0xc6: {  	[sflag:s29] =	ssyncadd.s32 $0xFFFFC000;
	s21 =	sadd.s32 $0x380, s13  }
0xc7: {  	[tilespmem:s16], [sflag:$0x1] =	stream.indirect.gather [hbm4b:s2+s15], $0x80, s21, s15, $0xb8;
	[tilespmem:$0x1DC00] =	vst v63  }
0xc8: {  	_ =	swait.ge [sflag:s30], $0x4000  }
0xc9: {  	[sflag:s30] =	ssyncset.done $0x0  }
0xca: {  	s17 =	simm.s32 $0x9D00;
	[sflag:s30] =	ssyncadd.s32 $0xFFFFC000  }
0xcb: {  	v0 =	vld [tilespmem:s17+$0xF0]  }
0xcc: {  	v1 =	vld [tilespmem:s17+$0xFFFFFF10]  }
0xcd: {  	v2 =	vld [tilespmem:s17+$0xFFFFFF20]  }
0xce: {  	v3 =	vld [tilespmem:s17+$0xFFFFFF30]  }
0xcf: {  	v6 =	vld [tilespmem:s17+$0xFFFFFF60]  }
0xd0: {  	v4 =	vld [tilespmem:s17+$0xFFFFFF40]  }
0xd1: {  	v5 =	vld [tilespmem:s17+$0xFFFFFF50];
	v0 =	vmul.f32 $1.131370830e+01, v0  }
0xd2: {  	v8 =	vld [tilespmem:s17+$0xFFFFFF80];
	v1 =	vmul.f32 $1.131370830e+01, v1  }
0xd3: {  	v7 =	vld [tilespmem:s17+$0xFFFFFF70];
	v2 =	vmul.f32 $1.131370830e+01, v2;
	[tilespmem:s17+$0xF0] =	vst v0  }
0xd4: {  	v6 =	vmul.f32 $1.131370830e+01, v6;
	v0 =	vld [tilespmem:s17+$0xFFFFFF90];
	[tilespmem:s17+$0xFFFFFF10] =	vst v1  }
0xd5: {  	v1 =	vmul.f32 $1.131370830e+01, v3;
	v3 =	vld [tilespmem:s17+$0xFFFFFFA0];
	[tilespmem:s17+$0xFFFFFF20] =	vst v2;
	v2 =	vmul.f32 $1.131370830e+01, v4  }
0xd6: {  	[tilespmem:s17+$0xFFFFFF60] =	vst v6;
	v6 =	vld [tilespmem:s17+$0xFFFFFFF0]  }
0xd7: {  	v4 =	vld [tilespmem:s17+$0xFFFFFFB0];
	[tilespmem:s17+$0xFFFFFF40] =	vst v2;
	v2 =	vmul.f32 $1.131370830e+01, v8  }
0xd8: {  	[tilespmem:s17+$0xFFFFFF30] =	vst v1;
	v1 =	vmul.f32 $1.131370830e+01, v5;
	v5 =	vld [tilespmem:s17+$0xFFFFFFC0]  }
0xd9: {  	v8 =	vld [tilespmem:s17+$0xFFFFFFD0];
	[tilespmem:s17+$0xFFFFFF80] =	vst v2;
	v2 =	vmul.f32 $1.131370830e+01, v7  }
0xda: {  	[tilespmem:s17+$0xFFFFFF50] =	vst v1;
	v1 =	vld [tilespmem:s17+$0xFFFFFFE0];
	v0 =	vmul.f32 $1.131370830e+01, v0  }
0xdb: {  	v7 =	vld [tilespmem:s17+$0x30];
	v6 =	vmul.f32 $1.131370830e+01, v6;
	[tilespmem:s17+$0xFFFFFF70] =	vst v2  }
0xdc: {  	v2 =	vmul.f32 $1.131370830e+01, v3;
	v3 =	vld [tilespmem:s17+$0x0];
	[tilespmem:s17+$0xFFFFFF90] =	vst v0  }
0xdd: {  	v0 =	vmul.f32 $1.131370830e+01, v4;
	v4 =	vld [tilespmem:s17+$0x10];
	[tilespmem:s17+$0xFFFFFFF0] =	vst v6  }
0xde: {  	[tilespmem:s17+$0xFFFFFFA0] =	vst v2;
	v2 =	vmul.f32 $1.131370830e+01, v5;
	v5 =	vld [tilespmem:s17+$0x20]  }
0xdf: {  	v6 =	vld [tilespmem:s17+$0x80];
	[tilespmem:s17+$0xFFFFFFB0] =	vst v0;
	v0 =	vmul.f32 $1.131370830e+01, v8  }
0xe0: {  	v1 =	vmul.f32 $1.131370830e+01, v1;
	[tilespmem:s17+$0xFFFFFFC0] =	vst v2;
	v2 =	vld [tilespmem:s17+$0x40]  }
0xe1: {  	[tilespmem:s17+$0xFFFFFFD0] =	vst v0;
	v0 =	vmul.f32 $1.131370830e+01, v3  }
0xe2: {  	v3 =	vld [tilespmem:s17+$0x50];
	[tilespmem:s17+$0xFFFFFFE0] =	vst v1;
	v4 =	vmul.f32 $1.131370830e+01, v4  }
0xe3: {  	v1 =	vld [tilespmem:s17+$0x60];
	[tilespmem:s17+$0x0] =	vst v0;
	v0 =	vmul.f32 $1.131370830e+01, v5  }
0xe4: {  	v6 =	vmul.f32 $1.131370830e+01, v6;
	v5 =	vld [tilespmem:s17+$0x70];
	[tilespmem:s17+$0x10] =	vst v4  }
0xe5: {  	v4 =	vmul.f32 $1.131370830e+01, v7;
	v7 =	vld [tilespmem:s17+$0x90];
	[tilespmem:s17+$0x20] =	vst v0;
	v0 =	vmul.f32 $1.131370830e+01, v2  }
0xe6: {  	v8 =	vld [tilespmem:s17+$0xA0];
	[tilespmem:s17+$0x80] =	vst v6  }
0xe7: {  	v2 =	vmul.f32 $1.131370830e+01, v3;
	[tilespmem:s17+$0x40] =	vst v0;
	v0 =	vld [tilespmem:s17+$0xB0]  }
0xe8: {  	[tilespmem:s17+$0x30] =	vst v4;
	v3 =	vmul.f32 $1.131370830e+01, v1;
	v1 =	vld [tilespmem:s17+$0xC0]  }
0xe9: {  	[tilespmem:s17+$0x50] =	vst v2;
	v4 =	vmul.f32 $1.131370830e+01, v5;
	v2 =	vld [tilespmem:s17+$0xD0]  }
0xea: {  	[tilespmem:s17+$0x60] =	vst v3;
	v3 =	vld [tilespmem:s17+$0xE0];
	v5 =	vmul.f32 $1.131370830e+01, v7  }
0xeb: {  	s19 =	simm.s32 $0x0;
	s21 =	simm.s32 $0x9F00;
	v6 =	vmul.f32 $1.131370830e+01, v8;
	[tilespmem:s17+$0x70] =	vst v4;
	v4 =	vld [tilespmem:s17+$0xFFFFFF00]  }
.LBB2_7:
0xec: {  	v7 =	vld [tilespmem:s21+$0xF0];
	s19 =	sadd.s32 $0x4, s19;
	[tilespmem:s17+$0x90] =	vst v5;
	v0 =	vmul.f32 $1.131370830e+01, v0  }
0xed: {  	v5 =	vld [tilespmem:s21+$0xFFFFFF10];
	p0 =	slt.u32 s19, $0x7C;
	[tilespmem:s17+$0xA0] =	vst v6;
	v1 =	vmul.f32 $1.131370830e+01, v1  }
0xee: {  	v6 =	vld [tilespmem:s21+$0xFFFFFF20];
	[tilespmem:s17+$0xB0] =	vst v0;
	v0 =	vmul.f32 $1.131370830e+01, v2  }
0xef: {  	v2 =	vld [tilespmem:s21+$0xFFFFFF30];
	[tilespmem:s17+$0xC0] =	vst v1;
	v1 =	vmul.f32 $1.131370830e+01, v3  }
0xf0: {  	v3 =	vld [tilespmem:s21+$0xFFFFFF40];
	v4 =	vmul.f32 $1.131370830e+01, v4;
	[tilespmem:s17+$0xD0] =	vst v0  }
0xf1: {  	v0 =	vld [tilespmem:s21+$0xFFFFFF50];
	v7 =	vmul.f32 $1.131370830e+01, v7;
	[tilespmem:s17+$0xE0] =	vst v1  }
0xf2: {  	v1 =	vmul.f32 $1.131370830e+01, v5;
	v5 =	vld [tilespmem:s21+$0xFFFFFF60];
	[tilespmem:s17+$0xFFFFFF00] =	vst v4;
	s17 =	smov.u32 s21  }
0xf3: {  	v4 =	vmul.f32 $1.131370830e+01, v6;
	v6 =	vld [tilespmem:s21+$0xFFFFFF70];
	[tilespmem:s21+$0xF0] =	vst v7  }
0xf4: {  	[tilespmem:s21+$0xFFFFFF10] =	vst v1;
	v1 =	vmul.f32 $1.131370830e+01, v2;
	v2 =	vld [tilespmem:s21+$0xFFFFFF80]  }
0xf5: {  	[tilespmem:s21+$0xFFFFFF20] =	vst v4;
	v3 =	vmul.f32 $1.131370830e+01, v3;
	v4 =	vld [tilespmem:s21+$0xFFFFFF90]  }
0xf6: {  	[tilespmem:s21+$0xFFFFFF30] =	vst v1;
	v0 =	vmul.f32 $1.131370830e+01, v0;
	v1 =	vld [tilespmem:s21+$0xFFFFFFA0]  }
0xf7: {  	[tilespmem:s21+$0xFFFFFF40] =	vst v3;
	v3 =	vmul.f32 $1.131370830e+01, v5;
	v5 =	vld [tilespmem:s21+$0xFFFFFFB0]  }
0xf8: {  	[tilespmem:s21+$0xFFFFFF50] =	vst v0;
	v0 =	vmul.f32 $1.131370830e+01, v6;
	v6 =	vld [tilespmem:s21+$0xFFFFFFC0]  }
0xf9: {  	[tilespmem:s21+$0xFFFFFF60] =	vst v3;
	v2 =	vmul.f32 $1.131370830e+01, v2;
	v3 =	vld [tilespmem:s21+$0xFFFFFFD0]  }
0xfa: {  	[tilespmem:s21+$0xFFFFFF70] =	vst v0;
	v0 =	vmul.f32 $1.131370830e+01, v4;
	v4 =	vld [tilespmem:s21+$0xFFFFFFE0]  }
0xfb: {  	[tilespmem:s21+$0xFFFFFF80] =	vst v2;
	v1 =	vmul.f32 $1.131370830e+01, v1;
	v2 =	vld [tilespmem:s21+$0xFFFFFFF0]  }
0xfc: {  	[tilespmem:s21+$0xFFFFFF90] =	vst v0;
	v0 =	vmul.f32 $1.131370830e+01, v5;
	v5 =	vld [tilespmem:s21+$0x0]  }
0xfd: {  	[tilespmem:s21+$0xFFFFFFA0] =	vst v1;
	v1 =	vmul.f32 $1.131370830e+01, v6;
	v6 =	vld [tilespmem:s21+$0x10]  }
0xfe: {  	[tilespmem:s21+$0xFFFFFFB0] =	vst v0;
	v0 =	vmul.f32 $1.131370830e+01, v3;
	v3 =	vld [tilespmem:s21+$0x20]  }
0xff: {  	[tilespmem:s21+$0xFFFFFFC0] =	vst v1;
	v1 =	vmul.f32 $1.131370830e+01, v4;
	v4 =	vld [tilespmem:s21+$0x30]  }
0x100: {  	[tilespmem:s21+$0xFFFFFFD0] =	vst v0;
	v0 =	vmul.f32 $1.131370830e+01, v2;
	v2 =	vld [tilespmem:s21+$0x40]  }
0x101: {  	[tilespmem:s21+$0xFFFFFFE0] =	vst v1;
	v1 =	vmul.f32 $1.131370830e+01, v5;
	v5 =	vld [tilespmem:s21+$0x50]  }
0x102: {  	[tilespmem:s21+$0xFFFFFFF0] =	vst v0;
	v0 =	vmul.f32 $1.131370830e+01, v6;
	v6 =	vld [tilespmem:s21+$0x60]  }
0x103: {  	[tilespmem:s21+$0x0] =	vst v1;
	v1 =	vmul.f32 $1.131370830e+01, v3;
	v3 =	vld [tilespmem:s21+$0x70]  }
0x104: {  	[tilespmem:s21+$0x10] =	vst v0;
	v0 =	vmul.f32 $1.131370830e+01, v4;
	v4 =	vld [tilespmem:s21+$0x80]  }
0x105: {  	[tilespmem:s21+$0x20] =	vst v1;
	v1 =	vmul.f32 $1.131370830e+01, v2;
	v7 =	vld [tilespmem:s21+$0x90]  }
0x106: {  	[tilespmem:s21+$0x30] =	vst v0;
	v2 =	vmul.f32 $1.131370830e+01, v5;
	v8 =	vld [tilespmem:s21+$0xA0]  }
.Ltmp2:
0x107: {  	[tilespmem:s21+$0x40] =	vst v1;
	v5 =	vmul.f32 $1.131370830e+01, v6;
	v0 =	vld [tilespmem:s21+$0xB0];
	(pc) =	sbr.rel @p0 .LBB2_7-.Ltmp2, $4  }
0x108: {  	[tilespmem:s21+$0x50] =	vst v2;
	v3 =	vmul.f32 $1.131370830e+01, v3;
	v1 =	vld [tilespmem:s21+$0xC0]  }
0x109: {  	[tilespmem:s21+$0x60] =	vst v5;
	v6 =	vmul.f32 $1.131370830e+01, v4;
	v2 =	vld [tilespmem:s21+$0xD0]  }
0x10a: {  	[tilespmem:s21+$0x70] =	vst v3;
	v5 =	vmul.f32 $1.131370830e+01, v7;
	v3 =	vld [tilespmem:s21+$0xE0]  }
0x10b: {  	s21 =	sadd.s32 $0x200, s21;
	v4 =	vld [tilespmem:s17+$0xFFFFFF00];
	[tilespmem:s17+$0x80] =	vst v6;
	v6 =	vmul.f32 $1.131370830e+01, v8  }
0x10c: {  	[tilespmem:s17+$0x90] =	vst v5;
	v0 =	vmul.f32 $1.131370830e+01, v0  }
0x10d: {  	[tilespmem:s17+$0xA0] =	vst v6;
	v1 =	vmul.f32 $1.131370830e+01, v1  }
0x10e: {  	[tilespmem:s17+$0xB0] =	vst v0;
	v0 =	vmul.f32 $1.131370830e+01, v2  }
0x10f: {  	[tilespmem:s17+$0xC0] =	vst v1;
	v1 =	vmul.f32 $1.131370830e+01, v3  }
0x110: {  	s19 =	sadd.s32 s20, s9;
	v2 =	vmul.f32 $1.131370830e+01, v4;
	[tilespmem:s17+$0xD0] =	vst v0  }
0x111: {  	p0 =	seq.s32 s22, $0x6;
	s19 =	sshll.u32 s19, $0x4;
	[tilespmem:s17+$0xE0] =	vst v1  }
0x112: {  	s21 =	simm.s32 $0x9C00;
	s20 =	sadd.s32 s3, s19;
	[tilespmem:s17+$0xFFFFFF00] =	vst v2;
	s17 =	simm.s32 @!p0 $0x9  }
0x113: {  	[hbm4b:s20+s4] =	stream.linear.scatter [tilespmem:s21], [sflag:$0xA], $0x4000, $0x38;
	[tilespmem:$0x1DC00] =	vst v63  }
0x114: {  	_ =	swait.ge @!p0 [sflag:s17], $0x4000  }
0x115: {  	s19 =	simm.s32 @!p0 $0x80;
	[sflag:s17] =	ssyncset.done @!p0 $0x0  }
0x116: {  	s20 =	simm.s32 @!p0 $0x5C00;
	[sflag:s17] =	ssyncadd.s32 @!p0 $0xFFFFC000;
	s17 =	sadd.s32 @!p0 $0x400, s13  }
0x117: {  	[tilespmem:s20], [sflag:$0x2] =	stream.indirect.gather @!p0 [hbm4b:s2+s19], $0x80, s17, s19, $0xb8;
	[tilespmem:$0x1DC00] =	vst v63  }
0x118: {  	_ =	swait.ge [sflag:s31], $0x4000  }
0x119: {  	[sflag:s31] =	ssyncset.done $0x0  }
0x11a: {  	s17 =	simm.s32 $0xDD00;
	[sflag:s31] =	ssyncadd.s32 $0xFFFFC000  }
0x11b: {  	v0 =	vld [tilespmem:s17+$0xF0]  }
0x11c: {  	v1 =	vld [tilespmem:s17+$0xFFFFFF10]  }
0x11d: {  	v2 =	vld [tilespmem:s17+$0xFFFFFF20]  }
0x11e: {  	v3 =	vld [tilespmem:s17+$0xFFFFFF30]  }
0x11f: {  	v6 =	vld [tilespmem:s17+$0xFFFFFF60]  }
0x120: {  	v4 =	vld [tilespmem:s17+$0xFFFFFF40]  }
0x121: {  	v5 =	vld [tilespmem:s17+$0xFFFFFF50];
	v0 =	vmul.f32 $1.131370830e+01, v0  }
0x122: {  	v8 =	vld [tilespmem:s17+$0xFFFFFF80];
	v1 =	vmul.f32 $1.131370830e+01, v1  }
0x123: {  	v7 =	vld [tilespmem:s17+$0xFFFFFF70];
	v2 =	vmul.f32 $1.131370830e+01, v2;
	[tilespmem:s17+$0xF0] =	vst v0  }
0x124: {  	v6 =	vmul.f32 $1.131370830e+01, v6;
	v0 =	vld [tilespmem:s17+$0xFFFFFF90];
	[tilespmem:s17+$0xFFFFFF10] =	vst v1  }
0x125: {  	v1 =	vmul.f32 $1.131370830e+01, v3;
	v3 =	vld [tilespmem:s17+$0xFFFFFFA0];
	[tilespmem:s17+$0xFFFFFF20] =	vst v2;
	v2 =	vmul.f32 $1.131370830e+01, v4  }
0x126: {  	[tilespmem:s17+$0xFFFFFF60] =	vst v6;
	v6 =	vld [tilespmem:s17+$0xFFFFFFF0]  }
0x127: {  	v4 =	vld [tilespmem:s17+$0xFFFFFFB0];
	[tilespmem:s17+$0xFFFFFF40] =	vst v2;
	v2 =	vmul.f32 $1.131370830e+01, v8  }
0x128: {  	[tilespmem:s17+$0xFFFFFF30] =	vst v1;
	v1 =	vmul.f32 $1.131370830e+01, v5;
	v5 =	vld [tilespmem:s17+$0xFFFFFFC0]  }
0x129: {  	v8 =	vld [tilespmem:s17+$0xFFFFFFD0];
	[tilespmem:s17+$0xFFFFFF80] =	vst v2;
	v2 =	vmul.f32 $1.131370830e+01, v7  }
0x12a: {  	[tilespmem:s17+$0xFFFFFF50] =	vst v1;
	v1 =	vld [tilespmem:s17+$0xFFFFFFE0];
	v0 =	vmul.f32 $1.131370830e+01, v0  }
0x12b: {  	v7 =	vld [tilespmem:s17+$0x30];
	v6 =	vmul.f32 $1.131370830e+01, v6;
	[tilespmem:s17+$0xFFFFFF70] =	vst v2  }
0x12c: {  	v2 =	vmul.f32 $1.131370830e+01, v3;
	v3 =	vld [tilespmem:s17+$0x0];
	[tilespmem:s17+$0xFFFFFF90] =	vst v0  }
0x12d: {  	v0 =	vmul.f32 $1.131370830e+01, v4;
	v4 =	vld [tilespmem:s17+$0x10];
	[tilespmem:s17+$0xFFFFFFF0] =	vst v6  }
0x12e: {  	[tilespmem:s17+$0xFFFFFFA0] =	vst v2;
	v2 =	vmul.f32 $1.131370830e+01, v5;
	v5 =	vld [tilespmem:s17+$0x20]  }
0x12f: {  	v6 =	vld [tilespmem:s17+$0x80];
	[tilespmem:s17+$0xFFFFFFB0] =	vst v0;
	v0 =	vmul.f32 $1.131370830e+01, v8  }
0x130: {  	v1 =	vmul.f32 $1.131370830e+01, v1;
	[tilespmem:s17+$0xFFFFFFC0] =	vst v2;
	v2 =	vld [tilespmem:s17+$0x40]  }
0x131: {  	[tilespmem:s17+$0xFFFFFFD0] =	vst v0;
	v0 =	vmul.f32 $1.131370830e+01, v3  }
0x132: {  	v3 =	vld [tilespmem:s17+$0x50];
	[tilespmem:s17+$0xFFFFFFE0] =	vst v1;
	v4 =	vmul.f32 $1.131370830e+01, v4  }
0x133: {  	v1 =	vld [tilespmem:s17+$0x60];
	[tilespmem:s17+$0x0] =	vst v0;
	v0 =	vmul.f32 $1.131370830e+01, v5  }
0x134: {  	v6 =	vmul.f32 $1.131370830e+01, v6;
	v5 =	vld [tilespmem:s17+$0x70];
	[tilespmem:s17+$0x10] =	vst v4  }
0x135: {  	v4 =	vmul.f32 $1.131370830e+01, v7;
	v7 =	vld [tilespmem:s17+$0x90];
	[tilespmem:s17+$0x20] =	vst v0;
	v0 =	vmul.f32 $1.131370830e+01, v2  }
0x136: {  	v8 =	vld [tilespmem:s17+$0xA0];
	[tilespmem:s17+$0x80] =	vst v6  }
0x137: {  	v2 =	vmul.f32 $1.131370830e+01, v3;
	[tilespmem:s17+$0x40] =	vst v0;
	v0 =	vld [tilespmem:s17+$0xB0]  }
0x138: {  	[tilespmem:s17+$0x30] =	vst v4;
	v3 =	vmul.f32 $1.131370830e+01, v1;
	v1 =	vld [tilespmem:s17+$0xC0]  }
0x139: {  	[tilespmem:s17+$0x50] =	vst v2;
	v4 =	vmul.f32 $1.131370830e+01, v5;
	v2 =	vld [tilespmem:s17+$0xD0]  }
0x13a: {  	[tilespmem:s17+$0x60] =	vst v3;
	v3 =	vld [tilespmem:s17+$0xE0];
	v5 =	vmul.f32 $1.131370830e+01, v7  }
0x13b: {  	s19 =	simm.s32 $0x0;
	s20 =	simm.s32 $0xDF00;
	v6 =	vmul.f32 $1.131370830e+01, v8;
	[tilespmem:s17+$0x70] =	vst v4;
	v4 =	vld [tilespmem:s17+$0xFFFFFF00]  }
.LBB2_9:
0x13c: {  	v7 =	vld [tilespmem:s20+$0xF0];
	s19 =	sadd.s32 $0x4, s19;
	[tilespmem:s17+$0x90] =	vst v5;
	v0 =	vmul.f32 $1.131370830e+01, v0  }
0x13d: {  	v5 =	vld [tilespmem:s20+$0xFFFFFF10];
	p1 =	slt.u32 s19, $0x7C;
	[tilespmem:s17+$0xA0] =	vst v6;
	v1 =	vmul.f32 $1.131370830e+01, v1  }
0x13e: {  	v6 =	vld [tilespmem:s20+$0xFFFFFF20];
	[tilespmem:s17+$0xB0] =	vst v0;
	v0 =	vmul.f32 $1.131370830e+01, v2  }
0x13f: {  	v2 =	vld [tilespmem:s20+$0xFFFFFF30];
	[tilespmem:s17+$0xC0] =	vst v1;
	v1 =	vmul.f32 $1.131370830e+01, v3  }
0x140: {  	v3 =	vld [tilespmem:s20+$0xFFFFFF40];
	v4 =	vmul.f32 $1.131370830e+01, v4;
	[tilespmem:s17+$0xD0] =	vst v0  }
0x141: {  	v0 =	vld [tilespmem:s20+$0xFFFFFF50];
	v7 =	vmul.f32 $1.131370830e+01, v7;
	[tilespmem:s17+$0xE0] =	vst v1  }
0x142: {  	v1 =	vmul.f32 $1.131370830e+01, v5;
	v5 =	vld [tilespmem:s20+$0xFFFFFF60];
	[tilespmem:s17+$0xFFFFFF00] =	vst v4;
	s17 =	smov.u32 s20  }
0x143: {  	v4 =	vmul.f32 $1.131370830e+01, v6;
	v6 =	vld [tilespmem:s20+$0xFFFFFF70];
	[tilespmem:s20+$0xF0] =	vst v7  }
0x144: {  	[tilespmem:s20+$0xFFFFFF10] =	vst v1;
	v1 =	vmul.f32 $1.131370830e+01, v2;
	v2 =	vld [tilespmem:s20+$0xFFFFFF80]  }
0x145: {  	[tilespmem:s20+$0xFFFFFF20] =	vst v4;
	v3 =	vmul.f32 $1.131370830e+01, v3;
	v4 =	vld [tilespmem:s20+$0xFFFFFF90]  }
0x146: {  	[tilespmem:s20+$0xFFFFFF30] =	vst v1;
	v0 =	vmul.f32 $1.131370830e+01, v0;
	v1 =	vld [tilespmem:s20+$0xFFFFFFA0]  }
0x147: {  	[tilespmem:s20+$0xFFFFFF40] =	vst v3;
	v3 =	vmul.f32 $1.131370830e+01, v5;
	v5 =	vld [tilespmem:s20+$0xFFFFFFB0]  }
0x148: {  	[tilespmem:s20+$0xFFFFFF50] =	vst v0;
	v0 =	vmul.f32 $1.131370830e+01, v6;
	v6 =	vld [tilespmem:s20+$0xFFFFFFC0]  }
0x149: {  	[tilespmem:s20+$0xFFFFFF60] =	vst v3;
	v2 =	vmul.f32 $1.131370830e+01, v2;
	v3 =	vld [tilespmem:s20+$0xFFFFFFD0]  }
0x14a: {  	[tilespmem:s20+$0xFFFFFF70] =	vst v0;
	v0 =	vmul.f32 $1.131370830e+01, v4;
	v4 =	vld [tilespmem:s20+$0xFFFFFFE0]  }
0x14b: {  	[tilespmem:s20+$0xFFFFFF80] =	vst v2;
	v1 =	vmul.f32 $1.131370830e+01, v1;
	v2 =	vld [tilespmem:s20+$0xFFFFFFF0]  }
0x14c: {  	[tilespmem:s20+$0xFFFFFF90] =	vst v0;
	v0 =	vmul.f32 $1.131370830e+01, v5;
	v5 =	vld [tilespmem:s20+$0x0]  }
0x14d: {  	[tilespmem:s20+$0xFFFFFFA0] =	vst v1;
	v1 =	vmul.f32 $1.131370830e+01, v6;
	v6 =	vld [tilespmem:s20+$0x10]  }
0x14e: {  	[tilespmem:s20+$0xFFFFFFB0] =	vst v0;
	v0 =	vmul.f32 $1.131370830e+01, v3;
	v3 =	vld [tilespmem:s20+$0x20]  }
0x14f: {  	[tilespmem:s20+$0xFFFFFFC0] =	vst v1;
	v1 =	vmul.f32 $1.131370830e+01, v4;
	v4 =	vld [tilespmem:s20+$0x30]  }
0x150: {  	[tilespmem:s20+$0xFFFFFFD0] =	vst v0;
	v0 =	vmul.f32 $1.131370830e+01, v2;
	v2 =	vld [tilespmem:s20+$0x40]  }
0x151: {  	[tilespmem:s20+$0xFFFFFFE0] =	vst v1;
	v1 =	vmul.f32 $1.131370830e+01, v5;
	v5 =	vld [tilespmem:s20+$0x50]  }
0x152: {  	[tilespmem:s20+$0xFFFFFFF0] =	vst v0;
	v0 =	vmul.f32 $1.131370830e+01, v6;
	v6 =	vld [tilespmem:s20+$0x60]  }
0x153: {  	[tilespmem:s20+$0x0] =	vst v1;
	v1 =	vmul.f32 $1.131370830e+01, v3;
	v3 =	vld [tilespmem:s20+$0x70]  }
0x154: {  	[tilespmem:s20+$0x10] =	vst v0;
	v0 =	vmul.f32 $1.131370830e+01, v4;
	v4 =	vld [tilespmem:s20+$0x80]  }
0x155: {  	[tilespmem:s20+$0x20] =	vst v1;
	v1 =	vmul.f32 $1.131370830e+01, v2;
	v7 =	vld [tilespmem:s20+$0x90]  }
0x156: {  	[tilespmem:s20+$0x30] =	vst v0;
	v2 =	vmul.f32 $1.131370830e+01, v5;
	v8 =	vld [tilespmem:s20+$0xA0]  }
.Ltmp3:
0x157: {  	[tilespmem:s20+$0x40] =	vst v1;
	v5 =	vmul.f32 $1.131370830e+01, v6;
	v0 =	vld [tilespmem:s20+$0xB0];
	(pc) =	sbr.rel @p1 .LBB2_9-.Ltmp3, $4  }
0x158: {  	[tilespmem:s20+$0x50] =	vst v2;
	v3 =	vmul.f32 $1.131370830e+01, v3;
	v1 =	vld [tilespmem:s20+$0xC0]  }
0x159: {  	[tilespmem:s20+$0x60] =	vst v5;
	v6 =	vmul.f32 $1.131370830e+01, v4;
	v2 =	vld [tilespmem:s20+$0xD0]  }
0x15a: {  	[tilespmem:s20+$0x70] =	vst v3;
	v5 =	vmul.f32 $1.131370830e+01, v7;
	v3 =	vld [tilespmem:s20+$0xE0]  }
0x15b: {  	s20 =	sadd.s32 $0x200, s20;
	v4 =	vld [tilespmem:s17+$0xFFFFFF00];
	[tilespmem:s17+$0x80] =	vst v6;
	v6 =	vmul.f32 $1.131370830e+01, v8  }
0x15c: {  	[tilespmem:s17+$0x90] =	vst v5;
	v0 =	vmul.f32 $1.131370830e+01, v0  }
0x15d: {  	[tilespmem:s17+$0xA0] =	vst v6;
	v1 =	vmul.f32 $1.131370830e+01, v1  }
0x15e: {  	[tilespmem:s17+$0xB0] =	vst v0;
	v0 =	vmul.f32 $1.131370830e+01, v2  }
0x15f: {  	[tilespmem:s17+$0xC0] =	vst v1;
	v1 =	vmul.f32 $1.131370830e+01, v3  }
0x160: {  	s19 =	sadd.s32 s10, s14;
	v2 =	vmul.f32 $1.131370830e+01, v4;
	[tilespmem:s17+$0xD0] =	vst v0  }
0x161: {  	s19 =	sshrl.u32 s19, $0x3;
	[tilespmem:s17+$0xE0] =	vst v1  }
0x162: {  	s21 =	simm.s32 $0xDC00;
	s20 =	sadd.s32 s3, s19;
	[tilespmem:s17+$0xFFFFFF00] =	vst v2;
	s17 =	simm.s32 @!p0 $0xA  }
0x163: {  	[hbm4b:s20+s4] =	stream.linear.scatter [tilespmem:s21], [sflag:$0xB], $0x4000, $0x38;
	[tilespmem:$0x1DC00] =	vst v63  }
0x164: {  	_ =	swait.ge @!p0 [sflag:s17], $0x4000  }
0x165: {  	s19 =	simm.s32 @!p0 $0x80;
	[sflag:s17] =	ssyncset.done @!p0 $0x0  }
0x166: {  	s20 =	simm.s32 @!p0 $0x9C00;
	[sflag:s17] =	ssyncadd.s32 @!p0 $0xFFFFC000;
	s17 =	sadd.s32 @!p0 $0x480, s13  }
0x167: {  	[tilespmem:s20], [sflag:$0x3] =	stream.indirect.gather @!p0 [hbm4b:s2+s19], $0x80, s17, s19, $0xb8;
	[tilespmem:$0x1DC00] =	vst v63  }
0x168: {  	_ =	swait.ge [sflag:s1], $0x4000  }
0x169: {  	[sflag:s1] =	ssyncset.done $0x0  }
0x16a: {  	s17 =	simm.s32 $0x11D00;
	[sflag:s1] =	ssyncadd.s32 $0xFFFFC000  }
0x16b: {  	v0 =	vld [tilespmem:s17+$0xF0]  }
0x16c: {  	v1 =	vld [tilespmem:s17+$0xFFFFFF10]  }
0x16d: {  	v2 =	vld [tilespmem:s17+$0xFFFFFF20]  }
0x16e: {  	v3 =	vld [tilespmem:s17+$0xFFFFFF30]  }
0x16f: {  	v6 =	vld [tilespmem:s17+$0xFFFFFF60]  }
0x170: {  	v4 =	vld [tilespmem:s17+$0xFFFFFF40]  }
0x171: {  	v5 =	vld [tilespmem:s17+$0xFFFFFF50];
	v0 =	vmul.f32 $1.131370830e+01, v0  }
0x172: {  	v8 =	vld [tilespmem:s17+$0xFFFFFF80];
	v1 =	vmul.f32 $1.131370830e+01, v1  }
0x173: {  	v7 =	vld [tilespmem:s17+$0xFFFFFF70];
	v2 =	vmul.f32 $1.131370830e+01, v2;
	[tilespmem:s17+$0xF0] =	vst v0  }
0x174: {  	v6 =	vmul.f32 $1.131370830e+01, v6;
	v0 =	vld [tilespmem:s17+$0xFFFFFF90];
	[tilespmem:s17+$0xFFFFFF10] =	vst v1  }
0x175: {  	v1 =	vmul.f32 $1.131370830e+01, v3;
	v3 =	vld [tilespmem:s17+$0xFFFFFFA0];
	[tilespmem:s17+$0xFFFFFF20] =	vst v2;
	v2 =	vmul.f32 $1.131370830e+01, v4  }
0x176: {  	[tilespmem:s17+$0xFFFFFF60] =	vst v6;
	v6 =	vld [tilespmem:s17+$0xFFFFFFF0]  }
0x177: {  	v4 =	vld [tilespmem:s17+$0xFFFFFFB0];
	[tilespmem:s17+$0xFFFFFF40] =	vst v2;
	v2 =	vmul.f32 $1.131370830e+01, v8  }
0x178: {  	[tilespmem:s17+$0xFFFFFF30] =	vst v1;
	v1 =	vmul.f32 $1.131370830e+01, v5;
	v5 =	vld [tilespmem:s17+$0xFFFFFFC0]  }
0x179: {  	v8 =	vld [tilespmem:s17+$0xFFFFFFD0];
	[tilespmem:s17+$0xFFFFFF80] =	vst v2;
	v2 =	vmul.f32 $1.131370830e+01, v7  }
0x17a: {  	[tilespmem:s17+$0xFFFFFF50] =	vst v1;
	v1 =	vld [tilespmem:s17+$0xFFFFFFE0];
	v0 =	vmul.f32 $1.131370830e+01, v0  }
0x17b: {  	v7 =	vld [tilespmem:s17+$0x30];
	v6 =	vmul.f32 $1.131370830e+01, v6;
	[tilespmem:s17+$0xFFFFFF70] =	vst v2  }
0x17c: {  	v2 =	vmul.f32 $1.131370830e+01, v3;
	v3 =	vld [tilespmem:s17+$0x0];
	[tilespmem:s17+$0xFFFFFF90] =	vst v0  }
0x17d: {  	v0 =	vmul.f32 $1.131370830e+01, v4;
	v4 =	vld [tilespmem:s17+$0x10];
	[tilespmem:s17+$0xFFFFFFF0] =	vst v6  }
0x17e: {  	[tilespmem:s17+$0xFFFFFFA0] =	vst v2;
	v2 =	vmul.f32 $1.131370830e+01, v5;
	v5 =	vld [tilespmem:s17+$0x20]  }
0x17f: {  	v6 =	vld [tilespmem:s17+$0x80];
	[tilespmem:s17+$0xFFFFFFB0] =	vst v0;
	v0 =	vmul.f32 $1.131370830e+01, v8  }
0x180: {  	v1 =	vmul.f32 $1.131370830e+01, v1;
	[tilespmem:s17+$0xFFFFFFC0] =	vst v2;
	v2 =	vld [tilespmem:s17+$0x40]  }
0x181: {  	[tilespmem:s17+$0xFFFFFFD0] =	vst v0;
	v0 =	vmul.f32 $1.131370830e+01, v3  }
0x182: {  	v3 =	vld [tilespmem:s17+$0x50];
	[tilespmem:s17+$0xFFFFFFE0] =	vst v1;
	v4 =	vmul.f32 $1.131370830e+01, v4  }
0x183: {  	v1 =	vld [tilespmem:s17+$0x60];
	[tilespmem:s17+$0x0] =	vst v0;
	v0 =	vmul.f32 $1.131370830e+01, v5  }
0x184: {  	v6 =	vmul.f32 $1.131370830e+01, v6;
	v5 =	vld [tilespmem:s17+$0x70];
	[tilespmem:s17+$0x10] =	vst v4  }
0x185: {  	v4 =	vmul.f32 $1.131370830e+01, v7;
	v7 =	vld [tilespmem:s17+$0x90];
	[tilespmem:s17+$0x20] =	vst v0;
	v0 =	vmul.f32 $1.131370830e+01, v2  }
0x186: {  	v8 =	vld [tilespmem:s17+$0xA0];
	[tilespmem:s17+$0x80] =	vst v6  }
0x187: {  	v2 =	vmul.f32 $1.131370830e+01, v3;
	[tilespmem:s17+$0x40] =	vst v0;
	v0 =	vld [tilespmem:s17+$0xB0]  }
0x188: {  	[tilespmem:s17+$0x30] =	vst v4;
	v3 =	vmul.f32 $1.131370830e+01, v1;
	v1 =	vld [tilespmem:s17+$0xC0]  }
0x189: {  	[tilespmem:s17+$0x50] =	vst v2;
	v4 =	vmul.f32 $1.131370830e+01, v5;
	v2 =	vld [tilespmem:s17+$0xD0]  }
0x18a: {  	[tilespmem:s17+$0x60] =	vst v3;
	v3 =	vld [tilespmem:s17+$0xE0];
	v5 =	vmul.f32 $1.131370830e+01, v7  }
0x18b: {  	s19 =	simm.s32 $0x0;
	s20 =	simm.s32 $0x11F00;
	v6 =	vmul.f32 $1.131370830e+01, v8;
	[tilespmem:s17+$0x70] =	vst v4;
	v4 =	vld [tilespmem:s17+$0xFFFFFF00]  }
.LBB2_11:
0x18c: {  	v7 =	vld [tilespmem:s20+$0xF0];
	s19 =	sadd.s32 $0x4, s19;
	[tilespmem:s17+$0x90] =	vst v5;
	v0 =	vmul.f32 $1.131370830e+01, v0  }
0x18d: {  	v5 =	vld [tilespmem:s20+$0xFFFFFF10];
	p1 =	slt.u32 s19, $0x7C;
	[tilespmem:s17+$0xA0] =	vst v6;
	v1 =	vmul.f32 $1.131370830e+01, v1  }
0x18e: {  	v6 =	vld [tilespmem:s20+$0xFFFFFF20];
	[tilespmem:s17+$0xB0] =	vst v0;
	v0 =	vmul.f32 $1.131370830e+01, v2  }
0x18f: {  	v2 =	vld [tilespmem:s20+$0xFFFFFF30];
	[tilespmem:s17+$0xC0] =	vst v1;
	v1 =	vmul.f32 $1.131370830e+01, v3  }
0x190: {  	v3 =	vld [tilespmem:s20+$0xFFFFFF40];
	v4 =	vmul.f32 $1.131370830e+01, v4;
	[tilespmem:s17+$0xD0] =	vst v0  }
0x191: {  	v0 =	vld [tilespmem:s20+$0xFFFFFF50];
	v7 =	vmul.f32 $1.131370830e+01, v7;
	[tilespmem:s17+$0xE0] =	vst v1  }
0x192: {  	v1 =	vmul.f32 $1.131370830e+01, v5;
	v5 =	vld [tilespmem:s20+$0xFFFFFF60];
	[tilespmem:s17+$0xFFFFFF00] =	vst v4;
	s17 =	smov.u32 s20  }
0x193: {  	v4 =	vmul.f32 $1.131370830e+01, v6;
	v6 =	vld [tilespmem:s20+$0xFFFFFF70];
	[tilespmem:s20+$0xF0] =	vst v7  }
0x194: {  	[tilespmem:s20+$0xFFFFFF10] =	vst v1;
	v1 =	vmul.f32 $1.131370830e+01, v2;
	v2 =	vld [tilespmem:s20+$0xFFFFFF80]  }
0x195: {  	[tilespmem:s20+$0xFFFFFF20] =	vst v4;
	v3 =	vmul.f32 $1.131370830e+01, v3;
	v4 =	vld [tilespmem:s20+$0xFFFFFF90]  }
0x196: {  	[tilespmem:s20+$0xFFFFFF30] =	vst v1;
	v0 =	vmul.f32 $1.131370830e+01, v0;
	v1 =	vld [tilespmem:s20+$0xFFFFFFA0]  }
0x197: {  	[tilespmem:s20+$0xFFFFFF40] =	vst v3;
	v3 =	vmul.f32 $1.131370830e+01, v5;
	v5 =	vld [tilespmem:s20+$0xFFFFFFB0]  }
0x198: {  	[tilespmem:s20+$0xFFFFFF50] =	vst v0;
	v0 =	vmul.f32 $1.131370830e+01, v6;
	v6 =	vld [tilespmem:s20+$0xFFFFFFC0]  }
0x199: {  	[tilespmem:s20+$0xFFFFFF60] =	vst v3;
	v2 =	vmul.f32 $1.131370830e+01, v2;
	v3 =	vld [tilespmem:s20+$0xFFFFFFD0]  }
0x19a: {  	[tilespmem:s20+$0xFFFFFF70] =	vst v0;
	v0 =	vmul.f32 $1.131370830e+01, v4;
	v4 =	vld [tilespmem:s20+$0xFFFFFFE0]  }
0x19b: {  	[tilespmem:s20+$0xFFFFFF80] =	vst v2;
	v1 =	vmul.f32 $1.131370830e+01, v1;
	v2 =	vld [tilespmem:s20+$0xFFFFFFF0]  }
0x19c: {  	[tilespmem:s20+$0xFFFFFF90] =	vst v0;
	v0 =	vmul.f32 $1.131370830e+01, v5;
	v5 =	vld [tilespmem:s20+$0x0]  }
0x19d: {  	[tilespmem:s20+$0xFFFFFFA0] =	vst v1;
	v1 =	vmul.f32 $1.131370830e+01, v6;
	v6 =	vld [tilespmem:s20+$0x10]  }
0x19e: {  	[tilespmem:s20+$0xFFFFFFB0] =	vst v0;
	v0 =	vmul.f32 $1.131370830e+01, v3;
	v3 =	vld [tilespmem:s20+$0x20]  }
0x19f: {  	[tilespmem:s20+$0xFFFFFFC0] =	vst v1;
	v1 =	vmul.f32 $1.131370830e+01, v4;
	v4 =	vld [tilespmem:s20+$0x30]  }
0x1a0: {  	[tilespmem:s20+$0xFFFFFFD0] =	vst v0;
	v0 =	vmul.f32 $1.131370830e+01, v2;
	v2 =	vld [tilespmem:s20+$0x40]  }
0x1a1: {  	[tilespmem:s20+$0xFFFFFFE0] =	vst v1;
	v1 =	vmul.f32 $1.131370830e+01, v5;
	v5 =	vld [tilespmem:s20+$0x50]  }
0x1a2: {  	[tilespmem:s20+$0xFFFFFFF0] =	vst v0;
	v0 =	vmul.f32 $1.131370830e+01, v6;
	v6 =	vld [tilespmem:s20+$0x60]  }
0x1a3: {  	[tilespmem:s20+$0x0] =	vst v1;
	v1 =	vmul.f32 $1.131370830e+01, v3;
	v3 =	vld [tilespmem:s20+$0x70]  }
0x1a4: {  	[tilespmem:s20+$0x10] =	vst v0;
	v0 =	vmul.f32 $1.131370830e+01, v4;
	v4 =	vld [tilespmem:s20+$0x80]  }
0x1a5: {  	[tilespmem:s20+$0x20] =	vst v1;
	v1 =	vmul.f32 $1.131370830e+01, v2;
	v7 =	vld [tilespmem:s20+$0x90]  }
0x1a6: {  	[tilespmem:s20+$0x30] =	vst v0;
	v2 =	vmul.f32 $1.131370830e+01, v5;
	v8 =	vld [tilespmem:s20+$0xA0]  }
.Ltmp4:
0x1a7: {  	[tilespmem:s20+$0x40] =	vst v1;
	v5 =	vmul.f32 $1.131370830e+01, v6;
	v0 =	vld [tilespmem:s20+$0xB0];
	(pc) =	sbr.rel @p1 .LBB2_11-.Ltmp4, $4  }
0x1a8: {  	[tilespmem:s20+$0x50] =	vst v2;
	v3 =	vmul.f32 $1.131370830e+01, v3;
	v1 =	vld [tilespmem:s20+$0xC0]  }
0x1a9: {  	[tilespmem:s20+$0x60] =	vst v5;
	v6 =	vmul.f32 $1.131370830e+01, v4;
	v2 =	vld [tilespmem:s20+$0xD0]  }
0x1aa: {  	[tilespmem:s20+$0x70] =	vst v3;
	v5 =	vmul.f32 $1.131370830e+01, v7;
	v3 =	vld [tilespmem:s20+$0xE0]  }
0x1ab: {  	s20 =	sadd.s32 $0x200, s20;
	v4 =	vld [tilespmem:s17+$0xFFFFFF00];
	[tilespmem:s17+$0x80] =	vst v6;
	v6 =	vmul.f32 $1.131370830e+01, v8  }
0x1ac: {  	[tilespmem:s17+$0x90] =	vst v5;
	v0 =	vmul.f32 $1.131370830e+01, v0  }
0x1ad: {  	[tilespmem:s17+$0xA0] =	vst v6;
	v1 =	vmul.f32 $1.131370830e+01, v1  }
0x1ae: {  	[tilespmem:s17+$0xB0] =	vst v0;
	v0 =	vmul.f32 $1.131370830e+01, v2  }
0x1af: {  	[tilespmem:s17+$0xC0] =	vst v1;
	v1 =	vmul.f32 $1.131370830e+01, v3  }
0x1b0: {  	s14 =	sadd.s32 s11, s14;
	v2 =	vmul.f32 $1.131370830e+01, v4;
	[tilespmem:s17+$0xD0] =	vst v0  }
0x1b1: {  	s14 =	sshrl.u32 s14, $0x3;
	[tilespmem:s17+$0xE0] =	vst v1  }
0x1b2: {  	s14 =	sadd.s32 s3, s14;
	[tilespmem:s17+$0xFFFFFF00] =	vst v2  }
0x1b3: {  	[hbm4b:s14+s4] =	stream.linear.scatter [tilespmem:s23], [sflag:$0xC], $0x4000, $0x38;
	[tilespmem:$0x1DC00] =	vst v63  }
0x1b4: {  	s14 =	simm.s32 @!p0 $0xB  }
0x1b5: {  	_ =	swait.ge @!p0 [sflag:s14], $0x4000  }
0x1b6: {  	s19 =	simm.s32 @!p0 $0xDC00;
	[sflag:s14] =	ssyncset.done @!p0 $0x0  }
0x1b7: {  	s17 =	simm.s32 @!p0 $0x80;
	[sflag:s14] =	ssyncadd.s32 @!p0 $0xFFFFC000;
	s14 =	sadd.s32 @!p0 $0x500, s13  }
0x1b8: {  	[tilespmem:s19], [sflag:$0x4] =	stream.indirect.gather @!p0 [hbm4b:s2+s17], $0x80, s14, s17, $0xb8;
	[tilespmem:$0x1DC00] =	vst v63  }
0x1b9: {  	_ =	swait.ge [sflag:s0], $0x4000  }
0x1ba: {  	[sflag:s0] =	ssyncset.done $0x0  }
0x1bb: {  	s14 =	simm.s32 $0x15D00;
	[sflag:s0] =	ssyncadd.s32 $0xFFFFC000  }
0x1bc: {  	v0 =	vld [tilespmem:s14+$0xF0]  }
0x1bd: {  	v1 =	vld [tilespmem:s14+$0xFFFFFF10]  }
0x1be: {  	v2 =	vld [tilespmem:s14+$0xFFFFFF20]  }
0x1bf: {  	v3 =	vld [tilespmem:s14+$0xFFFFFF30]  }
0x1c0: {  	v6 =	vld [tilespmem:s14+$0xFFFFFF60]  }
0x1c1: {  	v4 =	vld [tilespmem:s14+$0xFFFFFF40]  }
0x1c2: {  	v5 =	vld [tilespmem:s14+$0xFFFFFF50];
	v0 =	vmul.f32 $1.131370830e+01, v0  }
0x1c3: {  	v8 =	vld [tilespmem:s14+$0xFFFFFF80];
	v1 =	vmul.f32 $1.131370830e+01, v1  }
0x1c4: {  	v7 =	vld [tilespmem:s14+$0xFFFFFF70];
	v2 =	vmul.f32 $1.131370830e+01, v2;
	[tilespmem:s14+$0xF0] =	vst v0  }
0x1c5: {  	v6 =	vmul.f32 $1.131370830e+01, v6;
	v0 =	vld [tilespmem:s14+$0xFFFFFF90];
	[tilespmem:s14+$0xFFFFFF10] =	vst v1  }
0x1c6: {  	v1 =	vmul.f32 $1.131370830e+01, v3;
	v3 =	vld [tilespmem:s14+$0xFFFFFFA0];
	[tilespmem:s14+$0xFFFFFF20] =	vst v2;
	v2 =	vmul.f32 $1.131370830e+01, v4  }
0x1c7: {  	[tilespmem:s14+$0xFFFFFF60] =	vst v6;
	v6 =	vld [tilespmem:s14+$0xFFFFFFF0]  }
0x1c8: {  	v4 =	vld [tilespmem:s14+$0xFFFFFFB0];
	[tilespmem:s14+$0xFFFFFF40] =	vst v2;
	v2 =	vmul.f32 $1.131370830e+01, v8  }
0x1c9: {  	[tilespmem:s14+$0xFFFFFF30] =	vst v1;
	v1 =	vmul.f32 $1.131370830e+01, v5;
	v5 =	vld [tilespmem:s14+$0xFFFFFFC0]  }
0x1ca: {  	v8 =	vld [tilespmem:s14+$0xFFFFFFD0];
	[tilespmem:s14+$0xFFFFFF80] =	vst v2;
	v2 =	vmul.f32 $1.131370830e+01, v7  }
0x1cb: {  	[tilespmem:s14+$0xFFFFFF50] =	vst v1;
	v1 =	vld [tilespmem:s14+$0xFFFFFFE0];
	v0 =	vmul.f32 $1.131370830e+01, v0  }
0x1cc: {  	v7 =	vld [tilespmem:s14+$0x30];
	v6 =	vmul.f32 $1.131370830e+01, v6;
	[tilespmem:s14+$0xFFFFFF70] =	vst v2  }
0x1cd: {  	v2 =	vmul.f32 $1.131370830e+01, v3;
	v3 =	vld [tilespmem:s14+$0x0];
	[tilespmem:s14+$0xFFFFFF90] =	vst v0  }
0x1ce: {  	v0 =	vmul.f32 $1.131370830e+01, v4;
	v4 =	vld [tilespmem:s14+$0x10];
	[tilespmem:s14+$0xFFFFFFF0] =	vst v6  }
0x1cf: {  	[tilespmem:s14+$0xFFFFFFA0] =	vst v2;
	v2 =	vmul.f32 $1.131370830e+01, v5;
	v5 =	vld [tilespmem:s14+$0x20]  }
0x1d0: {  	v6 =	vld [tilespmem:s14+$0x80];
	[tilespmem:s14+$0xFFFFFFB0] =	vst v0;
	v0 =	vmul.f32 $1.131370830e+01, v8  }
0x1d1: {  	v1 =	vmul.f32 $1.131370830e+01, v1;
	[tilespmem:s14+$0xFFFFFFC0] =	vst v2;
	v2 =	vld [tilespmem:s14+$0x40]  }
0x1d2: {  	[tilespmem:s14+$0xFFFFFFD0] =	vst v0;
	v0 =	vmul.f32 $1.131370830e+01, v3  }
0x1d3: {  	v3 =	vld [tilespmem:s14+$0x50];
	[tilespmem:s14+$0xFFFFFFE0] =	vst v1;
	v4 =	vmul.f32 $1.131370830e+01, v4  }
0x1d4: {  	v1 =	vld [tilespmem:s14+$0x60];
	[tilespmem:s14+$0x0] =	vst v0;
	v0 =	vmul.f32 $1.131370830e+01, v5  }
0x1d5: {  	v6 =	vmul.f32 $1.131370830e+01, v6;
	v5 =	vld [tilespmem:s14+$0x70];
	[tilespmem:s14+$0x10] =	vst v4  }
0x1d6: {  	v4 =	vmul.f32 $1.131370830e+01, v7;
	v7 =	vld [tilespmem:s14+$0x90];
	[tilespmem:s14+$0x20] =	vst v0;
	v0 =	vmul.f32 $1.131370830e+01, v2  }
0x1d7: {  	v8 =	vld [tilespmem:s14+$0xA0];
	[tilespmem:s14+$0x80] =	vst v6  }
0x1d8: {  	v2 =	vmul.f32 $1.131370830e+01, v3;
	[tilespmem:s14+$0x40] =	vst v0;
	v0 =	vld [tilespmem:s14+$0xB0]  }
0x1d9: {  	[tilespmem:s14+$0x30] =	vst v4;
	v3 =	vmul.f32 $1.131370830e+01, v1;
	v1 =	vld [tilespmem:s14+$0xC0]  }
0x1da: {  	[tilespmem:s14+$0x50] =	vst v2;
	v4 =	vmul.f32 $1.131370830e+01, v5;
	v2 =	vld [tilespmem:s14+$0xD0]  }
0x1db: {  	[tilespmem:s14+$0x60] =	vst v3;
	v3 =	vld [tilespmem:s14+$0xE0];
	v5 =	vmul.f32 $1.131370830e+01, v7  }
0x1dc: {  	s17 =	simm.s32 $0x0;
	s19 =	simm.s32 $0x15F00;
	v6 =	vmul.f32 $1.131370830e+01, v8;
	[tilespmem:s14+$0x70] =	vst v4;
	v4 =	vld [tilespmem:s14+$0xFFFFFF00]  }
.LBB2_13:
0x1dd: {  	v7 =	vld [tilespmem:s19+$0xF0];
	s17 =	sadd.s32 $0x4, s17;
	[tilespmem:s14+$0x90] =	vst v5;
	v0 =	vmul.f32 $1.131370830e+01, v0  }
0x1de: {  	v5 =	vld [tilespmem:s19+$0xFFFFFF10];
	p1 =	slt.u32 s17, $0x7C;
	[tilespmem:s14+$0xA0] =	vst v6;
	v1 =	vmul.f32 $1.131370830e+01, v1  }
0x1df: {  	v6 =	vld [tilespmem:s19+$0xFFFFFF20];
	[tilespmem:s14+$0xB0] =	vst v0;
	v0 =	vmul.f32 $1.131370830e+01, v2  }
0x1e0: {  	v2 =	vld [tilespmem:s19+$0xFFFFFF30];
	[tilespmem:s14+$0xC0] =	vst v1;
	v1 =	vmul.f32 $1.131370830e+01, v3  }
0x1e1: {  	v3 =	vld [tilespmem:s19+$0xFFFFFF40];
	v4 =	vmul.f32 $1.131370830e+01, v4;
	[tilespmem:s14+$0xD0] =	vst v0  }
0x1e2: {  	v0 =	vld [tilespmem:s19+$0xFFFFFF50];
	v7 =	vmul.f32 $1.131370830e+01, v7;
	[tilespmem:s14+$0xE0] =	vst v1  }
0x1e3: {  	v1 =	vmul.f32 $1.131370830e+01, v5;
	v5 =	vld [tilespmem:s19+$0xFFFFFF60];
	[tilespmem:s14+$0xFFFFFF00] =	vst v4;
	s14 =	smov.u32 s19  }
0x1e4: {  	v4 =	vmul.f32 $1.131370830e+01, v6;
	v6 =	vld [tilespmem:s19+$0xFFFFFF70];
	[tilespmem:s19+$0xF0] =	vst v7  }
0x1e5: {  	[tilespmem:s19+$0xFFFFFF10] =	vst v1;
	v1 =	vmul.f32 $1.131370830e+01, v2;
	v2 =	vld [tilespmem:s19+$0xFFFFFF80]  }
0x1e6: {  	[tilespmem:s19+$0xFFFFFF20] =	vst v4;
	v3 =	vmul.f32 $1.131370830e+01, v3;
	v4 =	vld [tilespmem:s19+$0xFFFFFF90]  }
0x1e7: {  	[tilespmem:s19+$0xFFFFFF30] =	vst v1;
	v0 =	vmul.f32 $1.131370830e+01, v0;
	v1 =	vld [tilespmem:s19+$0xFFFFFFA0]  }
0x1e8: {  	[tilespmem:s19+$0xFFFFFF40] =	vst v3;
	v3 =	vmul.f32 $1.131370830e+01, v5;
	v5 =	vld [tilespmem:s19+$0xFFFFFFB0]  }
0x1e9: {  	[tilespmem:s19+$0xFFFFFF50] =	vst v0;
	v0 =	vmul.f32 $1.131370830e+01, v6;
	v6 =	vld [tilespmem:s19+$0xFFFFFFC0]  }
0x1ea: {  	[tilespmem:s19+$0xFFFFFF60] =	vst v3;
	v2 =	vmul.f32 $1.131370830e+01, v2;
	v3 =	vld [tilespmem:s19+$0xFFFFFFD0]  }
0x1eb: {  	[tilespmem:s19+$0xFFFFFF70] =	vst v0;
	v0 =	vmul.f32 $1.131370830e+01, v4;
	v4 =	vld [tilespmem:s19+$0xFFFFFFE0]  }
0x1ec: {  	[tilespmem:s19+$0xFFFFFF80] =	vst v2;
	v1 =	vmul.f32 $1.131370830e+01, v1;
	v2 =	vld [tilespmem:s19+$0xFFFFFFF0]  }
0x1ed: {  	[tilespmem:s19+$0xFFFFFF90] =	vst v0;
	v0 =	vmul.f32 $1.131370830e+01, v5;
	v5 =	vld [tilespmem:s19+$0x0]  }
0x1ee: {  	[tilespmem:s19+$0xFFFFFFA0] =	vst v1;
	v1 =	vmul.f32 $1.131370830e+01, v6;
	v6 =	vld [tilespmem:s19+$0x10]  }
0x1ef: {  	[tilespmem:s19+$0xFFFFFFB0] =	vst v0;
	v0 =	vmul.f32 $1.131370830e+01, v3;
	v3 =	vld [tilespmem:s19+$0x20]  }
0x1f0: {  	[tilespmem:s19+$0xFFFFFFC0] =	vst v1;
	v1 =	vmul.f32 $1.131370830e+01, v4;
	v4 =	vld [tilespmem:s19+$0x30]  }
0x1f1: {  	[tilespmem:s19+$0xFFFFFFD0] =	vst v0;
	v0 =	vmul.f32 $1.131370830e+01, v2;
	v2 =	vld [tilespmem:s19+$0x40]  }
0x1f2: {  	[tilespmem:s19+$0xFFFFFFE0] =	vst v1;
	v1 =	vmul.f32 $1.131370830e+01, v5;
	v5 =	vld [tilespmem:s19+$0x50]  }
0x1f3: {  	[tilespmem:s19+$0xFFFFFFF0] =	vst v0;
	v0 =	vmul.f32 $1.131370830e+01, v6;
	v6 =	vld [tilespmem:s19+$0x60]  }
0x1f4: {  	[tilespmem:s19+$0x0] =	vst v1;
	v1 =	vmul.f32 $1.131370830e+01, v3;
	v3 =	vld [tilespmem:s19+$0x70]  }
0x1f5: {  	[tilespmem:s19+$0x10] =	vst v0;
	v0 =	vmul.f32 $1.131370830e+01, v4;
	v4 =	vld [tilespmem:s19+$0x80]  }
0x1f6: {  	[tilespmem:s19+$0x20] =	vst v1;
	v1 =	vmul.f32 $1.131370830e+01, v2;
	v7 =	vld [tilespmem:s19+$0x90]  }
0x1f7: {  	[tilespmem:s19+$0x30] =	vst v0;
	v2 =	vmul.f32 $1.131370830e+01, v5;
	v8 =	vld [tilespmem:s19+$0xA0]  }
.Ltmp5:
0x1f8: {  	[tilespmem:s19+$0x40] =	vst v1;
	v5 =	vmul.f32 $1.131370830e+01, v6;
	v0 =	vld [tilespmem:s19+$0xB0];
	(pc) =	sbr.rel @p1 .LBB2_13-.Ltmp5, $4  }
0x1f9: {  	[tilespmem:s19+$0x50] =	vst v2;
	v3 =	vmul.f32 $1.131370830e+01, v3;
	v1 =	vld [tilespmem:s19+$0xC0]  }
0x1fa: {  	[tilespmem:s19+$0x60] =	vst v5;
	v6 =	vmul.f32 $1.131370830e+01, v4;
	v2 =	vld [tilespmem:s19+$0xD0]  }
0x1fb: {  	[tilespmem:s19+$0x70] =	vst v3;
	v5 =	vmul.f32 $1.131370830e+01, v7;
	v3 =	vld [tilespmem:s19+$0xE0]  }
0x1fc: {  	s19 =	sadd.s32 $0x200, s19;
	v4 =	vld [tilespmem:s14+$0xFFFFFF00];
	[tilespmem:s14+$0x80] =	vst v6;
	v6 =	vmul.f32 $1.131370830e+01, v8  }
0x1fd: {  	[tilespmem:s14+$0x90] =	vst v5;
	v0 =	vmul.f32 $1.131370830e+01, v0  }
0x1fe: {  	[tilespmem:s14+$0xA0] =	vst v6;
	v1 =	vmul.f32 $1.131370830e+01, v1  }
0x1ff: {  	[tilespmem:s14+$0xB0] =	vst v0;
	v0 =	vmul.f32 $1.131370830e+01, v2  }
0x200: {  	s7 =	sshll.u32 s7, $0xE;
	[tilespmem:s14+$0xC0] =	vst v1;
	v1 =	vmul.f32 $1.131370830e+01, v3  }
0x201: {  	s7 =	sadd.s32 s5, s7;
	v2 =	vmul.f32 $1.131370830e+01, v4;
	[tilespmem:s14+$0xD0] =	vst v0  }
0x202: {  	s7 =	sshrl.u32 s7, $0x3;
	[tilespmem:s14+$0xE0] =	vst v1  }
0x203: {  	s7 =	sadd.s32 s3, s7;
	[tilespmem:s14+$0xFFFFFF00] =	vst v2  }
0x204: {  	[hbm4b:s7+s4] =	stream.linear.scatter [tilespmem:s24], [sflag:$0xD], $0x4000, $0x38;
	[tilespmem:$0x1DC00] =	vst v63  }
0x205: {  	s7 =	simm.s32 @!p0 $0xC  }
0x206: {  	_ =	swait.ge @!p0 [sflag:s7], $0x4000  }
0x207: {  	s14 =	simm.s32 @!p0 $0x11C00;
	[sflag:s7] =	ssyncset.done @!p0 $0x0  }
0x208: {  	[sflag:s7] =	ssyncadd.s32 @!p0 $0xFFFFC000;
	s7 =	sadd.s32 @!p0 $0x580, s13;
	s13 =	simm.s32 @!p0 $0x80  }
0x209: {  	[tilespmem:s14], [sflag:$0x5] =	stream.indirect.gather @!p0 [hbm4b:s2+s13], $0x80, s7, s13, $0xb8;
	[tilespmem:$0x1DC00] =	vst v63  }
0x20a: {  	_ =	swait.ge [sflag:s18], $0x4000  }
0x20b: {  	[sflag:s18] =	ssyncset.done $0x0  }
0x20c: {  	s7 =	simm.s32 $0x19D00;
	[sflag:s18] =	ssyncadd.s32 $0xFFFFC000  }
0x20d: {  	v0 =	vld [tilespmem:s7+$0xF0]  }
0x20e: {  	v1 =	vld [tilespmem:s7+$0xFFFFFF10]  }
0x20f: {  	v2 =	vld [tilespmem:s7+$0xFFFFFF20]  }
0x210: {  	v3 =	vld [tilespmem:s7+$0xFFFFFF30]  }
0x211: {  	v6 =	vld [tilespmem:s7+$0xFFFFFF60]  }
0x212: {  	v4 =	vld [tilespmem:s7+$0xFFFFFF40]  }
0x213: {  	v5 =	vld [tilespmem:s7+$0xFFFFFF50];
	v0 =	vmul.f32 $1.131370830e+01, v0  }
0x214: {  	v8 =	vld [tilespmem:s7+$0xFFFFFF80];
	v1 =	vmul.f32 $1.131370830e+01, v1  }
0x215: {  	v7 =	vld [tilespmem:s7+$0xFFFFFF70];
	v2 =	vmul.f32 $1.131370830e+01, v2;
	[tilespmem:s7+$0xF0] =	vst v0  }
0x216: {  	v6 =	vmul.f32 $1.131370830e+01, v6;
	v0 =	vld [tilespmem:s7+$0xFFFFFF90];
	[tilespmem:s7+$0xFFFFFF10] =	vst v1  }
0x217: {  	v1 =	vmul.f32 $1.131370830e+01, v3;
	v3 =	vld [tilespmem:s7+$0xFFFFFFA0];
	[tilespmem:s7+$0xFFFFFF20] =	vst v2;
	v2 =	vmul.f32 $1.131370830e+01, v4  }
0x218: {  	[tilespmem:s7+$0xFFFFFF60] =	vst v6;
	v6 =	vld [tilespmem:s7+$0xFFFFFFF0]  }
0x219: {  	v4 =	vld [tilespmem:s7+$0xFFFFFFB0];
	[tilespmem:s7+$0xFFFFFF40] =	vst v2;
	v2 =	vmul.f32 $1.131370830e+01, v8  }
0x21a: {  	[tilespmem:s7+$0xFFFFFF30] =	vst v1;
	v1 =	vmul.f32 $1.131370830e+01, v5;
	v5 =	vld [tilespmem:s7+$0xFFFFFFC0]  }
0x21b: {  	v8 =	vld [tilespmem:s7+$0xFFFFFFD0];
	[tilespmem:s7+$0xFFFFFF80] =	vst v2;
	v2 =	vmul.f32 $1.131370830e+01, v7  }
0x21c: {  	[tilespmem:s7+$0xFFFFFF50] =	vst v1;
	v1 =	vld [tilespmem:s7+$0xFFFFFFE0];
	v0 =	vmul.f32 $1.131370830e+01, v0  }
0x21d: {  	v7 =	vld [tilespmem:s7+$0x30];
	v6 =	vmul.f32 $1.131370830e+01, v6;
	[tilespmem:s7+$0xFFFFFF70] =	vst v2  }
0x21e: {  	v2 =	vmul.f32 $1.131370830e+01, v3;
	v3 =	vld [tilespmem:s7+$0x0];
	[tilespmem:s7+$0xFFFFFF90] =	vst v0  }
0x21f: {  	v0 =	vmul.f32 $1.131370830e+01, v4;
	v4 =	vld [tilespmem:s7+$0x10];
	[tilespmem:s7+$0xFFFFFFF0] =	vst v6  }
0x220: {  	[tilespmem:s7+$0xFFFFFFA0] =	vst v2;
	v2 =	vmul.f32 $1.131370830e+01, v5;
	v5 =	vld [tilespmem:s7+$0x20]  }
0x221: {  	v6 =	vld [tilespmem:s7+$0x80];
	[tilespmem:s7+$0xFFFFFFB0] =	vst v0;
	v0 =	vmul.f32 $1.131370830e+01, v8  }
0x222: {  	v1 =	vmul.f32 $1.131370830e+01, v1;
	[tilespmem:s7+$0xFFFFFFC0] =	vst v2;
	v2 =	vld [tilespmem:s7+$0x40]  }
0x223: {  	[tilespmem:s7+$0xFFFFFFD0] =	vst v0;
	v0 =	vmul.f32 $1.131370830e+01, v3  }
0x224: {  	v3 =	vld [tilespmem:s7+$0x50];
	[tilespmem:s7+$0xFFFFFFE0] =	vst v1;
	v4 =	vmul.f32 $1.131370830e+01, v4  }
0x225: {  	v1 =	vld [tilespmem:s7+$0x60];
	[tilespmem:s7+$0x0] =	vst v0;
	v0 =	vmul.f32 $1.131370830e+01, v5  }
0x226: {  	v6 =	vmul.f32 $1.131370830e+01, v6;
	v5 =	vld [tilespmem:s7+$0x70];
	[tilespmem:s7+$0x10] =	vst v4  }
0x227: {  	v4 =	vmul.f32 $1.131370830e+01, v7;
	v7 =	vld [tilespmem:s7+$0x90];
	[tilespmem:s7+$0x20] =	vst v0;
	v0 =	vmul.f32 $1.131370830e+01, v2  }
0x228: {  	v8 =	vld [tilespmem:s7+$0xA0];
	[tilespmem:s7+$0x80] =	vst v6  }
0x229: {  	v2 =	vmul.f32 $1.131370830e+01, v3;
	[tilespmem:s7+$0x40] =	vst v0;
	v0 =	vld [tilespmem:s7+$0xB0]  }
0x22a: {  	[tilespmem:s7+$0x30] =	vst v4;
	v3 =	vmul.f32 $1.131370830e+01, v1;
	v1 =	vld [tilespmem:s7+$0xC0]  }
0x22b: {  	[tilespmem:s7+$0x50] =	vst v2;
	v4 =	vmul.f32 $1.131370830e+01, v5;
	v2 =	vld [tilespmem:s7+$0xD0]  }
0x22c: {  	[tilespmem:s7+$0x60] =	vst v3;
	v3 =	vld [tilespmem:s7+$0xE0];
	v5 =	vmul.f32 $1.131370830e+01, v7  }
0x22d: {  	s13 =	simm.s32 $0x0;
	s14 =	simm.s32 $0x19F00;
	v6 =	vmul.f32 $1.131370830e+01, v8;
	[tilespmem:s7+$0x70] =	vst v4;
	v4 =	vld [tilespmem:s7+$0xFFFFFF00]  }
.LBB2_15:
0x22e: {  	v7 =	vld [tilespmem:s14+$0xF0];
	s13 =	sadd.s32 $0x4, s13;
	[tilespmem:s7+$0x90] =	vst v5;
	v0 =	vmul.f32 $1.131370830e+01, v0  }
0x22f: {  	v5 =	vld [tilespmem:s14+$0xFFFFFF10];
	p0 =	slt.u32 s13, $0x7C;
	[tilespmem:s7+$0xA0] =	vst v6;
	v1 =	vmul.f32 $1.131370830e+01, v1  }
0x230: {  	v6 =	vld [tilespmem:s14+$0xFFFFFF20];
	[tilespmem:s7+$0xB0] =	vst v0;
	v0 =	vmul.f32 $1.131370830e+01, v2  }
0x231: {  	v2 =	vld [tilespmem:s14+$0xFFFFFF30];
	[tilespmem:s7+$0xC0] =	vst v1;
	v1 =	vmul.f32 $1.131370830e+01, v3  }
0x232: {  	v3 =	vld [tilespmem:s14+$0xFFFFFF40];
	v4 =	vmul.f32 $1.131370830e+01, v4;
	[tilespmem:s7+$0xD0] =	vst v0  }
0x233: {  	v0 =	vld [tilespmem:s14+$0xFFFFFF50];
	v7 =	vmul.f32 $1.131370830e+01, v7;
	[tilespmem:s7+$0xE0] =	vst v1  }
0x234: {  	v1 =	vmul.f32 $1.131370830e+01, v5;
	v5 =	vld [tilespmem:s14+$0xFFFFFF60];
	[tilespmem:s7+$0xFFFFFF00] =	vst v4;
	s7 =	smov.u32 s14  }
0x235: {  	v4 =	vmul.f32 $1.131370830e+01, v6;
	v6 =	vld [tilespmem:s14+$0xFFFFFF70];
	[tilespmem:s14+$0xF0] =	vst v7  }
0x236: {  	[tilespmem:s14+$0xFFFFFF10] =	vst v1;
	v1 =	vmul.f32 $1.131370830e+01, v2;
	v2 =	vld [tilespmem:s14+$0xFFFFFF80]  }
0x237: {  	[tilespmem:s14+$0xFFFFFF20] =	vst v4;
	v3 =	vmul.f32 $1.131370830e+01, v3;
	v4 =	vld [tilespmem:s14+$0xFFFFFF90]  }
0x238: {  	[tilespmem:s14+$0xFFFFFF30] =	vst v1;
	v0 =	vmul.f32 $1.131370830e+01, v0;
	v1 =	vld [tilespmem:s14+$0xFFFFFFA0]  }
0x239: {  	[tilespmem:s14+$0xFFFFFF40] =	vst v3;
	v3 =	vmul.f32 $1.131370830e+01, v5;
	v5 =	vld [tilespmem:s14+$0xFFFFFFB0]  }
0x23a: {  	[tilespmem:s14+$0xFFFFFF50] =	vst v0;
	v0 =	vmul.f32 $1.131370830e+01, v6;
	v6 =	vld [tilespmem:s14+$0xFFFFFFC0]  }
0x23b: {  	[tilespmem:s14+$0xFFFFFF60] =	vst v3;
	v2 =	vmul.f32 $1.131370830e+01, v2;
	v3 =	vld [tilespmem:s14+$0xFFFFFFD0]  }
0x23c: {  	[tilespmem:s14+$0xFFFFFF70] =	vst v0;
	v0 =	vmul.f32 $1.131370830e+01, v4;
	v4 =	vld [tilespmem:s14+$0xFFFFFFE0]  }
0x23d: {  	[tilespmem:s14+$0xFFFFFF80] =	vst v2;
	v1 =	vmul.f32 $1.131370830e+01, v1;
	v2 =	vld [tilespmem:s14+$0xFFFFFFF0]  }
0x23e: {  	[tilespmem:s14+$0xFFFFFF90] =	vst v0;
	v0 =	vmul.f32 $1.131370830e+01, v5;
	v5 =	vld [tilespmem:s14+$0x0]  }
0x23f: {  	[tilespmem:s14+$0xFFFFFFA0] =	vst v1;
	v1 =	vmul.f32 $1.131370830e+01, v6;
	v6 =	vld [tilespmem:s14+$0x10]  }
0x240: {  	[tilespmem:s14+$0xFFFFFFB0] =	vst v0;
	v0 =	vmul.f32 $1.131370830e+01, v3;
	v3 =	vld [tilespmem:s14+$0x20]  }
0x241: {  	[tilespmem:s14+$0xFFFFFFC0] =	vst v1;
	v1 =	vmul.f32 $1.131370830e+01, v4;
	v4 =	vld [tilespmem:s14+$0x30]  }
0x242: {  	[tilespmem:s14+$0xFFFFFFD0] =	vst v0;
	v0 =	vmul.f32 $1.131370830e+01, v2;
	v2 =	vld [tilespmem:s14+$0x40]  }
0x243: {  	[tilespmem:s14+$0xFFFFFFE0] =	vst v1;
	v1 =	vmul.f32 $1.131370830e+01, v5;
	v5 =	vld [tilespmem:s14+$0x50]  }
0x244: {  	[tilespmem:s14+$0xFFFFFFF0] =	vst v0;
	v0 =	vmul.f32 $1.131370830e+01, v6;
	v6 =	vld [tilespmem:s14+$0x60]  }
0x245: {  	[tilespmem:s14+$0x0] =	vst v1;
	v1 =	vmul.f32 $1.131370830e+01, v3;
	v3 =	vld [tilespmem:s14+$0x70]  }
0x246: {  	[tilespmem:s14+$0x10] =	vst v0;
	v0 =	vmul.f32 $1.131370830e+01, v4;
	v4 =	vld [tilespmem:s14+$0x80]  }
0x247: {  	[tilespmem:s14+$0x20] =	vst v1;
	v1 =	vmul.f32 $1.131370830e+01, v2;
	v7 =	vld [tilespmem:s14+$0x90]  }
0x248: {  	[tilespmem:s14+$0x30] =	vst v0;
	v2 =	vmul.f32 $1.131370830e+01, v5;
	v8 =	vld [tilespmem:s14+$0xA0]  }
.Ltmp6:
0x249: {  	[tilespmem:s14+$0x40] =	vst v1;
	v5 =	vmul.f32 $1.131370830e+01, v6;
	v0 =	vld [tilespmem:s14+$0xB0];
	(pc) =	sbr.rel @p0 .LBB2_15-.Ltmp6, $4  }
0x24a: {  	[tilespmem:s14+$0x50] =	vst v2;
	v3 =	vmul.f32 $1.131370830e+01, v3;
	v1 =	vld [tilespmem:s14+$0xC0]  }
0x24b: {  	[tilespmem:s14+$0x60] =	vst v5;
	v6 =	vmul.f32 $1.131370830e+01, v4;
	v2 =	vld [tilespmem:s14+$0xD0]  }
0x24c: {  	[tilespmem:s14+$0x70] =	vst v3;
	v5 =	vmul.f32 $1.131370830e+01, v7;
	v3 =	vld [tilespmem:s14+$0xE0]  }
0x24d: {  	s14 =	sadd.s32 $0x200, s14;
	v4 =	vld [tilespmem:s7+$0xFFFFFF00];
	[tilespmem:s7+$0x80] =	vst v6;
	v6 =	vmul.f32 $1.131370830e+01, v8  }
0x24e: {  	[tilespmem:s7+$0x90] =	vst v5;
	v0 =	vmul.f32 $1.131370830e+01, v0  }
0x24f: {  	s22 =	sadd.s32 $0x1, s22;
	[tilespmem:s7+$0xA0] =	vst v6;
	v1 =	vmul.f32 $1.131370830e+01, v1  }
0x250: {  	p0 =	sne.s32 s22, $0x7;
	[tilespmem:s7+$0xB0] =	vst v0;
	v61 =	vmul.f32 $1.131370830e+01, v2  }
.Ltmp7:
0x251: {  	s12 =	sshll.u32 s12, $0xE;
	[tilespmem:s7+$0xC0] =	vst v1;
	v62 =	vmul.f32 $1.131370830e+01, v3;
	(pc) =	sbr.rel @p0 .LBB2_2-.Ltmp7, $4  }
0x252: {  	s12 =	sadd.s32 s5, s12;
	v63 =	vmul.f32 $1.131370830e+01, v4;
	[tilespmem:s7+$0xD0] =	vst v61  }
0x253: {  	s12 =	sshrl.u32 s12, $0x3;
	[tilespmem:s7+$0xE0] =	vst v62  }
0x254: {  	s21 =	sadd.s32 s3, s12;
	[tilespmem:s7+$0xFFFFFF00] =	vst v63  }
0x255: {  	[hbm4b:s21+s4] =	stream.linear.scatter [tilespmem:s26], [sflag:$0xE], $0x4000, $0x38;
	[tilespmem:$0x1DC00] =	vst v63  }
0x256: {  	_ =	swait.ge [sflag:s25], $0x4000  }
0x257: {  	[sflag:s25] =	ssyncset.done $0x0  }
0x258: {  	s7 =	simm.s32 $0x1D00;
	[sflag:s25] =	ssyncadd.s32 $0xFFFFC000  }
0x259: {  	v0 =	vld [tilespmem:s7+$0xF0]  }
0x25a: {  	v1 =	vld [tilespmem:s7+$0xFFFFFF10]  }
0x25b: {  	v2 =	vld [tilespmem:s7+$0xFFFFFF20]  }
0x25c: {  	v3 =	vld [tilespmem:s7+$0xFFFFFF30]  }
0x25d: {  	v6 =	vld [tilespmem:s7+$0xFFFFFF60]  }
0x25e: {  	v4 =	vld [tilespmem:s7+$0xFFFFFF40]  }
0x25f: {  	v5 =	vld [tilespmem:s7+$0xFFFFFF50];
	v0 =	vmul.f32 $1.131370830e+01, v0  }
0x260: {  	v8 =	vld [tilespmem:s7+$0xFFFFFF80];
	v1 =	vmul.f32 $1.131370830e+01, v1  }
0x261: {  	v7 =	vld [tilespmem:s7+$0xFFFFFF70];
	v2 =	vmul.f32 $1.131370830e+01, v2;
	[tilespmem:s7+$0xF0] =	vst v0  }
0x262: {  	v6 =	vmul.f32 $1.131370830e+01, v6;
	v0 =	vld [tilespmem:s7+$0xFFFFFF90];
	[tilespmem:s7+$0xFFFFFF10] =	vst v1  }
0x263: {  	v1 =	vmul.f32 $1.131370830e+01, v3;
	v3 =	vld [tilespmem:s7+$0xFFFFFFA0];
	[tilespmem:s7+$0xFFFFFF20] =	vst v2;
	v2 =	vmul.f32 $1.131370830e+01, v4  }
0x264: {  	[tilespmem:s7+$0xFFFFFF60] =	vst v6;
	v6 =	vld [tilespmem:s7+$0xFFFFFFF0]  }
0x265: {  	v4 =	vld [tilespmem:s7+$0xFFFFFFB0];
	[tilespmem:s7+$0xFFFFFF40] =	vst v2;
	v2 =	vmul.f32 $1.131370830e+01, v8  }
0x266: {  	[tilespmem:s7+$0xFFFFFF30] =	vst v1;
	v1 =	vmul.f32 $1.131370830e+01, v5;
	v5 =	vld [tilespmem:s7+$0xFFFFFFC0]  }
0x267: {  	v8 =	vld [tilespmem:s7+$0xFFFFFFD0];
	[tilespmem:s7+$0xFFFFFF80] =	vst v2;
	v2 =	vmul.f32 $1.131370830e+01, v7  }
0x268: {  	[tilespmem:s7+$0xFFFFFF50] =	vst v1;
	v1 =	vld [tilespmem:s7+$0xFFFFFFE0];
	v0 =	vmul.f32 $1.131370830e+01, v0  }
0x269: {  	v7 =	vld [tilespmem:s7+$0x30];
	v6 =	vmul.f32 $1.131370830e+01, v6;
	[tilespmem:s7+$0xFFFFFF70] =	vst v2  }
0x26a: {  	v2 =	vmul.f32 $1.131370830e+01, v3;
	v3 =	vld [tilespmem:s7+$0x0];
	[tilespmem:s7+$0xFFFFFF90] =	vst v0  }
0x26b: {  	v0 =	vmul.f32 $1.131370830e+01, v4;
	v4 =	vld [tilespmem:s7+$0x10];
	[tilespmem:s7+$0xFFFFFFF0] =	vst v6  }
0x26c: {  	[tilespmem:s7+$0xFFFFFFA0] =	vst v2;
	v2 =	vmul.f32 $1.131370830e+01, v5;
	v5 =	vld [tilespmem:s7+$0x20]  }
0x26d: {  	v6 =	vld [tilespmem:s7+$0x80];
	[tilespmem:s7+$0xFFFFFFB0] =	vst v0;
	v0 =	vmul.f32 $1.131370830e+01, v8  }
0x26e: {  	v1 =	vmul.f32 $1.131370830e+01, v1;
	[tilespmem:s7+$0xFFFFFFC0] =	vst v2;
	v2 =	vld [tilespmem:s7+$0x40]  }
0x26f: {  	[tilespmem:s7+$0xFFFFFFD0] =	vst v0;
	v0 =	vmul.f32 $1.131370830e+01, v3  }
0x270: {  	v3 =	vld [tilespmem:s7+$0x50];
	[tilespmem:s7+$0xFFFFFFE0] =	vst v1;
	v4 =	vmul.f32 $1.131370830e+01, v4  }
0x271: {  	v1 =	vld [tilespmem:s7+$0x60];
	[tilespmem:s7+$0x0] =	vst v0;
	v0 =	vmul.f32 $1.131370830e+01, v5  }
0x272: {  	v6 =	vmul.f32 $1.131370830e+01, v6;
	v5 =	vld [tilespmem:s7+$0x70];
	[tilespmem:s7+$0x10] =	vst v4  }
0x273: {  	v4 =	vmul.f32 $1.131370830e+01, v7;
	v7 =	vld [tilespmem:s7+$0x90];
	[tilespmem:s7+$0x20] =	vst v0;
	v0 =	vmul.f32 $1.131370830e+01, v2  }
0x274: {  	v8 =	vld [tilespmem:s7+$0xA0];
	[tilespmem:s7+$0x80] =	vst v6  }
0x275: {  	v2 =	vmul.f32 $1.131370830e+01, v3;
	[tilespmem:s7+$0x40] =	vst v0;
	v0 =	vld [tilespmem:s7+$0xB0]  }
0x276: {  	[tilespmem:s7+$0x30] =	vst v4;
	v3 =	vmul.f32 $1.131370830e+01, v1;
	v1 =	vld [tilespmem:s7+$0xC0]  }
0x277: {  	[tilespmem:s7+$0x50] =	vst v2;
	v4 =	vmul.f32 $1.131370830e+01, v5;
	v2 =	vld [tilespmem:s7+$0xD0]  }
0x278: {  	[tilespmem:s7+$0x60] =	vst v3;
	v3 =	vld [tilespmem:s7+$0xE0];
	v5 =	vmul.f32 $1.131370830e+01, v7  }
0x279: {  	s12 =	simm.s32 $0x0;
	s13 =	simm.s32 $0x1F00;
	v6 =	vmul.f32 $1.131370830e+01, v8;
	[tilespmem:s7+$0x70] =	vst v4;
	v4 =	vld [tilespmem:s7+$0xFFFFFF00]  }
.LBB2_18:
0x27a: {  	v7 =	vld [tilespmem:s13+$0xF0];
	s12 =	sadd.s32 $0x4, s12;
	[tilespmem:s7+$0x90] =	vst v5;
	v0 =	vmul.f32 $1.131370830e+01, v0  }
0x27b: {  	v5 =	vld [tilespmem:s13+$0xFFFFFF10];
	p0 =	slt.u32 s12, $0x7C;
	[tilespmem:s7+$0xA0] =	vst v6;
	v1 =	vmul.f32 $1.131370830e+01, v1  }
0x27c: {  	v6 =	vld [tilespmem:s13+$0xFFFFFF20];
	[tilespmem:s7+$0xB0] =	vst v0;
	v0 =	vmul.f32 $1.131370830e+01, v2  }
0x27d: {  	v2 =	vld [tilespmem:s13+$0xFFFFFF30];
	[tilespmem:s7+$0xC0] =	vst v1;
	v1 =	vmul.f32 $1.131370830e+01, v3  }
0x27e: {  	v3 =	vld [tilespmem:s13+$0xFFFFFF40];
	v4 =	vmul.f32 $1.131370830e+01, v4;
	[tilespmem:s7+$0xD0] =	vst v0  }
0x27f: {  	v0 =	vld [tilespmem:s13+$0xFFFFFF50];
	v7 =	vmul.f32 $1.131370830e+01, v7;
	[tilespmem:s7+$0xE0] =	vst v1  }
0x280: {  	v1 =	vmul.f32 $1.131370830e+01, v5;
	v5 =	vld [tilespmem:s13+$0xFFFFFF60];
	[tilespmem:s7+$0xFFFFFF00] =	vst v4;
	s7 =	smov.u32 s13  }
0x281: {  	v4 =	vmul.f32 $1.131370830e+01, v6;
	v6 =	vld [tilespmem:s13+$0xFFFFFF70];
	[tilespmem:s13+$0xF0] =	vst v7  }
0x282: {  	[tilespmem:s13+$0xFFFFFF10] =	vst v1;
	v1 =	vmul.f32 $1.131370830e+01, v2;
	v2 =	vld [tilespmem:s13+$0xFFFFFF80]  }
0x283: {  	[tilespmem:s13+$0xFFFFFF20] =	vst v4;
	v3 =	vmul.f32 $1.131370830e+01, v3;
	v4 =	vld [tilespmem:s13+$0xFFFFFF90]  }
0x284: {  	[tilespmem:s13+$0xFFFFFF30] =	vst v1;
	v0 =	vmul.f32 $1.131370830e+01, v0;
	v1 =	vld [tilespmem:s13+$0xFFFFFFA0]  }
0x285: {  	[tilespmem:s13+$0xFFFFFF40] =	vst v3;
	v3 =	vmul.f32 $1.131370830e+01, v5;
	v5 =	vld [tilespmem:s13+$0xFFFFFFB0]  }
0x286: {  	[tilespmem:s13+$0xFFFFFF50] =	vst v0;
	v0 =	vmul.f32 $1.131370830e+01, v6;
	v6 =	vld [tilespmem:s13+$0xFFFFFFC0]  }
0x287: {  	[tilespmem:s13+$0xFFFFFF60] =	vst v3;
	v2 =	vmul.f32 $1.131370830e+01, v2;
	v3 =	vld [tilespmem:s13+$0xFFFFFFD0]  }
0x288: {  	[tilespmem:s13+$0xFFFFFF70] =	vst v0;
	v0 =	vmul.f32 $1.131370830e+01, v4;
	v4 =	vld [tilespmem:s13+$0xFFFFFFE0]  }
0x289: {  	[tilespmem:s13+$0xFFFFFF80] =	vst v2;
	v1 =	vmul.f32 $1.131370830e+01, v1;
	v2 =	vld [tilespmem:s13+$0xFFFFFFF0]  }
0x28a: {  	[tilespmem:s13+$0xFFFFFF90] =	vst v0;
	v0 =	vmul.f32 $1.131370830e+01, v5;
	v5 =	vld [tilespmem:s13+$0x0]  }
0x28b: {  	[tilespmem:s13+$0xFFFFFFA0] =	vst v1;
	v1 =	vmul.f32 $1.131370830e+01, v6;
	v6 =	vld [tilespmem:s13+$0x10]  }
0x28c: {  	[tilespmem:s13+$0xFFFFFFB0] =	vst v0;
	v0 =	vmul.f32 $1.131370830e+01, v3;
	v3 =	vld [tilespmem:s13+$0x20]  }
0x28d: {  	[tilespmem:s13+$0xFFFFFFC0] =	vst v1;
	v1 =	vmul.f32 $1.131370830e+01, v4;
	v4 =	vld [tilespmem:s13+$0x30]  }
0x28e: {  	[tilespmem:s13+$0xFFFFFFD0] =	vst v0;
	v0 =	vmul.f32 $1.131370830e+01, v2;
	v2 =	vld [tilespmem:s13+$0x40]  }
0x28f: {  	[tilespmem:s13+$0xFFFFFFE0] =	vst v1;
	v1 =	vmul.f32 $1.131370830e+01, v5;
	v5 =	vld [tilespmem:s13+$0x50]  }
0x290: {  	[tilespmem:s13+$0xFFFFFFF0] =	vst v0;
	v0 =	vmul.f32 $1.131370830e+01, v6;
	v6 =	vld [tilespmem:s13+$0x60]  }
0x291: {  	[tilespmem:s13+$0x0] =	vst v1;
	v1 =	vmul.f32 $1.131370830e+01, v3;
	v3 =	vld [tilespmem:s13+$0x70]  }
0x292: {  	[tilespmem:s13+$0x10] =	vst v0;
	v0 =	vmul.f32 $1.131370830e+01, v4;
	v4 =	vld [tilespmem:s13+$0x80]  }
0x293: {  	[tilespmem:s13+$0x20] =	vst v1;
	v1 =	vmul.f32 $1.131370830e+01, v2;
	v7 =	vld [tilespmem:s13+$0x90]  }
0x294: {  	[tilespmem:s13+$0x30] =	vst v0;
	v2 =	vmul.f32 $1.131370830e+01, v5;
	v8 =	vld [tilespmem:s13+$0xA0]  }
.Ltmp8:
0x295: {  	[tilespmem:s13+$0x40] =	vst v1;
	v5 =	vmul.f32 $1.131370830e+01, v6;
	v0 =	vld [tilespmem:s13+$0xB0];
	(pc) =	sbr.rel @p0 .LBB2_18-.Ltmp8, $4  }
0x296: {  	[tilespmem:s13+$0x50] =	vst v2;
	v3 =	vmul.f32 $1.131370830e+01, v3;
	v1 =	vld [tilespmem:s13+$0xC0]  }
0x297: {  	[tilespmem:s13+$0x60] =	vst v5;
	v6 =	vmul.f32 $1.131370830e+01, v4;
	v2 =	vld [tilespmem:s13+$0xD0]  }
0x298: {  	[tilespmem:s13+$0x70] =	vst v3;
	v5 =	vmul.f32 $1.131370830e+01, v7;
	v3 =	vld [tilespmem:s13+$0xE0]  }
0x299: {  	s13 =	sadd.s32 $0x200, s13;
	v4 =	vld [tilespmem:s7+$0xFFFFFF00];
	[tilespmem:s7+$0x80] =	vst v6;
	v6 =	vmul.f32 $1.131370830e+01, v8  }
0x29a: {  	[tilespmem:s7+$0x90] =	vst v5;
	v0 =	vmul.f32 $1.131370830e+01, v0  }
0x29b: {  	[tilespmem:s7+$0xA0] =	vst v6;
	v1 =	vmul.f32 $1.131370830e+01, v1  }
0x29c: {  	[tilespmem:s7+$0xB0] =	vst v0;
	v61 =	vmul.f32 $1.131370830e+01, v2  }
0x29d: {  	[tilespmem:s7+$0xC0] =	vst v1;
	v62 =	vmul.f32 $1.131370830e+01, v3  }
0x29e: {  	v63 =	vmul.f32 $1.131370830e+01, v4;
	[tilespmem:s7+$0xD0] =	vst v61  }
0x29f: {  	[tilespmem:s7+$0xE0] =	vst v62  }
0x2a0: {  	[tilespmem:s7+$0xFFFFFF00] =	vst v63  }
0x2a1: {  	s13 =	simm.s32 $0x9;
	s7 =	rddreg [dreg:$0x5]  }
0x2a2: {  	[hbm4b:s7+s4] =	stream.linear.scatter [tilespmem:s16], [sflag:$0x8], $0x4000, $0x38;
	[tilespmem:$0x1DC00] =	vst v63  }
0x2a3: {  	_ =	swait.ge [sflag:s13], $0x4000  }
0x2a4: {  	[sflag:s13] =	ssyncset.done $0x0  }
0x2a5: {  	s14 =	simm.s32 $0xA;
	[sflag:s13] =	ssyncadd.s32 $0xFFFFC000  }
0x2a6: {  	_ =	swait.ge [sflag:s14], $0x4000  }
0x2a7: {  	[sflag:s14] =	ssyncset.done $0x0  }
0x2a8: {  	s17 =	simm.s32 $0xB;
	[sflag:s14] =	ssyncadd.s32 $0xFFFFC000  }
0x2a9: {  	_ =	swait.ge [sflag:s17], $0x4000  }
0x2aa: {  	[sflag:s17] =	ssyncset.done $0x0  }
0x2ab: {  	s19 =	simm.s32 $0xC;
	[sflag:s17] =	ssyncadd.s32 $0xFFFFC000  }
0x2ac: {  	_ =	swait.ge [sflag:s19], $0x4000  }
0x2ad: {  	[sflag:s19] =	ssyncset.done $0x0  }
0x2ae: {  	s20 =	simm.s32 $0xD;
	[sflag:s19] =	ssyncadd.s32 $0xFFFFC000  }
0x2af: {  	_ =	swait.ge [sflag:s20], $0x4000  }
0x2b0: {  	[sflag:s20] =	ssyncset.done $0x0  }
0x2b1: {  	s21 =	simm.s32 $0xE;
	[sflag:s20] =	ssyncadd.s32 $0xFFFFC000  }
0x2b2: {  	_ =	swait.ge [sflag:s21], $0x4000  }
0x2b3: {  	[sflag:s21] =	ssyncset.done $0x0  }
0x2b4: {  	[sflag:s21] =	ssyncadd.s32 $0xFFFFC000  }
0x2b5: {  	_ =	swait.ge [sflag:s29], $0x4000  }
0x2b6: {  	s12 =	rddreg [dreg:$0x7]  }
0x2b7: {  	s22 =	rddreg [dreg:$0x6];
	s12 =	sadd.s32 $0x1, s12  }
0x2b8: {  	p0 =	sne.s32 s12, s22  }
.Ltmp9:
0x2b9: {  	_ = 	snop;
	(pc) =	sbr.rel @p0 .LBB2_1-.Ltmp9, $3  }
0x2ba: {  	_ =	sdelay $0x1  }
0x2bb: {  	[sflag:s29] =	ssyncset.done $0x0  }
0x2bc: {  	[sflag:s29] =	ssyncadd.s32 $0xFFFFC000  }
0x2bd: {  	_ =	sfence.sel $0x180000  }
0x2be: {  	[bflag:$0x0] =	sbarrier.arrive $0xFFFF  }
0x2bf: {  	_ =	strace $0x90000047  }
0x2c0: {  	s0 =	stileid.u32;
	[bflag:$0x2] =	sbarrier.arrive $0xFFFF  }
0x2c1: {  	p0 =	sne.s32 s0, $0x0;
	s0 =	rddreg [dreg:$0x3]  }
0x2c2: {  	s0 =	sadd.s32 @!p0 $0x100000, s0  }
0x2c3: {  	[sflag:s0] =	ssyncadd.tile.s32 @!p0 $0x1;
	_ =	shalt  }
.Lfunc_end2:
_tile_overlayer_lowered:
.L_overlay_start_2:
0x2c4: {  	(tag) =	ssettag $0x2  }
0x2c5: {  	s0 =	rddreg [dreg:$0x0];
	s2 =	stileid.u32  }
0x2c6: {  	s1 =	rddreg [dreg:$0x1];
	p0 =	sne.s32 s2, $0x0  }
0x2c7: {  	s3 =	rddreg [dreg:$0x2];
	[bflag:$0x3] =	sbarrier.arrive $0xFFFF;
	s2 =	simm.s32 @!p0 $0x1C0F  }
0x2c8: {  	[timem:s3], [sflag:s2] =	dma.local @!p0 [hbm:s0], s1  }
0x2c9: {  	s0 =	simm.s32 @!p0 $0xF  }
0x2ca: {  	_ =	swait.ge @!p0 [sflag:s0], s1  }
0x2cb: {  	s1 =	ssub.s32 @!p0 $0x0, s1;
	[sflag:s0] =	ssyncset.done @!p0 $0x0  }
0x2cc: {  	[sflag:s0] =	ssyncadd.s32 @!p0 s1  }
0x2cd: {  	[bflag:$0x3] =	sbarrier.arrive $0xFFFF  }
0x2ce: {  	_ =	shalt  }

</sc_bundles>
